<compile_context>
chip_gen: v7x
topology: tpu7x:2x2x1
jax: 0.10.2.dev20260603
libtpu: 0.0.44.dev20260713+nightly
codegen_flags: <defaults>
</compile_context>

<pallas_src>
import functools

import jax
import jax.numpy as jnp
import numpy as np
from jax import lax
from jax.experimental import pallas as pl
from jax.experimental.pallas import tpu as pltpu
from jax.experimental.pallas import tpu_sc as plsc

D = 16
NC = 2
NS = 16
NW = NC * NS
LANE_TILES = 4
FP = LANE_TILES * 8


def _make_gather(n_slots, c):
    per_w = n_slots // NW
    n_chunks = per_w // c
    mesh = plsc.VectorSubcoreMesh(core_axis_name="c", subcore_axis_name="s")

    @functools.partial(
        pl.kernel,
        mesh=mesh,
        compiler_params=pltpu.CompilerParams(use_tc_tiling_on_sc=False),
        out_type=[
            jax.ShapeDtypeStruct((n_slots, D), jnp.float32),
            jax.ShapeDtypeStruct((n_slots, D), jnp.float32),
        ],
        scratch_types=[
            pltpu.VMEM((c,), jnp.int32),
            pltpu.VMEM((c,), jnp.int32),
            pltpu.VMEM((c, D), jnp.float32),
            pltpu.VMEM((c, D), jnp.float32),
            pltpu.VMEM((c, D), jnp.float32),
            pltpu.VMEM((c, D), jnp.float32),
            pltpu.SemaphoreType.DMA,
            pltpu.SemaphoreType.DMA,
            pltpu.SemaphoreType.DMA,
            pltpu.SemaphoreType.DMA,
        ],
    )
    def gather_k(idx_hbm, deep_hbm, wide_hbm, deep_out, wide_out,
                 i0, i1, d0, d1, w0, w1, sd0, sd1, sw0, sw1):
        wid = lax.axis_index("s") * NC + lax.axis_index("c")
        base = wid * per_w
        r_per_chunk = c // 1024
        ibufs = (i0, i1)
        dbufs = (d0, d1)
        wbufs = (w0, w1)
        sds = (sd0, sd1)
        sws = (sw0, sw1)
        handles = [None, None]

        def fire(g):
            b = g & 1
            off = base + g * c
            pltpu.sync_copy(idx_hbm.at[pl.ds(off, c)], ibufs[b])
            hd = pltpu.async_copy(deep_hbm.at[ibufs[b]], dbufs[b], sds[b])
            hw = pltpu.async_copy(wide_hbm.at[ibufs[b]], wbufs[b], sws[b])
            handles[b] = (hd, hw)

        fire(0)
        for g in range(n_chunks):
            if g + 1 < n_chunks:
                fire(g + 1)
            hd, hw = handles[g & 1]
            hd.wait()
            hw.wait()
            off = base + g * c
            pltpu.sync_copy(dbufs[g & 1], deep_out.at[pl.ds(off, c)])
            pltpu.sync_copy(wbufs[g & 1], wide_out.at[pl.ds(off, c)])

    return gather_k


RL_LANES = 4096


def _relayout_body(t_r, e_r, o_r):
    x = t_r[...]
    y = jnp.concatenate([x[:, u * 512:(u + 1) * 512] for u in range(8)],
                        axis=0)
    o_r[...] = lax.dot_general(
        y, e_r[...], (((0,), (0,)), ((), ())),
        preferred_element_type=jnp.float32)


def _relayout(table_t, eye8):
    d, v = table_t.shape
    grid = ((v + RL_LANES - 1) // RL_LANES,)
    rows = RL_LANES * d // 128
    return pl.pallas_call(
        _relayout_body,
        grid=grid,
        in_specs=[
            pl.BlockSpec((d, RL_LANES), lambda g: (0, g)),
            pl.BlockSpec((128, 128), lambda g: (0, 0)),
        ],
        out_specs=pl.BlockSpec((rows, 128), lambda g: (g, 0)),
        out_shape=jax.ShapeDtypeStruct((grid[0] * rows, 128), jnp.float32),
    )(table_t, eye8)


def _swizzle(r):
    rl = r & (RL_LANES - 1)
    return (r & ~(RL_LANES - 1)) | ((rl & 511) << 3) | (rl >> 9)


def _softplus(x):
    return jnp.maximum(x, 0.0) + jnp.log1p(jnp.exp(-jnp.abs(x)))


def _dense_body(de, we, g_r, bt_r, w1_r, b1_r, w2_r, b2_r, wh1_r, bh1_r,
                wh2_r, bh2_r, ww_r, prop_o, k_o, l_o, wide_o):
    bbr = de.shape[0]
    bb = bbr * 8
    inn = 416.0
    ej = [de[:, j].reshape(bb, 128) for j in range(LANE_TILES)]
    wj = [we[:, j].reshape(bb, 128) for j in range(LANE_TILES)]
    lane = lax.broadcasted_iota(jnp.int32, (bb, 128), 1)
    m3 = (lane < 32).astype(jnp.float32)

    s = (jnp.sum(ej[0], axis=-1, keepdims=True)
         + jnp.sum(ej[1], axis=-1, keepdims=True)
         + jnp.sum(ej[2], axis=-1, keepdims=True)
         + jnp.sum(ej[3] * m3, axis=-1, keepdims=True))
    mu = s / inn
    v = (jnp.sum((ej[0] - mu) ** 2, axis=-1, keepdims=True)
         + jnp.sum((ej[1] - mu) ** 2, axis=-1, keepdims=True)
         + jnp.sum((ej[2] - mu) ** 2, axis=-1, keepdims=True)
         + jnp.sum(((ej[3] - mu) ** 2) * m3, axis=-1, keepdims=True))
    var = v / inn
    rstd = 1.0 / jnp.sqrt(var + 1e-5)

    h = b1_r[...]
    wide = jnp.zeros((bb, 1), jnp.float32)
    for j in range(LANE_TILES):
        hj = (ej[j] - mu) * rstd * g_r[j] + bt_r[j]
        h = h + jnp.dot(hj, w1_r[j], preferred_element_type=jnp.float32)
        wide = wide + jnp.sum(wj[j] * ww_r[j], axis=-1, keepdims=True)
    h = jnp.maximum(h, 0.0)
    h = jnp.maximum(jnp.dot(h, w2_r[...], preferred_element_type=jnp.float32)
                    + b2_r[...], 0.0)
    h3 = jnp.maximum(jnp.dot(h, wh1_r[...], preferred_element_type=jnp.float32)
                     + bh1_r[...], 0.0)
    out3 = jnp.dot(h3, wh2_r[...], preferred_element_type=jnp.float32) + bh2_r[...]
    prop_o[...] = jax.nn.sigmoid(out3[:, 0:1])
    k_o[...] = jnp.maximum(_softplus(out3[:, 1:2]), 0.01)
    l_o[...] = jnp.maximum(_softplus(out3[:, 2:3]), 0.01)
    wide_o[...] = wide


def _dense_call(deep4, wide4, g4, bt4, W1p, b1, W2, b2,
                Wh1, bh1, Wh2, bh2, Wwp, bb):
    nr = deep4.shape[0]
    b = nr * 8
    bbr = bb // 8
    grid = (b // bb,)

    def full(shape):
        return pl.BlockSpec(shape, lambda i: tuple(0 for _ in shape))

    return pl.pallas_call(
        _dense_body,
        grid=grid,
        in_specs=[
            pl.BlockSpec((bbr, LANE_TILES, 8, 128), lambda i: (i, 0, 0, 0)),
            pl.BlockSpec((bbr, LANE_TILES, 8, 128), lambda i: (i, 0, 0, 0)),
            full((LANE_TILES, 128)), full((LANE_TILES, 128)),
            full((LANE_TILES, 128, 512)), full((512,)),
            full((512, 256)), full((256,)),
            full((256, 384)), full((384,)),
            full((384, 3)), full((3,)),
            full((LANE_TILES, 128)),
        ],
        out_specs=[
            pl.BlockSpec((bb, 1), lambda i: (i, 0)),
            pl.BlockSpec((bb, 1), lambda i: (i, 0)),
            pl.BlockSpec((bb, 1), lambda i: (i, 0)),
            pl.BlockSpec((bb, 1), lambda i: (i, 0)),
        ],
        out_shape=[jax.ShapeDtypeStruct((b, 1), jnp.float32)] * 4,
    )(deep4, wide4, g4, bt4, W1p, b1, W2, b2, Wh1, bh1, Wh2, bh2, Wwp)


def kernel(x, deep_table, wide_table, ln_gamma, ln_beta, W1, b1, W2, b2,
           Wp1, bp1, Wp2, bp2, Wk1, bk1, Wk2, bk2, Wl1, bl1, Wl2, bl2, Wwide):
    b, f = x.shape
    inn = f * D
    padl = LANE_TILES * 128 - inn
    xpad = jnp.concatenate([x, x[:, : FP - f]], axis=1)
    pidx = _swizzle(xpad.reshape(b // 8, 8, LANE_TILES, 8)
                    .transpose(0, 2, 1, 3).reshape(-1))
    n_slots = b * FP

    eye = jnp.eye(128, dtype=jnp.float32)
    deep_img = _relayout(deep_table.T, eye)
    wide_img = _relayout(wide_table.T, eye)
    v_pad = deep_img.shape[0] * 128 // D
    deep_lin = deep_img.reshape(v_pad, D)
    wide_lin = wide_img.reshape(v_pad, D)

    gather = _make_gather(n_slots, 1024)
    deep2, wide2 = gather(pidx, deep_lin, wide_lin)
    deep4 = deep2.reshape(b // 8, LANE_TILES, 8, 128)
    wide4 = wide2.reshape(b // 8, LANE_TILES, 8, 128)

    W1p = jnp.pad(W1, ((0, padl), (0, 0))).reshape(LANE_TILES, 128, 512)
    Wwp = jnp.pad(Wwide[:, 0], (0, padl)).reshape(LANE_TILES, 128)
    g4 = jnp.pad(ln_gamma, (0, padl)).reshape(LANE_TILES, 128)
    bt4 = jnp.pad(ln_beta, (0, padl)).reshape(LANE_TILES, 128)

    Wh1 = jnp.concatenate([Wp1, Wk1, Wl1], axis=1)
    bh1 = jnp.concatenate([bp1, bk1, bl1], axis=0)
    z = jnp.zeros((128, 1), jnp.float32)
    Wh2 = jnp.concatenate([
        jnp.concatenate([Wp2, z, z], axis=1),
        jnp.concatenate([z, Wk2, z], axis=1),
        jnp.concatenate([z, z, Wl2], axis=1),
    ], axis=0)
    bh2 = jnp.concatenate([bp2, bk2, bl2], axis=0)

    prop, k_p, l_p, wide = _dense_call(
        deep4, wide4, g4, bt4, W1p, b1, W2, b2,
        Wh1, bh1, Wh2, bh2, Wwp, 512)
    return (prop, k_p, l_p, wide)

# --- scband reference (transcript-rebuilt; emitter-appended) ---
"""Pipeline reference for scband-delfwide-deep-86955907875149 (READ-ONLY COPY).

The authoritative reference and input builder live on the scoring server;
editing this copy changes nothing except your own understanding.
"""

import jax, jax.numpy as jnp
import numpy as np

B = 16384
F = 26
V = 1000000
D = 16
IN = F * D  # 416


def setup_inputs(seed: int = 0) -> dict:
    key = jax.random.key(seed)
    ks = jax.random.split(key, 16)

    def dense(k, fan_in, fan_out):
        return jax.random.normal(k, (fan_in, fan_out), dtype=jnp.float32) * (1.0 / np.sqrt(fan_in))

    inp = {}
    inp["x"] = jax.random.randint(ks[0], (B, F), 0, V, dtype=jnp.int32)
    # EmbeddingSumConcat tables, NormalTensorInitializer(var=0.01) -> std 0.1
    inp["deep_table"] = jax.random.normal(ks[1], (V, D), dtype=jnp.float32) * 0.1
    inp["wide_table"] = jax.random.normal(ks[2], (V, D), dtype=jnp.float32) * 0.1
    # shared_dnn input_norm (layer norm) params
    inp["ln_gamma"] = jnp.ones((IN,), jnp.float32)
    inp["ln_beta"] = jnp.zeros((IN,), jnp.float32)
    # shared_dnn hidden_units[:-1] = [512, 256]
    inp["W1"] = dense(ks[3], IN, 512); inp["b1"] = jnp.zeros((512,), jnp.float32)
    inp["W2"] = dense(ks[4], 512, 256); inp["b2"] = jnp.zeros((256,), jnp.float32)
    # propensity head: 256 -> 128 -> 1
    inp["Wp1"] = dense(ks[5], 256, 128); inp["bp1"] = jnp.zeros((128,), jnp.float32)
    inp["Wp2"] = dense(ks[6], 128, 1); inp["bp2"] = jnp.zeros((1,), jnp.float32)
    # time_k head: 256 -> 128 -> 1 (Softplus)
    inp["Wk1"] = dense(ks[7], 256, 128); inp["bk1"] = jnp.zeros((128,), jnp.float32)
    inp["Wk2"] = dense(ks[8], 128, 1); inp["bk2"] = jnp.zeros((1,), jnp.float32)
    # time_lambda head: 256 -> 128 -> 1 (Softplus)
    inp["Wl1"] = dense(ks[9], 256, 128); inp["bl1"] = jnp.zeros((128,), jnp.float32)
    inp["Wl2"] = dense(ks[10], 128, 1); inp["bl2"] = jnp.zeros((1,), jnp.float32)
    # wide linear over concatenated wide embeddings (bias=False)
    inp["Wwide"] = dense(ks[11], IN, 1)
    return inp


def reference(x, deep_table, wide_table, ln_gamma, ln_beta, W1, b1, W2, b2, Wp1, bp1, Wp2, bp2, Wk1, bk1, Wk2, bk2, Wl1, bl1, Wl2, bl2, Wwide):
    Bx = x.shape[0]
    # EmbeddingSumConcat: per-field lookup, concat over fields -> [B, F*D]
    deep_emb = jnp.take(deep_table, x, axis=0).reshape(Bx, -1)
    wide_emb = jnp.take(wide_table, x, axis=0).reshape(Bx, -1)
    # shared_dnn with input_norm
    mu = jnp.mean(deep_emb, axis=-1, keepdims=True)
    var = jnp.var(deep_emb, axis=-1, keepdims=True)
    h = (deep_emb - mu) / jnp.sqrt(var + 1e-5) * ln_gamma + ln_beta
    h = jax.nn.relu(h @ W1 + b1)
    h = jax.nn.relu(h @ W2 + b2)
    # heads
    prop = jax.nn.relu(h @ Wp1 + bp1) @ Wp2 + bp2
    kraw = jax.nn.softplus(jax.nn.relu(h @ Wk1 + bk1) @ Wk2 + bk2)
    lraw = jax.nn.softplus(jax.nn.relu(h @ Wl1 + bl1) @ Wl2 + bl2)
    # wide branch (intended WideDeep wide contribution)
    wide_contribution = wide_emb @ Wwide
    propensity_prob = jax.nn.sigmoid(prop)
    k_param = jnp.maximum(kraw, 0.01)
    lambda_param = jnp.maximum(lraw, 0.01)
    return (propensity_prob, k_param, lambda_param, wide_contribution)

if __name__ == "__main__":
    import jax
    _d = setup_inputs()
    print(jax.jit(kernel)(*tuple(_d.values())))

</pallas_src>

<mosaic_0001>
#map = affine_map<(d0, d1) -> (0)>
#map1 = affine_map<(d0, d1) -> (0, 0)>
module attributes {stable_mosaic.version = 14 : i64} {
  func.func @gather_k(%arg0: i32, %arg1: i32, %arg2: memref<524288xi32, #tpu.memory_space<hbm>>, %arg3: memref<1003520x16xf32, #tpu.memory_space<hbm>>, %arg4: memref<1003520x16xf32, #tpu.memory_space<hbm>>, %arg5: memref<524288x16xf32, #tpu.memory_space<hbm>>, %arg6: memref<524288x16xf32, #tpu.memory_space<hbm>>, %arg7: memref<1024xi32, #tpu.memory_space<vmem>>, %arg8: memref<1024xi32, #tpu.memory_space<vmem>>, %arg9: memref<1024x16xf32, #tpu.memory_space<vmem>>, %arg10: memref<1024x16xf32, #tpu.memory_space<vmem>>, %arg11: memref<1024x16xf32, #tpu.memory_space<vmem>>, %arg12: memref<1024x16xf32, #tpu.memory_space<vmem>>, %arg13: memref<!tpu.dma_semaphore, #tpu.memory_space<semaphore_mem>>, %arg14: memref<!tpu.dma_semaphore, #tpu.memory_space<semaphore_mem>>, %arg15: memref<!tpu.dma_semaphore, #tpu.memory_space<semaphore_mem>>, %arg16: memref<!tpu.dma_semaphore, #tpu.memory_space<semaphore_mem>>) attributes {dimension_semantics = [#tpu.dimension_semantics<core_parallel>, #tpu.dimension_semantics<subcore_parallel>], iteration_bounds = array<i64: 2, 16>, scalar_prefetch = 0 : i64, scratch_operands = 10 : i64, tpu.core_type = #tpu.core_type<sc_vector_subcore>, window_params = [{transform_indices = #map}, {transform_indices = #map1}, {transform_indices = #map1}, {transform_indices = #map1}, {transform_indices = #map1}]} {
    %mul3A = arith.constant 2 : i32
    %mul3A_0 = arith.muli %arg1, %mul3A : i32
    %add3A = arith.addi %mul3A_0, %arg0 : i32
    %mul3A_1 = arith.constant 16384 : i32
    %mul3A_2 = arith.muli %add3A, %mul3A_1 : i32
    %add3A_3 = arith.constant 0 : i32
    %add3A_4 = arith.addi %mul3A_2, %add3A_3 : i32
    "tpu.region"() ({
      %run_scoped3A = tpu.sem_alloc : memref<!tpu.dma_semaphore, #tpu.memory_space<semaphore_mem>>
      %dma_start3A_257 = tpu.memref_slice %arg2[%add3A_4] : memref<524288xi32, #tpu.memory_space<hbm>> -> memref<1024xi32, #tpu.memory_space<hbm>>
      %dma_start3A_258 = tpu.memref_slice %arg2[%add3A_4] : memref<524288xi32, #tpu.memory_space<hbm>> -> memref<1024xi32, #tpu.memory_space<hbm>>
      tpu.enqueue_dma source(%dma_start3A_258 : memref<1024xi32, #tpu.memory_space<hbm>>) target(%arg7 : memref<1024xi32, #tpu.memory_space<vmem>>) target_semaphore(%run_scoped3A : memref<!tpu.dma_semaphore, #tpu.memory_space<semaphore_mem>>)
      %dma_wait3A_259 = tpu.memref_slice %arg2[%add3A_4] : memref<524288xi32, #tpu.memory_space<hbm>> -> memref<1024xi32, #tpu.memory_space<hbm>>
      %dma_wait3A_260 = tpu.memref_slice %arg2[%add3A_4] : memref<524288xi32, #tpu.memory_space<hbm>> -> memref<1024xi32, #tpu.memory_space<hbm>>
      tpu.wait_dma2 semaphore(%run_scoped3A : memref<!tpu.dma_semaphore, #tpu.memory_space<semaphore_mem>>) src(%dma_wait3A_260 : memref<1024xi32, #tpu.memory_space<hbm>>) dst(%arg7 : memref<1024xi32, #tpu.memory_space<vmem>>)
      tpu.yield
    }) : () -> ()
    %dma_start3A = arith.constant 0 : i32
    %dma_start3A_5 = arith.constant 0 : i32
    %dma_start3A_6 = tpu.memref_slice %arg3[%dma_start3A, %dma_start3A_5] : memref<1003520x16xf32, #tpu.memory_space<hbm>> -> memref<1003520x16xf32, #tpu.memory_space<hbm>>
    tpu.enqueue_indirect_dma source(%dma_start3A_6 : memref<1003520x16xf32, #tpu.memory_space<hbm>>) target(%arg9 : memref<1024x16xf32, #tpu.memory_space<vmem>>) offsets(%arg7 : memref<1024xi32, #tpu.memory_space<vmem>>) semaphore(%arg13 : memref<!tpu.dma_semaphore, #tpu.memory_space<semaphore_mem>>)
    %dma_start3A_7 = arith.constant 0 : i32
    %dma_start3A_8 = arith.constant 0 : i32
    %dma_start3A_9 = tpu.memref_slice %arg4[%dma_start3A_7, %dma_start3A_8] : memref<1003520x16xf32, #tpu.memory_space<hbm>> -> memref<1003520x16xf32, #tpu.memory_space<hbm>>
    tpu.enqueue_indirect_dma source(%dma_start3A_9 : memref<1003520x16xf32, #tpu.memory_space<hbm>>) target(%arg11 : memref<1024x16xf32, #tpu.memory_space<vmem>>) offsets(%arg7 : memref<1024xi32, #tpu.memory_space<vmem>>) semaphore(%arg15 : memref<!tpu.dma_semaphore, #tpu.memory_space<semaphore_mem>>)
    %add3A_10 = arith.constant 1024 : i32
    %add3A_11 = arith.addi %mul3A_2, %add3A_10 : i32
    "tpu.region"() ({
      %run_scoped3A = tpu.sem_alloc : memref<!tpu.dma_semaphore, #tpu.memory_space<semaphore_mem>>
      %dma_start3A_257 = tpu.memref_slice %arg2[%add3A_11] : memref<524288xi32, #tpu.memory_space<hbm>> -> memref<1024xi32, #tpu.memory_space<hbm>>
      %dma_start3A_258 = tpu.memref_slice %arg2[%add3A_11] : memref<524288xi32, #tpu.memory_space<hbm>> -> memref<1024xi32, #tpu.memory_space<hbm>>
      tpu.enqueue_dma source(%dma_start3A_258 : memref<1024xi32, #tpu.memory_space<hbm>>) target(%arg8 : memref<1024xi32, #tpu.memory_space<vmem>>) target_semaphore(%run_scoped3A : memref<!tpu.dma_semaphore, #tpu.memory_space<semaphore_mem>>)
      %dma_wait3A_259 = tpu.memref_slice %arg2[%add3A_11] : memref<524288xi32, #tpu.memory_space<hbm>> -> memref<1024xi32, #tpu.memory_space<hbm>>
      %dma_wait3A_260 = tpu.memref_slice %arg2[%add3A_11] : memref<524288xi32, #tpu.memory_space<hbm>> -> memref<1024xi32, #tpu.memory_space<hbm>>
      tpu.wait_dma2 semaphore(%run_scoped3A : memref<!tpu.dma_semaphore, #tpu.memory_space<semaphore_mem>>) src(%dma_wait3A_260 : memref<1024xi32, #tpu.memory_space<hbm>>) dst(%arg8 : memref<1024xi32, #tpu.memory_space<vmem>>)
      tpu.yield
    }) : () -> ()
    %dma_start3A_12 = arith.constant 0 : i32
    %dma_start3A_13 = arith.constant 0 : i32
    %dma_start3A_14 = tpu.memref_slice %arg3[%dma_start3A_12, %dma_start3A_13] : memref<1003520x16xf32, #tpu.memory_space<hbm>> -> memref<1003520x16xf32, #tpu.memory_space<hbm>>
    tpu.enqueue_indirect_dma source(%dma_start3A_14 : memref<1003520x16xf32, #tpu.memory_space<hbm>>) target(%arg10 : memref<1024x16xf32, #tpu.memory_space<vmem>>) offsets(%arg8 : memref<1024xi32, #tpu.memory_space<vmem>>) semaphore(%arg14 : memref<!tpu.dma_semaphore, #tpu.memory_space<semaphore_mem>>)
    %dma_start3A_15 = arith.constant 0 : i32
    %dma_start3A_16 = arith.constant 0 : i32
    %dma_start3A_17 = tpu.memref_slice %arg4[%dma_start3A_15, %dma_start3A_16] : memref<1003520x16xf32, #tpu.memory_space<hbm>> -> memref<1003520x16xf32, #tpu.memory_space<hbm>>
    tpu.enqueue_indirect_dma source(%dma_start3A_17 : memref<1003520x16xf32, #tpu.memory_space<hbm>>) target(%arg12 : memref<1024x16xf32, #tpu.memory_space<vmem>>) offsets(%arg8 : memref<1024xi32, #tpu.memory_space<vmem>>) semaphore(%arg16 : memref<!tpu.dma_semaphore, #tpu.memory_space<semaphore_mem>>)
    %dma_wait3A = arith.constant 0 : i32
    %dma_wait3A_18 = arith.constant 0 : i32
    %dma_wait3A_19 = tpu.memref_slice %arg3[%dma_wait3A, %dma_wait3A_18] : memref<1003520x16xf32, #tpu.memory_space<hbm>> -> memref<1003520x16xf32, #tpu.memory_space<hbm>>
    tpu.wait_indirect_dma semaphore(%arg13 : memref<!tpu.dma_semaphore, #tpu.memory_space<semaphore_mem>>) src(%dma_wait3A_19 : memref<1003520x16xf32, #tpu.memory_space<hbm>>) dst(%arg9 : memref<1024x16xf32, #tpu.memory_space<vmem>>)
    %dma_wait3A_20 = arith.constant 0 : i32
    %dma_wait3A_21 = arith.constant 0 : i32
    %dma_wait3A_22 = tpu.memref_slice %arg4[%dma_wait3A_20, %dma_wait3A_21] : memref<1003520x16xf32, #tpu.memory_space<hbm>> -> memref<1003520x16xf32, #tpu.memory_space<hbm>>
    tpu.wait_indirect_dma semaphore(%arg15 : memref<!tpu.dma_semaphore, #tpu.memory_space<semaphore_mem>>) src(%dma_wait3A_22 : memref<1003520x16xf32, #tpu.memory_space<hbm>>) dst(%arg11 : memref<1024x16xf32, #tpu.memory_space<vmem>>)
    %add3A_23 = arith.constant 0 : i32
    %add3A_24 = arith.addi %mul3A_2, %add3A_23 : i32
    "tpu.region"() ({
      %run_scoped3A = tpu.sem_alloc : memref<!tpu.dma_semaphore, #tpu.memory_space<semaphore_mem>>
      %dma_start3A_257 = arith.constant 0 : i32
      %dma_start3A_258 = tpu.memref_slice %arg5[%add3A_24, %dma_start3A_257] : memref<524288x16xf32, #tpu.memory_space<hbm>> -> memref<1024x16xf32, #tpu.memory_space<hbm>>
      %dma_start3A_259 = arith.constant 0 : i32
      %dma_start3A_260 = tpu.memref_slice %arg5[%add3A_24, %dma_start3A_259] : memref<524288x16xf32, #tpu.memory_space<hbm>> -> memref<1024x16xf32, #tpu.memory_space<hbm>>
      tpu.enqueue_dma source(%arg9 : memref<1024x16xf32, #tpu.memory_space<vmem>>) target(%dma_start3A_260 : memref<1024x16xf32, #tpu.memory_space<hbm>>) target_semaphore(%run_scoped3A : memref<!tpu.dma_semaphore, #tpu.memory_space<semaphore_mem>>)
      %dma_wait3A_261 = arith.constant 0 : i32
      %dma_wait3A_262 = tpu.memref_slice %arg5[%add3A_24, %dma_wait3A_261] : memref<524288x16xf32, #tpu.memory_space<hbm>> -> memref<1024x16xf32, #tpu.memory_space<hbm>>
      %dma_wait3A_263 = arith.constant 0 : i32
      %dma_wait3A_264 = tpu.memref_slice %arg5[%add3A_24, %dma_wait3A_263] : memref<524288x16xf32, #tpu.memory_space<hbm>> -> memref<1024x16xf32, #tpu.memory_space<hbm>>
      tpu.wait_dma2 semaphore(%run_scoped3A : memref<!tpu.dma_semaphore, #tpu.memory_space<semaphore_mem>>) src(%arg9 : memref<1024x16xf32, #tpu.memory_space<vmem>>) dst(%dma_wait3A_264 : memref<1024x16xf32, #tpu.memory_space<hbm>>)
      tpu.yield
    }) : () -> ()
    "tpu.region"() ({
      %run_scoped3A = tpu.sem_alloc : memref<!tpu.dma_semaphore, #tpu.memory_space<semaphore_mem>>
      %dma_start3A_257 = arith.constant 0 : i32
      %dma_start3A_258 = tpu.memref_slice %arg6[%add3A_24, %dma_start3A_257] : memref<524288x16xf32, #tpu.memory_space<hbm>> -> memref<1024x16xf32, #tpu.memory_space<hbm>>
      %dma_start3A_259 = arith.constant 0 : i32
      %dma_start3A_260 = tpu.memref_slice %arg6[%add3A_24, %dma_start3A_259] : memref<524288x16xf32, #tpu.memory_space<hbm>> -> memref<1024x16xf32, #tpu.memory_space<hbm>>
      tpu.enqueue_dma source(%arg11 : memref<1024x16xf32, #tpu.memory_space<vmem>>) target(%dma_start3A_260 : memref<1024x16xf32, #tpu.memory_space<hbm>>) target_semaphore(%run_scoped3A : memref<!tpu.dma_semaphore, #tpu.memory_space<semaphore_mem>>)
      %dma_wait3A_261 = arith.constant 0 : i32
      %dma_wait3A_262 = tpu.memref_slice %arg6[%add3A_24, %dma_wait3A_261] : memref<524288x16xf32, #tpu.memory_space<hbm>> -> memref<1024x16xf32, #tpu.memory_space<hbm>>
      %dma_wait3A_263 = arith.constant 0 : i32
      %dma_wait3A_264 = tpu.memref_slice %arg6[%add3A_24, %dma_wait3A_263] : memref<524288x16xf32, #tpu.memory_space<hbm>> -> memref<1024x16xf32, #tpu.memory_space<hbm>>
      tpu.wait_dma2 semaphore(%run_scoped3A : memref<!tpu.dma_semaphore, #tpu.memory_space<semaphore_mem>>) src(%arg11 : memref<1024x16xf32, #tpu.memory_space<vmem>>) dst(%dma_wait3A_264 : memref<1024x16xf32, #tpu.memory_space<hbm>>)
      tpu.yield
    }) : () -> ()
    %add3A_25 = arith.constant 2048 : i32
    %add3A_26 = arith.addi %mul3A_2, %add3A_25 : i32
    "tpu.region"() ({
      %run_scoped3A = tpu.sem_alloc : memref<!tpu.dma_semaphore, #tpu.memory_space<semaphore_mem>>
      %dma_start3A_257 = tpu.memref_slice %arg2[%add3A_26] : memref<524288xi32, #tpu.memory_space<hbm>> -> memref<1024xi32, #tpu.memory_space<hbm>>
      %dma_start3A_258 = tpu.memref_slice %arg2[%add3A_26] : memref<524288xi32, #tpu.memory_space<hbm>> -> memref<1024xi32, #tpu.memory_space<hbm>>
      tpu.enqueue_dma source(%dma_start3A_258 : memref<1024xi32, #tpu.memory_space<hbm>>) target(%arg7 : memref<1024xi32, #tpu.memory_space<vmem>>) target_semaphore(%run_scoped3A : memref<!tpu.dma_semaphore, #tpu.memory_space<semaphore_mem>>)
      %dma_wait3A_259 = tpu.memref_slice %arg2[%add3A_26] : memref<524288xi32, #tpu.memory_space<hbm>> -> memref<1024xi32, #tpu.memory_space<hbm>>
      %dma_wait3A_260 = tpu.memref_slice %arg2[%add3A_26] : memref<524288xi32, #tpu.memory_space<hbm>> -> memref<1024xi32, #tpu.memory_space<hbm>>
      tpu.wait_dma2 semaphore(%run_scoped3A : memref<!tpu.dma_semaphore, #tpu.memory_space<semaphore_mem>>) src(%dma_wait3A_260 : memref<1024xi32, #tpu.memory_space<hbm>>) dst(%arg7 : memref<1024xi32, #tpu.memory_space<vmem>>)
      tpu.yield
    }) : () -> ()
    %dma_start3A_27 = arith.constant 0 : i32
    %dma_start3A_28 = arith.constant 0 : i32
    %dma_start3A_29 = tpu.memref_slice %arg3[%dma_start3A_27, %dma_start3A_28] : memref<1003520x16xf32, #tpu.memory_space<hbm>> -> memref<1003520x16xf32, #tpu.memory_space<hbm>>
    tpu.enqueue_indirect_dma source(%dma_start3A_29 : memref<1003520x16xf32, #tpu.memory_space<hbm>>) target(%arg9 : memref<1024x16xf32, #tpu.memory_space<vmem>>) offsets(%arg7 : memref<1024xi32, #tpu.memory_space<vmem>>) semaphore(%arg13 : memref<!tpu.dma_semaphore, #tpu.memory_space<semaphore_mem>>)
    %dma_start3A_30 = arith.constant 0 : i32
    %dma_start3A_31 = arith.constant 0 : i32
    %dma_start3A_32 = tpu.memref_slice %arg4[%dma_start3A_30, %dma_start3A_31] : memref<1003520x16xf32, #tpu.memory_space<hbm>> -> memref<1003520x16xf32, #tpu.memory_space<hbm>>
    tpu.enqueue_indirect_dma source(%dma_start3A_32 : memref<1003520x16xf32, #tpu.memory_space<hbm>>) target(%arg11 : memref<1024x16xf32, #tpu.memory_space<vmem>>) offsets(%arg7 : memref<1024xi32, #tpu.memory_space<vmem>>) semaphore(%arg15 : memref<!tpu.dma_semaphore, #tpu.memory_space<semaphore_mem>>)
    %dma_wait3A_33 = arith.constant 0 : i32
    %dma_wait3A_34 = arith.constant 0 : i32
    %dma_wait3A_35 = tpu.memref_slice %arg3[%dma_wait3A_33, %dma_wait3A_34] : memref<1003520x16xf32, #tpu.memory_space<hbm>> -> memref<1003520x16xf32, #tpu.memory_space<hbm>>
    tpu.wait_indirect_dma semaphore(%arg14 : memref<!tpu.dma_semaphore, #tpu.memory_space<semaphore_mem>>) src(%dma_wait3A_35 : memref<1003520x16xf32, #tpu.memory_space<hbm>>) dst(%arg10 : memref<1024x16xf32, #tpu.memory_space<vmem>>)
    %dma_wait3A_36 = arith.constant 0 : i32
    %dma_wait3A_37 = arith.constant 0 : i32
    %dma_wait3A_38 = tpu.memref_slice %arg4[%dma_wait3A_36, %dma_wait3A_37] : memref<1003520x16xf32, #tpu.memory_space<hbm>> -> memref<1003520x16xf32, #tpu.memory_space<hbm>>
    tpu.wait_indirect_dma semaphore(%arg16 : memref<!tpu.dma_semaphore, #tpu.memory_space<semaphore_mem>>) src(%dma_wait3A_38 : memref<1003520x16xf32, #tpu.memory_space<hbm>>) dst(%arg12 : memref<1024x16xf32, #tpu.memory_space<vmem>>)
    %add3A_39 = arith.constant 1024 : i32
    %add3A_40 = arith.addi %mul3A_2, %add3A_39 : i32
    "tpu.region"() ({
      %run_scoped3A = tpu.sem_alloc : memref<!tpu.dma_semaphore, #tpu.memory_space<semaphore_mem>>
      %dma_start3A_257 = arith.constant 0 : i32
      %dma_start3A_258 = tpu.memref_slice %arg5[%add3A_40, %dma_start3A_257] : memref<524288x16xf32, #tpu.memory_space<hbm>> -> memref<1024x16xf32, #tpu.memory_space<hbm>>
      %dma_start3A_259 = arith.constant 0 : i32
      %dma_start3A_260 = tpu.memref_slice %arg5[%add3A_40, %dma_start3A_259] : memref<524288x16xf32, #tpu.memory_space<hbm>> -> memref<1024x16xf32, #tpu.memory_space<hbm>>
      tpu.enqueue_dma source(%arg10 : memref<1024x16xf32, #tpu.memory_space<vmem>>) target(%dma_start3A_260 : memref<1024x16xf32, #tpu.memory_space<hbm>>) target_semaphore(%run_scoped3A : memref<!tpu.dma_semaphore, #tpu.memory_space<semaphore_mem>>)
      %dma_wait3A_261 = arith.constant 0 : i32
      %dma_wait3A_262 = tpu.memref_slice %arg5[%add3A_40, %dma_wait3A_261] : memref<524288x16xf32, #tpu.memory_space<hbm>> -> memref<1024x16xf32, #tpu.memory_space<hbm>>
      %dma_wait3A_263 = arith.constant 0 : i32
      %dma_wait3A_264 = tpu.memref_slice %arg5[%add3A_40, %dma_wait3A_263] : memref<524288x16xf32, #tpu.memory_space<hbm>> -> memref<1024x16xf32, #tpu.memory_space<hbm>>
      tpu.wait_dma2 semaphore(%run_scoped3A : memref<!tpu.dma_semaphore, #tpu.memory_space<semaphore_mem>>) src(%arg10 : memref<1024x16xf32, #tpu.memory_space<vmem>>) dst(%dma_wait3A_264 : memref<1024x16xf32, #tpu.memory_space<hbm>>)
      tpu.yield
    }) : () -> ()
    "tpu.region"() ({
      %run_scoped3A = tpu.sem_alloc : memref<!tpu.dma_semaphore, #tpu.memory_space<semaphore_mem>>
      %dma_start3A_257 = arith.constant 0 : i32
      %dma_start3A_258 = tpu.memref_slice %arg6[%add3A_40, %dma_start3A_257] : memref<524288x16xf32, #tpu.memory_space<hbm>> -> memref<1024x16xf32, #tpu.memory_space<hbm>>
      %dma_start3A_259 = arith.constant 0 : i32
      %dma_start3A_260 = tpu.memref_slice %arg6[%add3A_40, %dma_start3A_259] : memref<524288x16xf32, #tpu.memory_space<hbm>> -> memref<1024x16xf32, #tpu.memory_space<hbm>>
      tpu.enqueue_dma source(%arg12 : memref<1024x16xf32, #tpu.memory_space<vmem>>) target(%dma_start3A_260 : memref<1024x16xf32, #tpu.memory_space<hbm>>) target_semaphore(%run_scoped3A : memref<!tpu.dma_semaphore, #tpu.memory_space<semaphore_mem>>)
      %dma_wait3A_261 = arith.constant 0 : i32
      %dma_wait3A_262 = tpu.memref_slice %arg6[%add3A_40, %dma_wait3A_261] : memref<524288x16xf32, #tpu.memory_space<hbm>> -> memref<1024x16xf32, #tpu.memory_space<hbm>>
      %dma_wait3A_263 = arith.constant 0 : i32
      %dma_wait3A_264 = tpu.memref_slice %arg6[%add3A_40, %dma_wait3A_263] : memref<524288x16xf32, #tpu.memory_space<hbm>> -> memref<1024x16xf32, #tpu.memory_space<hbm>>
      tpu.wait_dma2 semaphore(%run_scoped3A : memref<!tpu.dma_semaphore, #tpu.memory_space<semaphore_mem>>) src(%arg12 : memref<1024x16xf32, #tpu.memory_space<vmem>>) dst(%dma_wait3A_264 : memref<1024x16xf32, #tpu.memory_space<hbm>>)
      tpu.yield
    }) : () -> ()
    %add3A_41 = arith.constant 3072 : i32
    %add3A_42 = arith.addi %mul3A_2, %add3A_41 : i32
    "tpu.region"() ({
      %run_scoped3A = tpu.sem_alloc : memref<!tpu.dma_semaphore, #tpu.memory_space<semaphore_mem>>
      %dma_start3A_257 = tpu.memref_slice %arg2[%add3A_42] : memref<524288xi32, #tpu.memory_space<hbm>> -> memref<1024xi32, #tpu.memory_space<hbm>>
      %dma_start3A_258 = tpu.memref_slice %arg2[%add3A_42] : memref<524288xi32, #tpu.memory_space<hbm>> -> memref<1024xi32, #tpu.memory_space<hbm>>
      tpu.enqueue_dma source(%dma_start3A_258 : memref<1024xi32, #tpu.memory_space<hbm>>) target(%arg8 : memref<1024xi32, #tpu.memory_space<vmem>>) target_semaphore(%run_scoped3A : memref<!tpu.dma_semaphore, #tpu.memory_space<semaphore_mem>>)
      %dma_wait3A_259 = tpu.memref_slice %arg2[%add3A_42] : memref<524288xi32, #tpu.memory_space<hbm>> -> memref<1024xi32, #tpu.memory_space<hbm>>
      %dma_wait3A_260 = tpu.memref_slice %arg2[%add3A_42] : memref<524288xi32, #tpu.memory_space<hbm>> -> memref<1024xi32, #tpu.memory_space<hbm>>
      tpu.wait_dma2 semaphore(%run_scoped3A : memref<!tpu.dma_semaphore, #tpu.memory_space<semaphore_mem>>) src(%dma_wait3A_260 : memref<1024xi32, #tpu.memory_space<hbm>>) dst(%arg8 : memref<1024xi32, #tpu.memory_space<vmem>>)
      tpu.yield
    }) : () -> ()
    %dma_start3A_43 = arith.constant 0 : i32
    %dma_start3A_44 = arith.constant 0 : i32
    %dma_start3A_45 = tpu.memref_slice %arg3[%dma_start3A_43, %dma_start3A_44] : memref<1003520x16xf32, #tpu.memory_space<hbm>> -> memref<1003520x16xf32, #tpu.memory_space<hbm>>
    tpu.enqueue_indirect_dma source(%dma_start3A_45 : memref<1003520x16xf32, #tpu.memory_space<hbm>>) target(%arg10 : memref<1024x16xf32, #tpu.memory_space<vmem>>) offsets(%arg8 : memref<1024xi32, #tpu.memory_space<vmem>>) semaphore(%arg14 : memref<!tpu.dma_semaphore, #tpu.memory_space<semaphore_mem>>)
    %dma_start3A_46 = arith.constant 0 : i32
    %dma_start3A_47 = arith.constant 0 : i32
    %dma_start3A_48 = tpu.memref_slice %arg4[%dma_start3A_46, %dma_start3A_47] : memref<1003520x16xf32, #tpu.memory_space<hbm>> -> memref<1003520x16xf32, #tpu.memory_space<hbm>>
    tpu.enqueue_indirect_dma source(%dma_start3A_48 : memref<1003520x16xf32, #tpu.memory_space<hbm>>) target(%arg12 : memref<1024x16xf32, #tpu.memory_space<vmem>>) offsets(%arg8 : memref<1024xi32, #tpu.memory_space<vmem>>) semaphore(%arg16 : memref<!tpu.dma_semaphore, #tpu.memory_space<semaphore_mem>>)
    %dma_wait3A_49 = arith.constant 0 : i32
    %dma_wait3A_50 = arith.constant 0 : i32
    %dma_wait3A_51 = tpu.memref_slice %arg3[%dma_wait3A_49, %dma_wait3A_50] : memref<1003520x16xf32, #tpu.memory_space<hbm>> -> memref<1003520x16xf32, #tpu.memory_space<hbm>>
    tpu.wait_indirect_dma semaphore(%arg13 : memref<!tpu.dma_semaphore, #tpu.memory_space<semaphore_mem>>) src(%dma_wait3A_51 : memref<1003520x16xf32, #tpu.memory_space<hbm>>) dst(%arg9 : memref<1024x16xf32, #tpu.memory_space<vmem>>)
    %dma_wait3A_52 = arith.constant 0 : i32
    %dma_wait3A_53 = arith.constant 0 : i32
    %dma_wait3A_54 = tpu.memref_slice %arg4[%dma_wait3A_52, %dma_wait3A_53] : memref<1003520x16xf32, #tpu.memory_space<hbm>> -> memref<1003520x16xf32, #tpu.memory_space<hbm>>
    tpu.wait_indirect_dma semaphore(%arg15 : memref<!tpu.dma_semaphore, #tpu.memory_space<semaphore_mem>>) src(%dma_wait3A_54 : memref<1003520x16xf32, #tpu.memory_space<hbm>>) dst(%arg11 : memref<1024x16xf32, #tpu.memory_space<vmem>>)
    %add3A_55 = arith.constant 2048 : i32
    %add3A_56 = arith.addi %mul3A_2, %add3A_55 : i32
    "tpu.region"() ({
      %run_scoped3A = tpu.sem_alloc : memref<!tpu.dma_semaphore, #tpu.memory_space<semaphore_mem>>
      %dma_start3A_257 = arith.constant 0 : i32
      %dma_start3A_258 = tpu.memref_slice %arg5[%add3A_56, %dma_start3A_257] : memref<524288x16xf32, #tpu.memory_space<hbm>> -> memref<1024x16xf32, #tpu.memory_space<hbm>>
      %dma_start3A_259 = arith.constant 0 : i32
      %dma_start3A_260 = tpu.memref_slice %arg5[%add3A_56, %dma_start3A_259] : memref<524288x16xf32, #tpu.memory_space<hbm>> -> memref<1024x16xf32, #tpu.memory_space<hbm>>
      tpu.enqueue_dma source(%arg9 : memref<1024x16xf32, #tpu.memory_space<vmem>>) target(%dma_start3A_260 : memref<1024x16xf32, #tpu.memory_space<hbm>>) target_semaphore(%run_scoped3A : memref<!tpu.dma_semaphore, #tpu.memory_space<semaphore_mem>>)
      %dma_wait3A_261 = arith.constant 0 : i32
      %dma_wait3A_262 = tpu.memref_slice %arg5[%add3A_56, %dma_wait3A_261] : memref<524288x16xf32, #tpu.memory_space<hbm>> -> memref<1024x16xf32, #tpu.memory_space<hbm>>
      %dma_wait3A_263 = arith.constant 0 : i32
      %dma_wait3A_264 = tpu.memref_slice %arg5[%add3A_56, %dma_wait3A_263] : memref<524288x16xf32, #tpu.memory_space<hbm>> -> memref<1024x16xf32, #tpu.memory_space<hbm>>
      tpu.wait_dma2 semaphore(%run_scoped3A : memref<!tpu.dma_semaphore, #tpu.memory_space<semaphore_mem>>) src(%arg9 : memref<1024x16xf32, #tpu.memory_space<vmem>>) dst(%dma_wait3A_264 : memref<1024x16xf32, #tpu.memory_space<hbm>>)
      tpu.yield
    }) : () -> ()
    "tpu.region"() ({
      %run_scoped3A = tpu.sem_alloc : memref<!tpu.dma_semaphore, #tpu.memory_space<semaphore_mem>>
      %dma_start3A_257 = arith.constant 0 : i32
      %dma_start3A_258 = tpu.memref_slice %arg6[%add3A_56, %dma_start3A_257] : memref<524288x16xf32, #tpu.memory_space<hbm>> -> memref<1024x16xf32, #tpu.memory_space<hbm>>
      %dma_start3A_259 = arith.constant 0 : i32
      %dma_start3A_260 = tpu.memref_slice %arg6[%add3A_56, %dma_start3A_259] : memref<524288x16xf32, #tpu.memory_space<hbm>> -> memref<1024x16xf32, #tpu.memory_space<hbm>>
      tpu.enqueue_dma source(%arg11 : memref<1024x16xf32, #tpu.memory_space<vmem>>) target(%dma_start3A_260 : memref<1024x16xf32, #tpu.memory_space<hbm>>) target_semaphore(%run_scoped3A : memref<!tpu.dma_semaphore, #tpu.memory_space<semaphore_mem>>)
      %dma_wait3A_261 = arith.constant 0 : i32
      %dma_wait3A_262 = tpu.memref_slice %arg6[%add3A_56, %dma_wait3A_261] : memref<524288x16xf32, #tpu.memory_space<hbm>> -> memref<1024x16xf32, #tpu.memory_space<hbm>>
      %dma_wait3A_263 = arith.constant 0 : i32
      %dma_wait3A_264 = tpu.memref_slice %arg6[%add3A_56, %dma_wait3A_263] : memref<524288x16xf32, #tpu.memory_space<hbm>> -> memref<1024x16xf32, #tpu.memory_space<hbm>>
      tpu.wait_dma2 semaphore(%run_scoped3A : memref<!tpu.dma_semaphore, #tpu.memory_space<semaphore_mem>>) src(%arg11 : memref<1024x16xf32, #tpu.memory_space<vmem>>) dst(%dma_wait3A_264 : memref<1024x16xf32, #tpu.memory_space<hbm>>)
      tpu.yield
    }) : () -> ()
    %add3A_57 = arith.constant 4096 : i32
    %add3A_58 = arith.addi %mul3A_2, %add3A_57 : i32
    "tpu.region"() ({
      %run_scoped3A = tpu.sem_alloc : memref<!tpu.dma_semaphore, #tpu.memory_space<semaphore_mem>>
      %dma_start3A_257 = tpu.memref_slice %arg2[%add3A_58] : memref<524288xi32, #tpu.memory_space<hbm>> -> memref<1024xi32, #tpu.memory_space<hbm>>
      %dma_start3A_258 = tpu.memref_slice %arg2[%add3A_58] : memref<524288xi32, #tpu.memory_space<hbm>> -> memref<1024xi32, #tpu.memory_space<hbm>>
      tpu.enqueue_dma source(%dma_start3A_258 : memref<1024xi32, #tpu.memory_space<hbm>>) target(%arg7 : memref<1024xi32, #tpu.memory_space<vmem>>) target_semaphore(%run_scoped3A : memref<!tpu.dma_semaphore, #tpu.memory_space<semaphore_mem>>)
      %dma_wait3A_259 = tpu.memref_slice %arg2[%add3A_58] : memref<524288xi32, #tpu.memory_space<hbm>> -> memref<1024xi32, #tpu.memory_space<hbm>>
      %dma_wait3A_260 = tpu.memref_slice %arg2[%add3A_58] : memref<524288xi32, #tpu.memory_space<hbm>> -> memref<1024xi32, #tpu.memory_space<hbm>>
      tpu.wait_dma2 semaphore(%run_scoped3A : memref<!tpu.dma_semaphore, #tpu.memory_space<semaphore_mem>>) src(%dma_wait3A_260 : memref<1024xi32, #tpu.memory_space<hbm>>) dst(%arg7 : memref<1024xi32, #tpu.memory_space<vmem>>)
      tpu.yield
    }) : () -> ()
    %dma_start3A_59 = arith.constant 0 : i32
    %dma_start3A_60 = arith.constant 0 : i32
    %dma_start3A_61 = tpu.memref_slice %arg3[%dma_start3A_59, %dma_start3A_60] : memref<1003520x16xf32, #tpu.memory_space<hbm>> -> memref<1003520x16xf32, #tpu.memory_space<hbm>>
    tpu.enqueue_indirect_dma source(%dma_start3A_61 : memref<1003520x16xf32, #tpu.memory_space<hbm>>) target(%arg9 : memref<1024x16xf32, #tpu.memory_space<vmem>>) offsets(%arg7 : memref<1024xi32, #tpu.memory_space<vmem>>) semaphore(%arg13 : memref<!tpu.dma_semaphore, #tpu.memory_space<semaphore_mem>>)
    %dma_start3A_62 = arith.constant 0 : i32
    %dma_start3A_63 = arith.constant 0 : i32
    %dma_start3A_64 = tpu.memref_slice %arg4[%dma_start3A_62, %dma_start3A_63] : memref<1003520x16xf32, #tpu.memory_space<hbm>> -> memref<1003520x16xf32, #tpu.memory_space<hbm>>
    tpu.enqueue_indirect_dma source(%dma_start3A_64 : memref<1003520x16xf32, #tpu.memory_space<hbm>>) target(%arg11 : memref<1024x16xf32, #tpu.memory_space<vmem>>) offsets(%arg7 : memref<1024xi32, #tpu.memory_space<vmem>>) semaphore(%arg15 : memref<!tpu.dma_semaphore, #tpu.memory_space<semaphore_mem>>)
    %dma_wait3A_65 = arith.constant 0 : i32
    %dma_wait3A_66 = arith.constant 0 : i32
    %dma_wait3A_67 = tpu.memref_slice %arg3[%dma_wait3A_65, %dma_wait3A_66] : memref<1003520x16xf32, #tpu.memory_space<hbm>> -> memref<1003520x16xf32, #tpu.memory_space<hbm>>
    tpu.wait_indirect_dma semaphore(%arg14 : memref<!tpu.dma_semaphore, #tpu.memory_space<semaphore_mem>>) src(%dma_wait3A_67 : memref<1003520x16xf32, #tpu.memory_space<hbm>>) dst(%arg10 : memref<1024x16xf32, #tpu.memory_space<vmem>>)
    %dma_wait3A_68 = arith.constant 0 : i32
    %dma_wait3A_69 = arith.constant 0 : i32
    %dma_wait3A_70 = tpu.memref_slice %arg4[%dma_wait3A_68, %dma_wait3A_69] : memref<1003520x16xf32, #tpu.memory_space<hbm>> -> memref<1003520x16xf32, #tpu.memory_space<hbm>>
    tpu.wait_indirect_dma semaphore(%arg16 : memref<!tpu.dma_semaphore, #tpu.memory_space<semaphore_mem>>) src(%dma_wait3A_70 : memref<1003520x16xf32, #tpu.memory_space<hbm>>) dst(%arg12 : memref<1024x16xf32, #tpu.memory_space<vmem>>)
    %add3A_71 = arith.constant 3072 : i32
    %add3A_72 = arith.addi %mul3A_2, %add3A_71 : i32
    "tpu.region"() ({
      %run_scoped3A = tpu.sem_alloc : memref<!tpu.dma_semaphore, #tpu.memory_space<semaphore_mem>>
      %dma_start3A_257 = arith.constant 0 : i32
      %dma_start3A_258 = tpu.memref_slice %arg5[%add3A_72, %dma_start3A_257] : memref<524288x16xf32, #tpu.memory_space<hbm>> -> memref<1024x16xf32, #tpu.memory_space<hbm>>
      %dma_start3A_259 = arith.constant 0 : i32
      %dma_start3A_260 = tpu.memref_slice %arg5[%add3A_72, %dma_start3A_259] : memref<524288x16xf32, #tpu.memory_space<hbm>> -> memref<1024x16xf32, #tpu.memory_space<hbm>>
      tpu.enqueue_dma source(%arg10 : memref<1024x16xf32, #tpu.memory_space<vmem>>) target(%dma_start3A_260 : memref<1024x16xf32, #tpu.memory_space<hbm>>) target_semaphore(%run_scoped3A : memref<!tpu.dma_semaphore, #tpu.memory_space<semaphore_mem>>)
      %dma_wait3A_261 = arith.constant 0 : i32
      %dma_wait3A_262 = tpu.memref_slice %arg5[%add3A_72, %dma_wait3A_261] : memref<524288x16xf32, #tpu.memory_space<hbm>> -> memref<1024x16xf32, #tpu.memory_space<hbm>>
      %dma_wait3A_263 = arith.constant 0 : i32
      %dma_wait3A_264 = tpu.memref_slice %arg5[%add3A_72, %dma_wait3A_263] : memref<524288x16xf32, #tpu.memory_space<hbm>> -> memref<1024x16xf32, #tpu.memory_space<hbm>>
      tpu.wait_dma2 semaphore(%run_scoped3A : memref<!tpu.dma_semaphore, #tpu.memory_space<semaphore_mem>>) src(%arg10 : memref<1024x16xf32, #tpu.memory_space<vmem>>) dst(%dma_wait3A_264 : memref<1024x16xf32, #tpu.memory_space<hbm>>)
      tpu.yield
    }) : () -> ()
    "tpu.region"() ({
      %run_scoped3A = tpu.sem_alloc : memref<!tpu.dma_semaphore, #tpu.memory_space<semaphore_mem>>
      %dma_start3A_257 = arith.constant 0 : i32
      %dma_start3A_258 = tpu.memref_slice %arg6[%add3A_72, %dma_start3A_257] : memref<524288x16xf32, #tpu.memory_space<hbm>> -> memref<1024x16xf32, #tpu.memory_space<hbm>>
      %dma_start3A_259 = arith.constant 0 : i32
      %dma_start3A_260 = tpu.memref_slice %arg6[%add3A_72, %dma_start3A_259] : memref<524288x16xf32, #tpu.memory_space<hbm>> -> memref<1024x16xf32, #tpu.memory_space<hbm>>
      tpu.enqueue_dma source(%arg12 : memref<1024x16xf32, #tpu.memory_space<vmem>>) target(%dma_start3A_260 : memref<1024x16xf32, #tpu.memory_space<hbm>>) target_semaphore(%run_scoped3A : memref<!tpu.dma_semaphore, #tpu.memory_space<semaphore_mem>>)
      %dma_wait3A_261 = arith.constant 0 : i32
      %dma_wait3A_262 = tpu.memref_slice %arg6[%add3A_72, %dma_wait3A_261] : memref<524288x16xf32, #tpu.memory_space<hbm>> -> memref<1024x16xf32, #tpu.memory_space<hbm>>
      %dma_wait3A_263 = arith.constant 0 : i32
      %dma_wait3A_264 = tpu.memref_slice %arg6[%add3A_72, %dma_wait3A_263] : memref<524288x16xf32, #tpu.memory_space<hbm>> -> memref<1024x16xf32, #tpu.memory_space<hbm>>
      tpu.wait_dma2 semaphore(%run_scoped3A : memref<!tpu.dma_semaphore, #tpu.memory_space<semaphore_mem>>) src(%arg12 : memref<1024x16xf32, #tpu.memory_space<vmem>>) dst(%dma_wait3A_264 : memref<1024x16xf32, #tpu.memory_space<hbm>>)
      tpu.yield
    }) : () -> ()
    %add3A_73 = arith.constant 5120 : i32
    %add3A_74 = arith.addi %mul3A_2, %add3A_73 : i32
    "tpu.region"() ({
      %run_scoped3A = tpu.sem_alloc : memref<!tpu.dma_semaphore, #tpu.memory_space<semaphore_mem>>
      %dma_start3A_257 = tpu.memref_slice %arg2[%add3A_74] : memref<524288xi32, #tpu.memory_space<hbm>> -> memref<1024xi32, #tpu.memory_space<hbm>>
      %dma_start3A_258 = tpu.memref_slice %arg2[%add3A_74] : memref<524288xi32, #tpu.memory_space<hbm>> -> memref<1024xi32, #tpu.memory_space<hbm>>
      tpu.enqueue_dma source(%dma_start3A_258 : memref<1024xi32, #tpu.memory_space<hbm>>) target(%arg8 : memref<1024xi32, #tpu.memory_space<vmem>>) target_semaphore(%run_scoped3A : memref<!tpu.dma_semaphore, #tpu.memory_space<semaphore_mem>>)
      %dma_wait3A_259 = tpu.memref_slice %arg2[%add3A_74] : memref<524288xi32, #tpu.memory_space<hbm>> -> memref<1024xi32, #tpu.memory_space<hbm>>
      %dma_wait3A_260 = tpu.memref_slice %arg2[%add3A_74] : memref<524288xi32, #tpu.memory_space<hbm>> -> memref<1024xi32, #tpu.memory_space<hbm>>
      tpu.wait_dma2 semaphore(%run_scoped3A : memref<!tpu.dma_semaphore, #tpu.memory_space<semaphore_mem>>) src(%dma_wait3A_260 : memref<1024xi32, #tpu.memory_space<hbm>>) dst(%arg8 : memref<1024xi32, #tpu.memory_space<vmem>>)
      tpu.yield
    }) : () -> ()
    %dma_start3A_75 = arith.constant 0 : i32
    %dma_start3A_76 = arith.constant 0 : i32
    %dma_start3A_77 = tpu.memref_slice %arg3[%dma_start3A_75, %dma_start3A_76] : memref<1003520x16xf32, #tpu.memory_space<hbm>> -> memref<1003520x16xf32, #tpu.memory_space<hbm>>
    tpu.enqueue_indirect_dma source(%dma_start3A_77 : memref<1003520x16xf32, #tpu.memory_space<hbm>>) target(%arg10 : memref<1024x16xf32, #tpu.memory_space<vmem>>) offsets(%arg8 : memref<1024xi32, #tpu.memory_space<vmem>>) semaphore(%arg14 : memref<!tpu.dma_semaphore, #tpu.memory_space<semaphore_mem>>)
    %dma_start3A_78 = arith.constant 0 : i32
    %dma_start3A_79 = arith.constant 0 : i32
    %dma_start3A_80 = tpu.memref_slice %arg4[%dma_start3A_78, %dma_start3A_79] : memref<1003520x16xf32, #tpu.memory_space<hbm>> -> memref<1003520x16xf32, #tpu.memory_space<hbm>>
    tpu.enqueue_indirect_dma source(%dma_start3A_80 : memref<1003520x16xf32, #tpu.memory_space<hbm>>) target(%arg12 : memref<1024x16xf32, #tpu.memory_space<vmem>>) offsets(%arg8 : memref<1024xi32, #tpu.memory_space<vmem>>) semaphore(%arg16 : memref<!tpu.dma_semaphore, #tpu.memory_space<semaphore_mem>>)
    %dma_wait3A_81 = arith.constant 0 : i32
    %dma_wait3A_82 = arith.constant 0 : i32
    %dma_wait3A_83 = tpu.memref_slice %arg3[%dma_wait3A_81, %dma_wait3A_82] : memref<1003520x16xf32, #tpu.memory_space<hbm>> -> memref<1003520x16xf32, #tpu.memory_space<hbm>>
    tpu.wait_indirect_dma semaphore(%arg13 : memref<!tpu.dma_semaphore, #tpu.memory_space<semaphore_mem>>) src(%dma_wait3A_83 : memref<1003520x16xf32, #tpu.memory_space<hbm>>) dst(%arg9 : memref<1024x16xf32, #tpu.memory_space<vmem>>)
    %dma_wait3A_84 = arith.constant 0 : i32
    %dma_wait3A_85 = arith.constant 0 : i32
    %dma_wait3A_86 = tpu.memref_slice %arg4[%dma_wait3A_84, %dma_wait3A_85] : memref<1003520x16xf32, #tpu.memory_space<hbm>> -> memref<1003520x16xf32, #tpu.memory_space<hbm>>
    tpu.wait_indirect_dma semaphore(%arg15 : memref<!tpu.dma_semaphore, #tpu.memory_space<semaphore_mem>>) src(%dma_wait3A_86 : memref<1003520x16xf32, #tpu.memory_space<hbm>>) dst(%arg11 : memref<1024x16xf32, #tpu.memory_space<vmem>>)
    %add3A_87 = arith.constant 4096 : i32
    %add3A_88 = arith.addi %mul3A_2, %add3A_87 : i32
    "tpu.region"() ({
      %run_scoped3A = tpu.sem_alloc : memref<!tpu.dma_semaphore, #tpu.memory_space<semaphore_mem>>
      %dma_start3A_257 = arith.constant 0 : i32
      %dma_start3A_258 = tpu.memref_slice %arg5[%add3A_88, %dma_start3A_257] : memref<524288x16xf32, #tpu.memory_space<hbm>> -> memref<1024x16xf32, #tpu.memory_space<hbm>>
      %dma_start3A_259 = arith.constant 0 : i32
      %dma_start3A_260 = tpu.memref_slice %arg5[%add3A_88, %dma_start3A_259] : memref<524288x16xf32, #tpu.memory_space<hbm>> -> memref<1024x16xf32, #tpu.memory_space<hbm>>
      tpu.enqueue_dma source(%arg9 : memref<1024x16xf32, #tpu.memory_space<vmem>>) target(%dma_start3A_260 : memref<1024x16xf32, #tpu.memory_space<hbm>>) target_semaphore(%run_scoped3A : memref<!tpu.dma_semaphore, #tpu.memory_space<semaphore_mem>>)
      %dma_wait3A_261 = arith.constant 0 : i32
      %dma_wait3A_262 = tpu.memref_slice %arg5[%add3A_88, %dma_wait3A_261] : memref<524288x16xf32, #tpu.memory_space<hbm>> -> memref<1024x16xf32, #tpu.memory_space<hbm>>
      %dma_wait3A_263 = arith.constant 0 : i32
      %dma_wait3A_264 = tpu.memref_slice %arg5[%add3A_88, %dma_wait3A_263] : memref<524288x16xf32, #tpu.memory_space<hbm>> -> memref<1024x16xf32, #tpu.memory_space<hbm>>
      tpu.wait_dma2 semaphore(%run_scoped3A : memref<!tpu.dma_semaphore, #tpu.memory_space<semaphore_mem>>) src(%arg9 : memref<1024x16xf32, #tpu.memory_space<vmem>>) dst(%dma_wait3A_264 : memref<1024x16xf32, #tpu.memory_space<hbm>>)
      tpu.yield
    }) : () -> ()
    "tpu.region"() ({
      %run_scoped3A = tpu.sem_alloc : memref<!tpu.dma_semaphore, #tpu.memory_space<semaphore_mem>>
      %dma_start3A_257 = arith.constant 0 : i32
      %dma_start3A_258 = tpu.memref_slice %arg6[%add3A_88, %dma_start3A_257] : memref<524288x16xf32, #tpu.memory_space<hbm>> -> memref<1024x16xf32, #tpu.memory_space<hbm>>
      %dma_start3A_259 = arith.constant 0 : i32
      %dma_start3A_260 = tpu.memref_slice %arg6[%add3A_88, %dma_start3A_259] : memref<524288x16xf32, #tpu.memory_space<hbm>> -> memref<1024x16xf32, #tpu.memory_space<hbm>>
      tpu.enqueue_dma source(%arg11 : memref<1024x16xf32, #tpu.memory_space<vmem>>) target(%dma_start3A_260 : memref<1024x16xf32, #tpu.memory_space<hbm>>) target_semaphore(%run_scoped3A : memref<!tpu.dma_semaphore, #tpu.memory_space<semaphore_mem>>)
      %dma_wait3A_261 = arith.constant 0 : i32
      %dma_wait3A_262 = tpu.memref_slice %arg6[%add3A_88, %dma_wait3A_261] : memref<524288x16xf32, #tpu.memory_space<hbm>> -> memref<1024x16xf32, #tpu.memory_space<hbm>>
      %dma_wait3A_263 = arith.constant 0 : i32
      %dma_wait3A_264 = tpu.memref_slice %arg6[%add3A_88, %dma_wait3A_263] : memref<524288x16xf32, #tpu.memory_space<hbm>> -> memref<1024x16xf32, #tpu.memory_space<hbm>>
      tpu.wait_dma2 semaphore(%run_scoped3A : memref<!tpu.dma_semaphore, #tpu.memory_space<semaphore_mem>>) src(%arg11 : memref<1024x16xf32, #tpu.memory_space<vmem>>) dst(%dma_wait3A_264 : memref<1024x16xf32, #tpu.memory_space<hbm>>)
      tpu.yield
    }) : () -> ()
    %add3A_89 = arith.constant 6144 : i32
    %add3A_90 = arith.addi %mul3A_2, %add3A_89 : i32
    "tpu.region"() ({
      %run_scoped3A = tpu.sem_alloc : memref<!tpu.dma_semaphore, #tpu.memory_space<semaphore_mem>>
      %dma_start3A_257 = tpu.memref_slice %arg2[%add3A_90] : memref<524288xi32, #tpu.memory_space<hbm>> -> memref<1024xi32, #tpu.memory_space<hbm>>
      %dma_start3A_258 = tpu.memref_slice %arg2[%add3A_90] : memref<524288xi32, #tpu.memory_space<hbm>> -> memref<1024xi32, #tpu.memory_space<hbm>>
      tpu.enqueue_dma source(%dma_start3A_258 : memref<1024xi32, #tpu.memory_space<hbm>>) target(%arg7 : memref<1024xi32, #tpu.memory_space<vmem>>) target_semaphore(%run_scoped3A : memref<!tpu.dma_semaphore, #tpu.memory_space<semaphore_mem>>)
      %dma_wait3A_259 = tpu.memref_slice %arg2[%add3A_90] : memref<524288xi32, #tpu.memory_space<hbm>> -> memref<1024xi32, #tpu.memory_space<hbm>>
      %dma_wait3A_260 = tpu.memref_slice %arg2[%add3A_90] : memref<524288xi32, #tpu.memory_space<hbm>> -> memref<1024xi32, #tpu.memory_space<hbm>>
      tpu.wait_dma2 semaphore(%run_scoped3A : memref<!tpu.dma_semaphore, #tpu.memory_space<semaphore_mem>>) src(%dma_wait3A_260 : memref<1024xi32, #tpu.memory_space<hbm>>) dst(%arg7 : memref<1024xi32, #tpu.memory_space<vmem>>)
      tpu.yield
    }) : () -> ()
    %dma_start3A_91 = arith.constant 0 : i32
    %dma_start3A_92 = arith.constant 0 : i32
    %dma_start3A_93 = tpu.memref_slice %arg3[%dma_start3A_91, %dma_start3A_92] : memref<1003520x16xf32, #tpu.memory_space<hbm>> -> memref<1003520x16xf32, #tpu.memory_space<hbm>>
    tpu.enqueue_indirect_dma source(%dma_start3A_93 : memref<1003520x16xf32, #tpu.memory_space<hbm>>) target(%arg9 : memref<1024x16xf32, #tpu.memory_space<vmem>>) offsets(%arg7 : memref<1024xi32, #tpu.memory_space<vmem>>) semaphore(%arg13 : memref<!tpu.dma_semaphore, #tpu.memory_space<semaphore_mem>>)
    %dma_start3A_94 = arith.constant 0 : i32
    %dma_start3A_95 = arith.constant 0 : i32
    %dma_start3A_96 = tpu.memref_slice %arg4[%dma_start3A_94, %dma_start3A_95] : memref<1003520x16xf32, #tpu.memory_space<hbm>> -> memref<1003520x16xf32, #tpu.memory_space<hbm>>
    tpu.enqueue_indirect_dma source(%dma_start3A_96 : memref<1003520x16xf32, #tpu.memory_space<hbm>>) target(%arg11 : memref<1024x16xf32, #tpu.memory_space<vmem>>) offsets(%arg7 : memref<1024xi32, #tpu.memory_space<vmem>>) semaphore(%arg15 : memref<!tpu.dma_semaphore, #tpu.memory_space<semaphore_mem>>)
    %dma_wait3A_97 = arith.constant 0 : i32
    %dma_wait3A_98 = arith.constant 0 : i32
    %dma_wait3A_99 = tpu.memref_slice %arg3[%dma_wait3A_97, %dma_wait3A_98] : memref<1003520x16xf32, #tpu.memory_space<hbm>> -> memref<1003520x16xf32, #tpu.memory_space<hbm>>
    tpu.wait_indirect_dma semaphore(%arg14 : memref<!tpu.dma_semaphore, #tpu.memory_space<semaphore_mem>>) src(%dma_wait3A_99 : memref<1003520x16xf32, #tpu.memory_space<hbm>>) dst(%arg10 : memref<1024x16xf32, #tpu.memory_space<vmem>>)
    %dma_wait3A_100 = arith.constant 0 : i32
    %dma_wait3A_101 = arith.constant 0 : i32
    %dma_wait3A_102 = tpu.memref_slice %arg4[%dma_wait3A_100, %dma_wait3A_101] : memref<1003520x16xf32, #tpu.memory_space<hbm>> -> memref<1003520x16xf32, #tpu.memory_space<hbm>>
    tpu.wait_indirect_dma semaphore(%arg16 : memref<!tpu.dma_semaphore, #tpu.memory_space<semaphore_mem>>) src(%dma_wait3A_102 : memref<1003520x16xf32, #tpu.memory_space<hbm>>) dst(%arg12 : memref<1024x16xf32, #tpu.memory_space<vmem>>)
    %add3A_103 = arith.constant 5120 : i32
    %add3A_104 = arith.addi %mul3A_2, %add3A_103 : i32
    "tpu.region"() ({
      %run_scoped3A = tpu.sem_alloc : memref<!tpu.dma_semaphore, #tpu.memory_space<semaphore_mem>>
      %dma_start3A_257 = arith.constant 0 : i32
      %dma_start3A_258 = tpu.memref_slice %arg5[%add3A_104, %dma_start3A_257] : memref<524288x16xf32, #tpu.memory_space<hbm>> -> memref<1024x16xf32, #tpu.memory_space<hbm>>
      %dma_start3A_259 = arith.constant 0 : i32
      %dma_start3A_260 = tpu.memref_slice %arg5[%add3A_104, %dma_start3A_259] : memref<524288x16xf32, #tpu.memory_space<hbm>> -> memref<1024x16xf32, #tpu.memory_space<hbm>>
      tpu.enqueue_dma source(%arg10 : memref<1024x16xf32, #tpu.memory_space<vmem>>) target(%dma_start3A_260 : memref<1024x16xf32, #tpu.memory_space<hbm>>) target_semaphore(%run_scoped3A : memref<!tpu.dma_semaphore, #tpu.memory_space<semaphore_mem>>)
      %dma_wait3A_261 = arith.constant 0 : i32
      %dma_wait3A_262 = tpu.memref_slice %arg5[%add3A_104, %dma_wait3A_261] : memref<524288x16xf32, #tpu.memory_space<hbm>> -> memref<1024x16xf32, #tpu.memory_space<hbm>>
      %dma_wait3A_263 = arith.constant 0 : i32
      %dma_wait3A_264 = tpu.memref_slice %arg5[%add3A_104, %dma_wait3A_263] : memref<524288x16xf32, #tpu.memory_space<hbm>> -> memref<1024x16xf32, #tpu.memory_space<hbm>>
      tpu.wait_dma2 semaphore(%run_scoped3A : memref<!tpu.dma_semaphore, #tpu.memory_space<semaphore_mem>>) src(%arg10 : memref<1024x16xf32, #tpu.memory_space<vmem>>) dst(%dma_wait3A_264 : memref<1024x16xf32, #tpu.memory_space<hbm>>)
      tpu.yield
    }) : () -> ()
    "tpu.region"() ({
      %run_scoped3A = tpu.sem_alloc : memref<!tpu.dma_semaphore, #tpu.memory_space<semaphore_mem>>
      %dma_start3A_257 = arith.constant 0 : i32
      %dma_start3A_258 = tpu.memref_slice %arg6[%add3A_104, %dma_start3A_257] : memref<524288x16xf32, #tpu.memory_space<hbm>> -> memref<1024x16xf32, #tpu.memory_space<hbm>>
      %dma_start3A_259 = arith.constant 0 : i32
      %dma_start3A_260 = tpu.memref_slice %arg6[%add3A_104, %dma_start3A_259] : memref<524288x16xf32, #tpu.memory_space<hbm>> -> memref<1024x16xf32, #tpu.memory_space<hbm>>
      tpu.enqueue_dma source(%arg12 : memref<1024x16xf32, #tpu.memory_space<vmem>>) target(%dma_start3A_260 : memref<1024x16xf32, #tpu.memory_space<hbm>>) target_semaphore(%run_scoped3A : memref<!tpu.dma_semaphore, #tpu.memory_space<semaphore_mem>>)
      %dma_wait3A_261 = arith.constant 0 : i32
      %dma_wait3A_262 = tpu.memref_slice %arg6[%add3A_104, %dma_wait3A_261] : memref<524288x16xf32, #tpu.memory_space<hbm>> -> memref<1024x16xf32, #tpu.memory_space<hbm>>
      %dma_wait3A_263 = arith.constant 0 : i32
      %dma_wait3A_264 = tpu.memref_slice %arg6[%add3A_104, %dma_wait3A_263] : memref<524288x16xf32, #tpu.memory_space<hbm>> -> memref<1024x16xf32, #tpu.memory_space<hbm>>
      tpu.wait_dma2 semaphore(%run_scoped3A : memref<!tpu.dma_semaphore, #tpu.memory_space<semaphore_mem>>) src(%arg12 : memref<1024x16xf32, #tpu.memory_space<vmem>>) dst(%dma_wait3A_264 : memref<1024x16xf32, #tpu.memory_space<hbm>>)
      tpu.yield
    }) : () -> ()
    %add3A_105 = arith.constant 7168 : i32
    %add3A_106 = arith.addi %mul3A_2, %add3A_105 : i32
    "tpu.region"() ({
      %run_scoped3A = tpu.sem_alloc : memref<!tpu.dma_semaphore, #tpu.memory_space<semaphore_mem>>
      %dma_start3A_257 = tpu.memref_slice %arg2[%add3A_106] : memref<524288xi32, #tpu.memory_space<hbm>> -> memref<1024xi32, #tpu.memory_space<hbm>>
      %dma_start3A_258 = tpu.memref_slice %arg2[%add3A_106] : memref<524288xi32, #tpu.memory_space<hbm>> -> memref<1024xi32, #tpu.memory_space<hbm>>
      tpu.enqueue_dma source(%dma_start3A_258 : memref<1024xi32, #tpu.memory_space<hbm>>) target(%arg8 : memref<1024xi32, #tpu.memory_space<vmem>>) target_semaphore(%run_scoped3A : memref<!tpu.dma_semaphore, #tpu.memory_space<semaphore_mem>>)
      %dma_wait3A_259 = tpu.memref_slice %arg2[%add3A_106] : memref<524288xi32, #tpu.memory_space<hbm>> -> memref<1024xi32, #tpu.memory_space<hbm>>
      %dma_wait3A_260 = tpu.memref_slice %arg2[%add3A_106] : memref<524288xi32, #tpu.memory_space<hbm>> -> memref<1024xi32, #tpu.memory_space<hbm>>
      tpu.wait_dma2 semaphore(%run_scoped3A : memref<!tpu.dma_semaphore, #tpu.memory_space<semaphore_mem>>) src(%dma_wait3A_260 : memref<1024xi32, #tpu.memory_space<hbm>>) dst(%arg8 : memref<1024xi32, #tpu.memory_space<vmem>>)
      tpu.yield
    }) : () -> ()
    %dma_start3A_107 = arith.constant 0 : i32
    %dma_start3A_108 = arith.constant 0 : i32
    %dma_start3A_109 = tpu.memref_slice %arg3[%dma_start3A_107, %dma_start3A_108] : memref<1003520x16xf32, #tpu.memory_space<hbm>> -> memref<1003520x16xf32, #tpu.memory_space<hbm>>
    tpu.enqueue_indirect_dma source(%dma_start3A_109 : memref<1003520x16xf32, #tpu.memory_space<hbm>>) target(%arg10 : memref<1024x16xf32, #tpu.memory_space<vmem>>) offsets(%arg8 : memref<1024xi32, #tpu.memory_space<vmem>>) semaphore(%arg14 : memref<!tpu.dma_semaphore, #tpu.memory_space<semaphore_mem>>)
    %dma_start3A_110 = arith.constant 0 : i32
    %dma_start3A_111 = arith.constant 0 : i32
    %dma_start3A_112 = tpu.memref_slice %arg4[%dma_start3A_110, %dma_start3A_111] : memref<1003520x16xf32, #tpu.memory_space<hbm>> -> memref<1003520x16xf32, #tpu.memory_space<hbm>>
    tpu.enqueue_indirect_dma source(%dma_start3A_112 : memref<1003520x16xf32, #tpu.memory_space<hbm>>) target(%arg12 : memref<1024x16xf32, #tpu.memory_space<vmem>>) offsets(%arg8 : memref<1024xi32, #tpu.memory_space<vmem>>) semaphore(%arg16 : memref<!tpu.dma_semaphore, #tpu.memory_space<semaphore_mem>>)
    %dma_wait3A_113 = arith.constant 0 : i32
    %dma_wait3A_114 = arith.constant 0 : i32
    %dma_wait3A_115 = tpu.memref_slice %arg3[%dma_wait3A_113, %dma_wait3A_114] : memref<1003520x16xf32, #tpu.memory_space<hbm>> -> memref<1003520x16xf32, #tpu.memory_space<hbm>>
    tpu.wait_indirect_dma semaphore(%arg13 : memref<!tpu.dma_semaphore, #tpu.memory_space<semaphore_mem>>) src(%dma_wait3A_115 : memref<1003520x16xf32, #tpu.memory_space<hbm>>) dst(%arg9 : memref<1024x16xf32, #tpu.memory_space<vmem>>)
    %dma_wait3A_116 = arith.constant 0 : i32
    %dma_wait3A_117 = arith.constant 0 : i32
    %dma_wait3A_118 = tpu.memref_slice %arg4[%dma_wait3A_116, %dma_wait3A_117] : memref<1003520x16xf32, #tpu.memory_space<hbm>> -> memref<1003520x16xf32, #tpu.memory_space<hbm>>
    tpu.wait_indirect_dma semaphore(%arg15 : memref<!tpu.dma_semaphore, #tpu.memory_space<semaphore_mem>>) src(%dma_wait3A_118 : memref<1003520x16xf32, #tpu.memory_space<hbm>>) dst(%arg11 : memref<1024x16xf32, #tpu.memory_space<vmem>>)
    %add3A_119 = arith.constant 6144 : i32
    %add3A_120 = arith.addi %mul3A_2, %add3A_119 : i32
    "tpu.region"() ({
      %run_scoped3A = tpu.sem_alloc : memref<!tpu.dma_semaphore, #tpu.memory_space<semaphore_mem>>
      %dma_start3A_257 = arith.constant 0 : i32
      %dma_start3A_258 = tpu.memref_slice %arg5[%add3A_120, %dma_start3A_257] : memref<524288x16xf32, #tpu.memory_space<hbm>> -> memref<1024x16xf32, #tpu.memory_space<hbm>>
      %dma_start3A_259 = arith.constant 0 : i32
      %dma_start3A_260 = tpu.memref_slice %arg5[%add3A_120, %dma_start3A_259] : memref<524288x16xf32, #tpu.memory_space<hbm>> -> memref<1024x16xf32, #tpu.memory_space<hbm>>
      tpu.enqueue_dma source(%arg9 : memref<1024x16xf32, #tpu.memory_space<vmem>>) target(%dma_start3A_260 : memref<1024x16xf32, #tpu.memory_space<hbm>>) target_semaphore(%run_scoped3A : memref<!tpu.dma_semaphore, #tpu.memory_space<semaphore_mem>>)
      %dma_wait3A_261 = arith.constant 0 : i32
      %dma_wait3A_262 = tpu.memref_slice %arg5[%add3A_120, %dma_wait3A_261] : memref<524288x16xf32, #tpu.memory_space<hbm>> -> memref<1024x16xf32, #tpu.memory_space<hbm>>
      %dma_wait3A_263 = arith.constant 0 : i32
      %dma_wait3A_264 = tpu.memref_slice %arg5[%add3A_120, %dma_wait3A_263] : memref<524288x16xf32, #tpu.memory_space<hbm>> -> memref<1024x16xf32, #tpu.memory_space<hbm>>
      tpu.wait_dma2 semaphore(%run_scoped3A : memref<!tpu.dma_semaphore, #tpu.memory_space<semaphore_mem>>) src(%arg9 : memref<1024x16xf32, #tpu.memory_space<vmem>>) dst(%dma_wait3A_264 : memref<1024x16xf32, #tpu.memory_space<hbm>>)
      tpu.yield
    }) : () -> ()
    "tpu.region"() ({
      %run_scoped3A = tpu.sem_alloc : memref<!tpu.dma_semaphore, #tpu.memory_space<semaphore_mem>>
      %dma_start3A_257 = arith.constant 0 : i32
      %dma_start3A_258 = tpu.memref_slice %arg6[%add3A_120, %dma_start3A_257] : memref<524288x16xf32, #tpu.memory_space<hbm>> -> memref<1024x16xf32, #tpu.memory_space<hbm>>
      %dma_start3A_259 = arith.constant 0 : i32
      %dma_start3A_260 = tpu.memref_slice %arg6[%add3A_120, %dma_start3A_259] : memref<524288x16xf32, #tpu.memory_space<hbm>> -> memref<1024x16xf32, #tpu.memory_space<hbm>>
      tpu.enqueue_dma source(%arg11 : memref<1024x16xf32, #tpu.memory_space<vmem>>) target(%dma_start3A_260 : memref<1024x16xf32, #tpu.memory_space<hbm>>) target_semaphore(%run_scoped3A : memref<!tpu.dma_semaphore, #tpu.memory_space<semaphore_mem>>)
      %dma_wait3A_261 = arith.constant 0 : i32
      %dma_wait3A_262 = tpu.memref_slice %arg6[%add3A_120, %dma_wait3A_261] : memref<524288x16xf32, #tpu.memory_space<hbm>> -> memref<1024x16xf32, #tpu.memory_space<hbm>>
      %dma_wait3A_263 = arith.constant 0 : i32
      %dma_wait3A_264 = tpu.memref_slice %arg6[%add3A_120, %dma_wait3A_263] : memref<524288x16xf32, #tpu.memory_space<hbm>> -> memref<1024x16xf32, #tpu.memory_space<hbm>>
      tpu.wait_dma2 semaphore(%run_scoped3A : memref<!tpu.dma_semaphore, #tpu.memory_space<semaphore_mem>>) src(%arg11 : memref<1024x16xf32, #tpu.memory_space<vmem>>) dst(%dma_wait3A_264 : memref<1024x16xf32, #tpu.memory_space<hbm>>)
      tpu.yield
    }) : () -> ()
    %add3A_121 = arith.constant 8192 : i32
    %add3A_122 = arith.addi %mul3A_2, %add3A_121 : i32
    "tpu.region"() ({
      %run_scoped3A = tpu.sem_alloc : memref<!tpu.dma_semaphore, #tpu.memory_space<semaphore_mem>>
      %dma_start3A_257 = tpu.memref_slice %arg2[%add3A_122] : memref<524288xi32, #tpu.memory_space<hbm>> -> memref<1024xi32, #tpu.memory_space<hbm>>
      %dma_start3A_258 = tpu.memref_slice %arg2[%add3A_122] : memref<524288xi32, #tpu.memory_space<hbm>> -> memref<1024xi32, #tpu.memory_space<hbm>>
      tpu.enqueue_dma source(%dma_start3A_258 : memref<1024xi32, #tpu.memory_space<hbm>>) target(%arg7 : memref<1024xi32, #tpu.memory_space<vmem>>) target_semaphore(%run_scoped3A : memref<!tpu.dma_semaphore, #tpu.memory_space<semaphore_mem>>)
      %dma_wait3A_259 = tpu.memref_slice %arg2[%add3A_122] : memref<524288xi32, #tpu.memory_space<hbm>> -> memref<1024xi32, #tpu.memory_space<hbm>>
      %dma_wait3A_260 = tpu.memref_slice %arg2[%add3A_122] : memref<524288xi32, #tpu.memory_space<hbm>> -> memref<1024xi32, #tpu.memory_space<hbm>>
      tpu.wait_dma2 semaphore(%run_scoped3A : memref<!tpu.dma_semaphore, #tpu.memory_space<semaphore_mem>>) src(%dma_wait3A_260 : memref<1024xi32, #tpu.memory_space<hbm>>) dst(%arg7 : memref<1024xi32, #tpu.memory_space<vmem>>)
      tpu.yield
    }) : () -> ()
    %dma_start3A_123 = arith.constant 0 : i32
    %dma_start3A_124 = arith.constant 0 : i32
    %dma_start3A_125 = tpu.memref_slice %arg3[%dma_start3A_123, %dma_start3A_124] : memref<1003520x16xf32, #tpu.memory_space<hbm>> -> memref<1003520x16xf32, #tpu.memory_space<hbm>>
    tpu.enqueue_indirect_dma source(%dma_start3A_125 : memref<1003520x16xf32, #tpu.memory_space<hbm>>) target(%arg9 : memref<1024x16xf32, #tpu.memory_space<vmem>>) offsets(%arg7 : memref<1024xi32, #tpu.memory_space<vmem>>) semaphore(%arg13 : memref<!tpu.dma_semaphore, #tpu.memory_space<semaphore_mem>>)
    %dma_start3A_126 = arith.constant 0 : i32
    %dma_start3A_127 = arith.constant 0 : i32
    %dma_start3A_128 = tpu.memref_slice %arg4[%dma_start3A_126, %dma_start3A_127] : memref<1003520x16xf32, #tpu.memory_space<hbm>> -> memref<1003520x16xf32, #tpu.memory_space<hbm>>
    tpu.enqueue_indirect_dma source(%dma_start3A_128 : memref<1003520x16xf32, #tpu.memory_space<hbm>>) target(%arg11 : memref<1024x16xf32, #tpu.memory_space<vmem>>) offsets(%arg7 : memref<1024xi32, #tpu.memory_space<vmem>>) semaphore(%arg15 : memref<!tpu.dma_semaphore, #tpu.memory_space<semaphore_mem>>)
    %dma_wait3A_129 = arith.constant 0 : i32
    %dma_wait3A_130 = arith.constant 0 : i32
    %dma_wait3A_131 = tpu.memref_slice %arg3[%dma_wait3A_129, %dma_wait3A_130] : memref<1003520x16xf32, #tpu.memory_space<hbm>> -> memref<1003520x16xf32, #tpu.memory_space<hbm>>
    tpu.wait_indirect_dma semaphore(%arg14 : memref<!tpu.dma_semaphore, #tpu.memory_space<semaphore_mem>>) src(%dma_wait3A_131 : memref<1003520x16xf32, #tpu.memory_space<hbm>>) dst(%arg10 : memref<1024x16xf32, #tpu.memory_space<vmem>>)
    %dma_wait3A_132 = arith.constant 0 : i32
    %dma_wait3A_133 = arith.constant 0 : i32
    %dma_wait3A_134 = tpu.memref_slice %arg4[%dma_wait3A_132, %dma_wait3A_133] : memref<1003520x16xf32, #tpu.memory_space<hbm>> -> memref<1003520x16xf32, #tpu.memory_space<hbm>>
    tpu.wait_indirect_dma semaphore(%arg16 : memref<!tpu.dma_semaphore, #tpu.memory_space<semaphore_mem>>) src(%dma_wait3A_134 : memref<1003520x16xf32, #tpu.memory_space<hbm>>) dst(%arg12 : memref<1024x16xf32, #tpu.memory_space<vmem>>)
    %add3A_135 = arith.constant 7168 : i32
    %add3A_136 = arith.addi %mul3A_2, %add3A_135 : i32
    "tpu.region"() ({
      %run_scoped3A = tpu.sem_alloc : memref<!tpu.dma_semaphore, #tpu.memory_space<semaphore_mem>>
      %dma_start3A_257 = arith.constant 0 : i32
      %dma_start3A_258 = tpu.memref_slice %arg5[%add3A_136, %dma_start3A_257] : memref<524288x16xf32, #tpu.memory_space<hbm>> -> memref<1024x16xf32, #tpu.memory_space<hbm>>
      %dma_start3A_259 = arith.constant 0 : i32
      %dma_start3A_260 = tpu.memref_slice %arg5[%add3A_136, %dma_start3A_259] : memref<524288x16xf32, #tpu.memory_space<hbm>> -> memref<1024x16xf32, #tpu.memory_space<hbm>>
      tpu.enqueue_dma source(%arg10 : memref<1024x16xf32, #tpu.memory_space<vmem>>) target(%dma_start3A_260 : memref<1024x16xf32, #tpu.memory_space<hbm>>) target_semaphore(%run_scoped3A : memref<!tpu.dma_semaphore, #tpu.memory_space<semaphore_mem>>)
      %dma_wait3A_261 = arith.constant 0 : i32
      %dma_wait3A_262 = tpu.memref_slice %arg5[%add3A_136, %dma_wait3A_261] : memref<524288x16xf32, #tpu.memory_space<hbm>> -> memref<1024x16xf32, #tpu.memory_space<hbm>>
      %dma_wait3A_263 = arith.constant 0 : i32
      %dma_wait3A_264 = tpu.memref_slice %arg5[%add3A_136, %dma_wait3A_263] : memref<524288x16xf32, #tpu.memory_space<hbm>> -> memref<1024x16xf32, #tpu.memory_space<hbm>>
      tpu.wait_dma2 semaphore(%run_scoped3A : memref<!tpu.dma_semaphore, #tpu.memory_space<semaphore_mem>>) src(%arg10 : memref<1024x16xf32, #tpu.memory_space<vmem>>) dst(%dma_wait3A_264 : memref<1024x16xf32, #tpu.memory_space<hbm>>)
      tpu.yield
    }) : () -> ()
    "tpu.region"() ({
      %run_scoped3A = tpu.sem_alloc : memref<!tpu.dma_semaphore, #tpu.memory_space<semaphore_mem>>
      %dma_start3A_257 = arith.constant 0 : i32
      %dma_start3A_258 = tpu.memref_slice %arg6[%add3A_136, %dma_start3A_257] : memref<524288x16xf32, #tpu.memory_space<hbm>> -> memref<1024x16xf32, #tpu.memory_space<hbm>>
      %dma_start3A_259 = arith.constant 0 : i32
      %dma_start3A_260 = tpu.memref_slice %arg6[%add3A_136, %dma_start3A_259] : memref<524288x16xf32, #tpu.memory_space<hbm>> -> memref<1024x16xf32, #tpu.memory_space<hbm>>
      tpu.enqueue_dma source(%arg12 : memref<1024x16xf32, #tpu.memory_space<vmem>>) target(%dma_start3A_260 : memref<1024x16xf32, #tpu.memory_space<hbm>>) target_semaphore(%run_scoped3A : memref<!tpu.dma_semaphore, #tpu.memory_space<semaphore_mem>>)
      %dma_wait3A_261 = arith.constant 0 : i32
      %dma_wait3A_262 = tpu.memref_slice %arg6[%add3A_136, %dma_wait3A_261] : memref<524288x16xf32, #tpu.memory_space<hbm>> -> memref<1024x16xf32, #tpu.memory_space<hbm>>
      %dma_wait3A_263 = arith.constant 0 : i32
      %dma_wait3A_264 = tpu.memref_slice %arg6[%add3A_136, %dma_wait3A_263] : memref<524288x16xf32, #tpu.memory_space<hbm>> -> memref<1024x16xf32, #tpu.memory_space<hbm>>
      tpu.wait_dma2 semaphore(%run_scoped3A : memref<!tpu.dma_semaphore, #tpu.memory_space<semaphore_mem>>) src(%arg12 : memref<1024x16xf32, #tpu.memory_space<vmem>>) dst(%dma_wait3A_264 : memref<1024x16xf32, #tpu.memory_space<hbm>>)
      tpu.yield
    }) : () -> ()
    %add3A_137 = arith.constant 9216 : i32
    %add3A_138 = arith.addi %mul3A_2, %add3A_137 : i32
    "tpu.region"() ({
      %run_scoped3A = tpu.sem_alloc : memref<!tpu.dma_semaphore, #tpu.memory_space<semaphore_mem>>
      %dma_start3A_257 = tpu.memref_slice %arg2[%add3A_138] : memref<524288xi32, #tpu.memory_space<hbm>> -> memref<1024xi32, #tpu.memory_space<hbm>>
      %dma_start3A_258 = tpu.memref_slice %arg2[%add3A_138] : memref<524288xi32, #tpu.memory_space<hbm>> -> memref<1024xi32, #tpu.memory_space<hbm>>
      tpu.enqueue_dma source(%dma_start3A_258 : memref<1024xi32, #tpu.memory_space<hbm>>) target(%arg8 : memref<1024xi32, #tpu.memory_space<vmem>>) target_semaphore(%run_scoped3A : memref<!tpu.dma_semaphore, #tpu.memory_space<semaphore_mem>>)
      %dma_wait3A_259 = tpu.memref_slice %arg2[%add3A_138] : memref<524288xi32, #tpu.memory_space<hbm>> -> memref<1024xi32, #tpu.memory_space<hbm>>
      %dma_wait3A_260 = tpu.memref_slice %arg2[%add3A_138] : memref<524288xi32, #tpu.memory_space<hbm>> -> memref<1024xi32, #tpu.memory_space<hbm>>
      tpu.wait_dma2 semaphore(%run_scoped3A : memref<!tpu.dma_semaphore, #tpu.memory_space<semaphore_mem>>) src(%dma_wait3A_260 : memref<1024xi32, #tpu.memory_space<hbm>>) dst(%arg8 : memref<1024xi32, #tpu.memory_space<vmem>>)
      tpu.yield
    }) : () -> ()
    %dma_start3A_139 = arith.constant 0 : i32
    %dma_start3A_140 = arith.constant 0 : i32
    %dma_start3A_141 = tpu.memref_slice %arg3[%dma_start3A_139, %dma_start3A_140] : memref<1003520x16xf32, #tpu.memory_space<hbm>> -> memref<1003520x16xf32, #tpu.memory_space<hbm>>
    tpu.enqueue_indirect_dma source(%dma_start3A_141 : memref<1003520x16xf32, #tpu.memory_space<hbm>>) target(%arg10 : memref<1024x16xf32, #tpu.memory_space<vmem>>) offsets(%arg8 : memref<1024xi32, #tpu.memory_space<vmem>>) semaphore(%arg14 : memref<!tpu.dma_semaphore, #tpu.memory_space<semaphore_mem>>)
    %dma_start3A_142 = arith.constant 0 : i32
    %dma_start3A_143 = arith.constant 0 : i32
    %dma_start3A_144 = tpu.memref_slice %arg4[%dma_start3A_142, %dma_start3A_143] : memref<1003520x16xf32, #tpu.memory_space<hbm>> -> memref<1003520x16xf32, #tpu.memory_space<hbm>>
    tpu.enqueue_indirect_dma source(%dma_start3A_144 : memref<1003520x16xf32, #tpu.memory_space<hbm>>) target(%arg12 : memref<1024x16xf32, #tpu.memory_space<vmem>>) offsets(%arg8 : memref<1024xi32, #tpu.memory_space<vmem>>) semaphore(%arg16 : memref<!tpu.dma_semaphore, #tpu.memory_space<semaphore_mem>>)
    %dma_wait3A_145 = arith.constant 0 : i32
    %dma_wait3A_146 = arith.constant 0 : i32
    %dma_wait3A_147 = tpu.memref_slice %arg3[%dma_wait3A_145, %dma_wait3A_146] : memref<1003520x16xf32, #tpu.memory_space<hbm>> -> memref<1003520x16xf32, #tpu.memory_space<hbm>>
    tpu.wait_indirect_dma semaphore(%arg13 : memref<!tpu.dma_semaphore, #tpu.memory_space<semaphore_mem>>) src(%dma_wait3A_147 : memref<1003520x16xf32, #tpu.memory_space<hbm>>) dst(%arg9 : memref<1024x16xf32, #tpu.memory_space<vmem>>)
    %dma_wait3A_148 = arith.constant 0 : i32
    %dma_wait3A_149 = arith.constant 0 : i32
    %dma_wait3A_150 = tpu.memref_slice %arg4[%dma_wait3A_148, %dma_wait3A_149] : memref<1003520x16xf32, #tpu.memory_space<hbm>> -> memref<1003520x16xf32, #tpu.memory_space<hbm>>
    tpu.wait_indirect_dma semaphore(%arg15 : memref<!tpu.dma_semaphore, #tpu.memory_space<semaphore_mem>>) src(%dma_wait3A_150 : memref<1003520x16xf32, #tpu.memory_space<hbm>>) dst(%arg11 : memref<1024x16xf32, #tpu.memory_space<vmem>>)
    %add3A_151 = arith.constant 8192 : i32
    %add3A_152 = arith.addi %mul3A_2, %add3A_151 : i32
    "tpu.region"() ({
      %run_scoped3A = tpu.sem_alloc : memref<!tpu.dma_semaphore, #tpu.memory_space<semaphore_mem>>
      %dma_start3A_257 = arith.constant 0 : i32
      %dma_start3A_258 = tpu.memref_slice %arg5[%add3A_152, %dma_start3A_257] : memref<524288x16xf32, #tpu.memory_space<hbm>> -> memref<1024x16xf32, #tpu.memory_space<hbm>>
      %dma_start3A_259 = arith.constant 0 : i32
      %dma_start3A_260 = tpu.memref_slice %arg5[%add3A_152, %dma_start3A_259] : memref<524288x16xf32, #tpu.memory_space<hbm>> -> memref<1024x16xf32, #tpu.memory_space<hbm>>
      tpu.enqueue_dma source(%arg9 : memref<1024x16xf32, #tpu.memory_space<vmem>>) target(%dma_start3A_260 : memref<1024x16xf32, #tpu.memory_space<hbm>>) target_semaphore(%run_scoped3A : memref<!tpu.dma_semaphore, #tpu.memory_space<semaphore_mem>>)
      %dma_wait3A_261 = arith.constant 0 : i32
      %dma_wait3A_262 = tpu.memref_slice %arg5[%add3A_152, %dma_wait3A_261] : memref<524288x16xf32, #tpu.memory_space<hbm>> -> memref<1024x16xf32, #tpu.memory_space<hbm>>
      %dma_wait3A_263 = arith.constant 0 : i32
      %dma_wait3A_264 = tpu.memref_slice %arg5[%add3A_152, %dma_wait3A_263] : memref<524288x16xf32, #tpu.memory_space<hbm>> -> memref<1024x16xf32, #tpu.memory_space<hbm>>
      tpu.wait_dma2 semaphore(%run_scoped3A : memref<!tpu.dma_semaphore, #tpu.memory_space<semaphore_mem>>) src(%arg9 : memref<1024x16xf32, #tpu.memory_space<vmem>>) dst(%dma_wait3A_264 : memref<1024x16xf32, #tpu.memory_space<hbm>>)
      tpu.yield
    }) : () -> ()
    "tpu.region"() ({
      %run_scoped3A = tpu.sem_alloc : memref<!tpu.dma_semaphore, #tpu.memory_space<semaphore_mem>>
      %dma_start3A_257 = arith.constant 0 : i32
      %dma_start3A_258 = tpu.memref_slice %arg6[%add3A_152, %dma_start3A_257] : memref<524288x16xf32, #tpu.memory_space<hbm>> -> memref<1024x16xf32, #tpu.memory_space<hbm>>
      %dma_start3A_259 = arith.constant 0 : i32
      %dma_start3A_260 = tpu.memref_slice %arg6[%add3A_152, %dma_start3A_259] : memref<524288x16xf32, #tpu.memory_space<hbm>> -> memref<1024x16xf32, #tpu.memory_space<hbm>>
      tpu.enqueue_dma source(%arg11 : memref<1024x16xf32, #tpu.memory_space<vmem>>) target(%dma_start3A_260 : memref<1024x16xf32, #tpu.memory_space<hbm>>) target_semaphore(%run_scoped3A : memref<!tpu.dma_semaphore, #tpu.memory_space<semaphore_mem>>)
      %dma_wait3A_261 = arith.constant 0 : i32
      %dma_wait3A_262 = tpu.memref_slice %arg6[%add3A_152, %dma_wait3A_261] : memref<524288x16xf32, #tpu.memory_space<hbm>> -> memref<1024x16xf32, #tpu.memory_space<hbm>>
      %dma_wait3A_263 = arith.constant 0 : i32
      %dma_wait3A_264 = tpu.memref_slice %arg6[%add3A_152, %dma_wait3A_263] : memref<524288x16xf32, #tpu.memory_space<hbm>> -> memref<1024x16xf32, #tpu.memory_space<hbm>>
      tpu.wait_dma2 semaphore(%run_scoped3A : memref<!tpu.dma_semaphore, #tpu.memory_space<semaphore_mem>>) src(%arg11 : memref<1024x16xf32, #tpu.memory_space<vmem>>) dst(%dma_wait3A_264 : memref<1024x16xf32, #tpu.memory_space<hbm>>)
      tpu.yield
    }) : () -> ()
    %add3A_153 = arith.constant 10240 : i32
    %add3A_154 = arith.addi %mul3A_2, %add3A_153 : i32
    "tpu.region"() ({
      %run_scoped3A = tpu.sem_alloc : memref<!tpu.dma_semaphore, #tpu.memory_space<semaphore_mem>>
      %dma_start3A_257 = tpu.memref_slice %arg2[%add3A_154] : memref<524288xi32, #tpu.memory_space<hbm>> -> memref<1024xi32, #tpu.memory_space<hbm>>
      %dma_start3A_258 = tpu.memref_slice %arg2[%add3A_154] : memref<524288xi32, #tpu.memory_space<hbm>> -> memref<1024xi32, #tpu.memory_space<hbm>>
      tpu.enqueue_dma source(%dma_start3A_258 : memref<1024xi32, #tpu.memory_space<hbm>>) target(%arg7 : memref<1024xi32, #tpu.memory_space<vmem>>) target_semaphore(%run_scoped3A : memref<!tpu.dma_semaphore, #tpu.memory_space<semaphore_mem>>)
      %dma_wait3A_259 = tpu.memref_slice %arg2[%add3A_154] : memref<524288xi32, #tpu.memory_space<hbm>> -> memref<1024xi32, #tpu.memory_space<hbm>>
      %dma_wait3A_260 = tpu.memref_slice %arg2[%add3A_154] : memref<524288xi32, #tpu.memory_space<hbm>> -> memref<1024xi32, #tpu.memory_space<hbm>>
      tpu.wait_dma2 semaphore(%run_scoped3A : memref<!tpu.dma_semaphore, #tpu.memory_space<semaphore_mem>>) src(%dma_wait3A_260 : memref<1024xi32, #tpu.memory_space<hbm>>) dst(%arg7 : memref<1024xi32, #tpu.memory_space<vmem>>)
      tpu.yield
    }) : () -> ()
    %dma_start3A_155 = arith.constant 0 : i32
    %dma_start3A_156 = arith.constant 0 : i32
    %dma_start3A_157 = tpu.memref_slice %arg3[%dma_start3A_155, %dma_start3A_156] : memref<1003520x16xf32, #tpu.memory_space<hbm>> -> memref<1003520x16xf32, #tpu.memory_space<hbm>>
    tpu.enqueue_indirect_dma source(%dma_start3A_157 : memref<1003520x16xf32, #tpu.memory_space<hbm>>) target(%arg9 : memref<1024x16xf32, #tpu.memory_space<vmem>>) offsets(%arg7 : memref<1024xi32, #tpu.memory_space<vmem>>) semaphore(%arg13 : memref<!tpu.dma_semaphore, #tpu.memory_space<semaphore_mem>>)
    %dma_start3A_158 = arith.constant 0 : i32
    %dma_start3A_159 = arith.constant 0 : i32
    %dma_start3A_160 = tpu.memref_slice %arg4[%dma_start3A_158, %dma_start3A_159] : memref<1003520x16xf32, #tpu.memory_space<hbm>> -> memref<1003520x16xf32, #tpu.memory_space<hbm>>
    tpu.enqueue_indirect_dma source(%dma_start3A_160 : memref<1003520x16xf32, #tpu.memory_space<hbm>>) target(%arg11 : memref<1024x16xf32, #tpu.memory_space<vmem>>) offsets(%arg7 : memref<1024xi32, #tpu.memory_space<vmem>>) semaphore(%arg15 : memref<!tpu.dma_semaphore, #tpu.memory_space<semaphore_mem>>)
    %dma_wait3A_161 = arith.constant 0 : i32
    %dma_wait3A_162 = arith.constant 0 : i32
    %dma_wait3A_163 = tpu.memref_slice %arg3[%dma_wait3A_161, %dma_wait3A_162] : memref<1003520x16xf32, #tpu.memory_space<hbm>> -> memref<1003520x16xf32, #tpu.memory_space<hbm>>
    tpu.wait_indirect_dma semaphore(%arg14 : memref<!tpu.dma_semaphore, #tpu.memory_space<semaphore_mem>>) src(%dma_wait3A_163 : memref<1003520x16xf32, #tpu.memory_space<hbm>>) dst(%arg10 : memref<1024x16xf32, #tpu.memory_space<vmem>>)
    %dma_wait3A_164 = arith.constant 0 : i32
    %dma_wait3A_165 = arith.constant 0 : i32
    %dma_wait3A_166 = tpu.memref_slice %arg4[%dma_wait3A_164, %dma_wait3A_165] : memref<1003520x16xf32, #tpu.memory_space<hbm>> -> memref<1003520x16xf32, #tpu.memory_space<hbm>>
    tpu.wait_indirect_dma semaphore(%arg16 : memref<!tpu.dma_semaphore, #tpu.memory_space<semaphore_mem>>) src(%dma_wait3A_166 : memref<1003520x16xf32, #tpu.memory_space<hbm>>) dst(%arg12 : memref<1024x16xf32, #tpu.memory_space<vmem>>)
    %add3A_167 = arith.constant 9216 : i32
    %add3A_168 = arith.addi %mul3A_2, %add3A_167 : i32
    "tpu.region"() ({
      %run_scoped3A = tpu.sem_alloc : memref<!tpu.dma_semaphore, #tpu.memory_space<semaphore_mem>>
      %dma_start3A_257 = arith.constant 0 : i32
      %dma_start3A_258 = tpu.memref_slice %arg5[%add3A_168, %dma_start3A_257] : memref<524288x16xf32, #tpu.memory_space<hbm>> -> memref<1024x16xf32, #tpu.memory_space<hbm>>
      %dma_start3A_259 = arith.constant 0 : i32
      %dma_start3A_260 = tpu.memref_slice %arg5[%add3A_168, %dma_start3A_259] : memref<524288x16xf32, #tpu.memory_space<hbm>> -> memref<1024x16xf32, #tpu.memory_space<hbm>>
      tpu.enqueue_dma source(%arg10 : memref<1024x16xf32, #tpu.memory_space<vmem>>) target(%dma_start3A_260 : memref<1024x16xf32, #tpu.memory_space<hbm>>) target_semaphore(%run_scoped3A : memref<!tpu.dma_semaphore, #tpu.memory_space<semaphore_mem>>)
      %dma_wait3A_261 = arith.constant 0 : i32
      %dma_wait3A_262 = tpu.memref_slice %arg5[%add3A_168, %dma_wait3A_261] : memref<524288x16xf32, #tpu.memory_space<hbm>> -> memref<1024x16xf32, #tpu.memory_space<hbm>>
      %dma_wait3A_263 = arith.constant 0 : i32
      %dma_wait3A_264 = tpu.memref_slice %arg5[%add3A_168, %dma_wait3A_263] : memref<524288x16xf32, #tpu.memory_space<hbm>> -> memref<1024x16xf32, #tpu.memory_space<hbm>>
      tpu.wait_dma2 semaphore(%run_scoped3A : memref<!tpu.dma_semaphore, #tpu.memory_space<semaphore_mem>>) src(%arg10 : memref<1024x16xf32, #tpu.memory_space<vmem>>) dst(%dma_wait3A_264 : memref<1024x16xf32, #tpu.memory_space<hbm>>)
      tpu.yield
    }) : () -> ()
    "tpu.region"() ({
      %run_scoped3A = tpu.sem_alloc : memref<!tpu.dma_semaphore, #tpu.memory_space<semaphore_mem>>
      %dma_start3A_257 = arith.constant 0 : i32
      %dma_start3A_258 = tpu.memref_slice %arg6[%add3A_168, %dma_start3A_257] : memref<524288x16xf32, #tpu.memory_space<hbm>> -> memref<1024x16xf32, #tpu.memory_space<hbm>>
      %dma_start3A_259 = arith.constant 0 : i32
      %dma_start3A_260 = tpu.memref_slice %arg6[%add3A_168, %dma_start3A_259] : memref<524288x16xf32, #tpu.memory_space<hbm>> -> memref<1024x16xf32, #tpu.memory_space<hbm>>
      tpu.enqueue_dma source(%arg12 : memref<1024x16xf32, #tpu.memory_space<vmem>>) target(%dma_start3A_260 : memref<1024x16xf32, #tpu.memory_space<hbm>>) target_semaphore(%run_scoped3A : memref<!tpu.dma_semaphore, #tpu.memory_space<semaphore_mem>>)
      %dma_wait3A_261 = arith.constant 0 : i32
      %dma_wait3A_262 = tpu.memref_slice %arg6[%add3A_168, %dma_wait3A_261] : memref<524288x16xf32, #tpu.memory_space<hbm>> -> memref<1024x16xf32, #tpu.memory_space<hbm>>
      %dma_wait3A_263 = arith.constant 0 : i32
      %dma_wait3A_264 = tpu.memref_slice %arg6[%add3A_168, %dma_wait3A_263] : memref<524288x16xf32, #tpu.memory_space<hbm>> -> memref<1024x16xf32, #tpu.memory_space<hbm>>
      tpu.wait_dma2 semaphore(%run_scoped3A : memref<!tpu.dma_semaphore, #tpu.memory_space<semaphore_mem>>) src(%arg12 : memref<1024x16xf32, #tpu.memory_space<vmem>>) dst(%dma_wait3A_264 : memref<1024x16xf32, #tpu.memory_space<hbm>>)
      tpu.yield
    }) : () -> ()
    %add3A_169 = arith.constant 11264 : i32
    %add3A_170 = arith.addi %mul3A_2, %add3A_169 : i32
    "tpu.region"() ({
      %run_scoped3A = tpu.sem_alloc : memref<!tpu.dma_semaphore, #tpu.memory_space<semaphore_mem>>
      %dma_start3A_257 = tpu.memref_slice %arg2[%add3A_170] : memref<524288xi32, #tpu.memory_space<hbm>> -> memref<1024xi32, #tpu.memory_space<hbm>>
      %dma_start3A_258 = tpu.memref_slice %arg2[%add3A_170] : memref<524288xi32, #tpu.memory_space<hbm>> -> memref<1024xi32, #tpu.memory_space<hbm>>
      tpu.enqueue_dma source(%dma_start3A_258 : memref<1024xi32, #tpu.memory_space<hbm>>) target(%arg8 : memref<1024xi32, #tpu.memory_space<vmem>>) target_semaphore(%run_scoped3A : memref<!tpu.dma_semaphore, #tpu.memory_space<semaphore_mem>>)
      %dma_wait3A_259 = tpu.memref_slice %arg2[%add3A_170] : memref<524288xi32, #tpu.memory_space<hbm>> -> memref<1024xi32, #tpu.memory_space<hbm>>
      %dma_wait3A_260 = tpu.memref_slice %arg2[%add3A_170] : memref<524288xi32, #tpu.memory_space<hbm>> -> memref<1024xi32, #tpu.memory_space<hbm>>
      tpu.wait_dma2 semaphore(%run_scoped3A : memref<!tpu.dma_semaphore, #tpu.memory_space<semaphore_mem>>) src(%dma_wait3A_260 : memref<1024xi32, #tpu.memory_space<hbm>>) dst(%arg8 : memref<1024xi32, #tpu.memory_space<vmem>>)
      tpu.yield
    }) : () -> ()
    %dma_start3A_171 = arith.constant 0 : i32
    %dma_start3A_172 = arith.constant 0 : i32
    %dma_start3A_173 = tpu.memref_slice %arg3[%dma_start3A_171, %dma_start3A_172] : memref<1003520x16xf32, #tpu.memory_space<hbm>> -> memref<1003520x16xf32, #tpu.memory_space<hbm>>
    tpu.enqueue_indirect_dma source(%dma_start3A_173 : memref<1003520x16xf32, #tpu.memory_space<hbm>>) target(%arg10 : memref<1024x16xf32, #tpu.memory_space<vmem>>) offsets(%arg8 : memref<1024xi32, #tpu.memory_space<vmem>>) semaphore(%arg14 : memref<!tpu.dma_semaphore, #tpu.memory_space<semaphore_mem>>)
    %dma_start3A_174 = arith.constant 0 : i32
    %dma_start3A_175 = arith.constant 0 : i32
    %dma_start3A_176 = tpu.memref_slice %arg4[%dma_start3A_174, %dma_start3A_175] : memref<1003520x16xf32, #tpu.memory_space<hbm>> -> memref<1003520x16xf32, #tpu.memory_space<hbm>>
    tpu.enqueue_indirect_dma source(%dma_start3A_176 : memref<1003520x16xf32, #tpu.memory_space<hbm>>) target(%arg12 : memref<1024x16xf32, #tpu.memory_space<vmem>>) offsets(%arg8 : memref<1024xi32, #tpu.memory_space<vmem>>) semaphore(%arg16 : memref<!tpu.dma_semaphore, #tpu.memory_space<semaphore_mem>>)
    %dma_wait3A_177 = arith.constant 0 : i32
    %dma_wait3A_178 = arith.constant 0 : i32
    %dma_wait3A_179 = tpu.memref_slice %arg3[%dma_wait3A_177, %dma_wait3A_178] : memref<1003520x16xf32, #tpu.memory_space<hbm>> -> memref<1003520x16xf32, #tpu.memory_space<hbm>>
    tpu.wait_indirect_dma semaphore(%arg13 : memref<!tpu.dma_semaphore, #tpu.memory_space<semaphore_mem>>) src(%dma_wait3A_179 : memref<1003520x16xf32, #tpu.memory_space<hbm>>) dst(%arg9 : memref<1024x16xf32, #tpu.memory_space<vmem>>)
    %dma_wait3A_180 = arith.constant 0 : i32
    %dma_wait3A_181 = arith.constant 0 : i32
    %dma_wait3A_182 = tpu.memref_slice %arg4[%dma_wait3A_180, %dma_wait3A_181] : memref<1003520x16xf32, #tpu.memory_space<hbm>> -> memref<1003520x16xf32, #tpu.memory_space<hbm>>
    tpu.wait_indirect_dma semaphore(%arg15 : memref<!tpu.dma_semaphore, #tpu.memory_space<semaphore_mem>>) src(%dma_wait3A_182 : memref<1003520x16xf32, #tpu.memory_space<hbm>>) dst(%arg11 : memref<1024x16xf32, #tpu.memory_space<vmem>>)
    %add3A_183 = arith.constant 10240 : i32
    %add3A_184 = arith.addi %mul3A_2, %add3A_183 : i32
    "tpu.region"() ({
      %run_scoped3A = tpu.sem_alloc : memref<!tpu.dma_semaphore, #tpu.memory_space<semaphore_mem>>
      %dma_start3A_257 = arith.constant 0 : i32
      %dma_start3A_258 = tpu.memref_slice %arg5[%add3A_184, %dma_start3A_257] : memref<524288x16xf32, #tpu.memory_space<hbm>> -> memref<1024x16xf32, #tpu.memory_space<hbm>>
      %dma_start3A_259 = arith.constant 0 : i32
      %dma_start3A_260 = tpu.memref_slice %arg5[%add3A_184, %dma_start3A_259] : memref<524288x16xf32, #tpu.memory_space<hbm>> -> memref<1024x16xf32, #tpu.memory_space<hbm>>
      tpu.enqueue_dma source(%arg9 : memref<1024x16xf32, #tpu.memory_space<vmem>>) target(%dma_start3A_260 : memref<1024x16xf32, #tpu.memory_space<hbm>>) target_semaphore(%run_scoped3A : memref<!tpu.dma_semaphore, #tpu.memory_space<semaphore_mem>>)
      %dma_wait3A_261 = arith.constant 0 : i32
      %dma_wait3A_262 = tpu.memref_slice %arg5[%add3A_184, %dma_wait3A_261] : memref<524288x16xf32, #tpu.memory_space<hbm>> -> memref<1024x16xf32, #tpu.memory_space<hbm>>
      %dma_wait3A_263 = arith.constant 0 : i32
      %dma_wait3A_264 = tpu.memref_slice %arg5[%add3A_184, %dma_wait3A_263] : memref<524288x16xf32, #tpu.memory_space<hbm>> -> memref<1024x16xf32, #tpu.memory_space<hbm>>
      tpu.wait_dma2 semaphore(%run_scoped3A : memref<!tpu.dma_semaphore, #tpu.memory_space<semaphore_mem>>) src(%arg9 : memref<1024x16xf32, #tpu.memory_space<vmem>>) dst(%dma_wait3A_264 : memref<1024x16xf32, #tpu.memory_space<hbm>>)
      tpu.yield
    }) : () -> ()
    "tpu.region"() ({
      %run_scoped3A = tpu.sem_alloc : memref<!tpu.dma_semaphore, #tpu.memory_space<semaphore_mem>>
      %dma_start3A_257 = arith.constant 0 : i32
      %dma_start3A_258 = tpu.memref_slice %arg6[%add3A_184, %dma_start3A_257] : memref<524288x16xf32, #tpu.memory_space<hbm>> -> memref<1024x16xf32, #tpu.memory_space<hbm>>
      %dma_start3A_259 = arith.constant 0 : i32
      %dma_start3A_260 = tpu.memref_slice %arg6[%add3A_184, %dma_start3A_259] : memref<524288x16xf32, #tpu.memory_space<hbm>> -> memref<1024x16xf32, #tpu.memory_space<hbm>>
      tpu.enqueue_dma source(%arg11 : memref<1024x16xf32, #tpu.memory_space<vmem>>) target(%dma_start3A_260 : memref<1024x16xf32, #tpu.memory_space<hbm>>) target_semaphore(%run_scoped3A : memref<!tpu.dma_semaphore, #tpu.memory_space<semaphore_mem>>)
      %dma_wait3A_261 = arith.constant 0 : i32
      %dma_wait3A_262 = tpu.memref_slice %arg6[%add3A_184, %dma_wait3A_261] : memref<524288x16xf32, #tpu.memory_space<hbm>> -> memref<1024x16xf32, #tpu.memory_space<hbm>>
      %dma_wait3A_263 = arith.constant 0 : i32
      %dma_wait3A_264 = tpu.memref_slice %arg6[%add3A_184, %dma_wait3A_263] : memref<524288x16xf32, #tpu.memory_space<hbm>> -> memref<1024x16xf32, #tpu.memory_space<hbm>>
      tpu.wait_dma2 semaphore(%run_scoped3A : memref<!tpu.dma_semaphore, #tpu.memory_space<semaphore_mem>>) src(%arg11 : memref<1024x16xf32, #tpu.memory_space<vmem>>) dst(%dma_wait3A_264 : memref<1024x16xf32, #tpu.memory_space<hbm>>)
      tpu.yield
    }) : () -> ()
    %add3A_185 = arith.constant 12288 : i32
    %add3A_186 = arith.addi %mul3A_2, %add3A_185 : i32
    "tpu.region"() ({
      %run_scoped3A = tpu.sem_alloc : memref<!tpu.dma_semaphore, #tpu.memory_space<semaphore_mem>>
      %dma_start3A_257 = tpu.memref_slice %arg2[%add3A_186] : memref<524288xi32, #tpu.memory_space<hbm>> -> memref<1024xi32, #tpu.memory_space<hbm>>
      %dma_start3A_258 = tpu.memref_slice %arg2[%add3A_186] : memref<524288xi32, #tpu.memory_space<hbm>> -> memref<1024xi32, #tpu.memory_space<hbm>>
      tpu.enqueue_dma source(%dma_start3A_258 : memref<1024xi32, #tpu.memory_space<hbm>>) target(%arg7 : memref<1024xi32, #tpu.memory_space<vmem>>) target_semaphore(%run_scoped3A : memref<!tpu.dma_semaphore, #tpu.memory_space<semaphore_mem>>)
      %dma_wait3A_259 = tpu.memref_slice %arg2[%add3A_186] : memref<524288xi32, #tpu.memory_space<hbm>> -> memref<1024xi32, #tpu.memory_space<hbm>>
      %dma_wait3A_260 = tpu.memref_slice %arg2[%add3A_186] : memref<524288xi32, #tpu.memory_space<hbm>> -> memref<1024xi32, #tpu.memory_space<hbm>>
      tpu.wait_dma2 semaphore(%run_scoped3A : memref<!tpu.dma_semaphore, #tpu.memory_space<semaphore_mem>>) src(%dma_wait3A_260 : memref<1024xi32, #tpu.memory_space<hbm>>) dst(%arg7 : memref<1024xi32, #tpu.memory_space<vmem>>)
      tpu.yield
    }) : () -> ()
    %dma_start3A_187 = arith.constant 0 : i32
    %dma_start3A_188 = arith.constant 0 : i32
    %dma_start3A_189 = tpu.memref_slice %arg3[%dma_start3A_187, %dma_start3A_188] : memref<1003520x16xf32, #tpu.memory_space<hbm>> -> memref<1003520x16xf32, #tpu.memory_space<hbm>>
    tpu.enqueue_indirect_dma source(%dma_start3A_189 : memref<1003520x16xf32, #tpu.memory_space<hbm>>) target(%arg9 : memref<1024x16xf32, #tpu.memory_space<vmem>>) offsets(%arg7 : memref<1024xi32, #tpu.memory_space<vmem>>) semaphore(%arg13 : memref<!tpu.dma_semaphore, #tpu.memory_space<semaphore_mem>>)
    %dma_start3A_190 = arith.constant 0 : i32
    %dma_start3A_191 = arith.constant 0 : i32
    %dma_start3A_192 = tpu.memref_slice %arg4[%dma_start3A_190, %dma_start3A_191] : memref<1003520x16xf32, #tpu.memory_space<hbm>> -> memref<1003520x16xf32, #tpu.memory_space<hbm>>
    tpu.enqueue_indirect_dma source(%dma_start3A_192 : memref<1003520x16xf32, #tpu.memory_space<hbm>>) target(%arg11 : memref<1024x16xf32, #tpu.memory_space<vmem>>) offsets(%arg7 : memref<1024xi32, #tpu.memory_space<vmem>>) semaphore(%arg15 : memref<!tpu.dma_semaphore, #tpu.memory_space<semaphore_mem>>)
    %dma_wait3A_193 = arith.constant 0 : i32
    %dma_wait3A_194 = arith.constant 0 : i32
    %dma_wait3A_195 = tpu.memref_slice %arg3[%dma_wait3A_193, %dma_wait3A_194] : memref<1003520x16xf32, #tpu.memory_space<hbm>> -> memref<1003520x16xf32, #tpu.memory_space<hbm>>
    tpu.wait_indirect_dma semaphore(%arg14 : memref<!tpu.dma_semaphore, #tpu.memory_space<semaphore_mem>>) src(%dma_wait3A_195 : memref<1003520x16xf32, #tpu.memory_space<hbm>>) dst(%arg10 : memref<1024x16xf32, #tpu.memory_space<vmem>>)
    %dma_wait3A_196 = arith.constant 0 : i32
    %dma_wait3A_197 = arith.constant 0 : i32
    %dma_wait3A_198 = tpu.memref_slice %arg4[%dma_wait3A_196, %dma_wait3A_197] : memref<1003520x16xf32, #tpu.memory_space<hbm>> -> memref<1003520x16xf32, #tpu.memory_space<hbm>>
    tpu.wait_indirect_dma semaphore(%arg16 : memref<!tpu.dma_semaphore, #tpu.memory_space<semaphore_mem>>) src(%dma_wait3A_198 : memref<1003520x16xf32, #tpu.memory_space<hbm>>) dst(%arg12 : memref<1024x16xf32, #tpu.memory_space<vmem>>)
    %add3A_199 = arith.constant 11264 : i32
    %add3A_200 = arith.addi %mul3A_2, %add3A_199 : i32
    "tpu.region"() ({
      %run_scoped3A = tpu.sem_alloc : memref<!tpu.dma_semaphore, #tpu.memory_space<semaphore_mem>>
      %dma_start3A_257 = arith.constant 0 : i32
      %dma_start3A_258 = tpu.memref_slice %arg5[%add3A_200, %dma_start3A_257] : memref<524288x16xf32, #tpu.memory_space<hbm>> -> memref<1024x16xf32, #tpu.memory_space<hbm>>
      %dma_start3A_259 = arith.constant 0 : i32
      %dma_start3A_260 = tpu.memref_slice %arg5[%add3A_200, %dma_start3A_259] : memref<524288x16xf32, #tpu.memory_space<hbm>> -> memref<1024x16xf32, #tpu.memory_space<hbm>>
      tpu.enqueue_dma source(%arg10 : memref<1024x16xf32, #tpu.memory_space<vmem>>) target(%dma_start3A_260 : memref<1024x16xf32, #tpu.memory_space<hbm>>) target_semaphore(%run_scoped3A : memref<!tpu.dma_semaphore, #tpu.memory_space<semaphore_mem>>)
      %dma_wait3A_261 = arith.constant 0 : i32
      %dma_wait3A_262 = tpu.memref_slice %arg5[%add3A_200, %dma_wait3A_261] : memref<524288x16xf32, #tpu.memory_space<hbm>> -> memref<1024x16xf32, #tpu.memory_space<hbm>>
      %dma_wait3A_263 = arith.constant 0 : i32
      %dma_wait3A_264 = tpu.memref_slice %arg5[%add3A_200, %dma_wait3A_263] : memref<524288x16xf32, #tpu.memory_space<hbm>> -> memref<1024x16xf32, #tpu.memory_space<hbm>>
      tpu.wait_dma2 semaphore(%run_scoped3A : memref<!tpu.dma_semaphore, #tpu.memory_space<semaphore_mem>>) src(%arg10 : memref<1024x16xf32, #tpu.memory_space<vmem>>) dst(%dma_wait3A_264 : memref<1024x16xf32, #tpu.memory_space<hbm>>)
      tpu.yield
    }) : () -> ()
    "tpu.region"() ({
      %run_scoped3A = tpu.sem_alloc : memref<!tpu.dma_semaphore, #tpu.memory_space<semaphore_mem>>
      %dma_start3A_257 = arith.constant 0 : i32
      %dma_start3A_258 = tpu.memref_slice %arg6[%add3A_200, %dma_start3A_257] : memref<524288x16xf32, #tpu.memory_space<hbm>> -> memref<1024x16xf32, #tpu.memory_space<hbm>>
      %dma_start3A_259 = arith.constant 0 : i32
      %dma_start3A_260 = tpu.memref_slice %arg6[%add3A_200, %dma_start3A_259] : memref<524288x16xf32, #tpu.memory_space<hbm>> -> memref<1024x16xf32, #tpu.memory_space<hbm>>
      tpu.enqueue_dma source(%arg12 : memref<1024x16xf32, #tpu.memory_space<vmem>>) target(%dma_start3A_260 : memref<1024x16xf32, #tpu.memory_space<hbm>>) target_semaphore(%run_scoped3A : memref<!tpu.dma_semaphore, #tpu.memory_space<semaphore_mem>>)
      %dma_wait3A_261 = arith.constant 0 : i32
      %dma_wait3A_262 = tpu.memref_slice %arg6[%add3A_200, %dma_wait3A_261] : memref<524288x16xf32, #tpu.memory_space<hbm>> -> memref<1024x16xf32, #tpu.memory_space<hbm>>
      %dma_wait3A_263 = arith.constant 0 : i32
      %dma_wait3A_264 = tpu.memref_slice %arg6[%add3A_200, %dma_wait3A_263] : memref<524288x16xf32, #tpu.memory_space<hbm>> -> memref<1024x16xf32, #tpu.memory_space<hbm>>
      tpu.wait_dma2 semaphore(%run_scoped3A : memref<!tpu.dma_semaphore, #tpu.memory_space<semaphore_mem>>) src(%arg12 : memref<1024x16xf32, #tpu.memory_space<vmem>>) dst(%dma_wait3A_264 : memref<1024x16xf32, #tpu.memory_space<hbm>>)
      tpu.yield
    }) : () -> ()
    %add3A_201 = arith.constant 13312 : i32
    %add3A_202 = arith.addi %mul3A_2, %add3A_201 : i32
    "tpu.region"() ({
      %run_scoped3A = tpu.sem_alloc : memref<!tpu.dma_semaphore, #tpu.memory_space<semaphore_mem>>
      %dma_start3A_257 = tpu.memref_slice %arg2[%add3A_202] : memref<524288xi32, #tpu.memory_space<hbm>> -> memref<1024xi32, #tpu.memory_space<hbm>>
      %dma_start3A_258 = tpu.memref_slice %arg2[%add3A_202] : memref<524288xi32, #tpu.memory_space<hbm>> -> memref<1024xi32, #tpu.memory_space<hbm>>
      tpu.enqueue_dma source(%dma_start3A_258 : memref<1024xi32, #tpu.memory_space<hbm>>) target(%arg8 : memref<1024xi32, #tpu.memory_space<vmem>>) target_semaphore(%run_scoped3A : memref<!tpu.dma_semaphore, #tpu.memory_space<semaphore_mem>>)
      %dma_wait3A_259 = tpu.memref_slice %arg2[%add3A_202] : memref<524288xi32, #tpu.memory_space<hbm>> -> memref<1024xi32, #tpu.memory_space<hbm>>
      %dma_wait3A_260 = tpu.memref_slice %arg2[%add3A_202] : memref<524288xi32, #tpu.memory_space<hbm>> -> memref<1024xi32, #tpu.memory_space<hbm>>
      tpu.wait_dma2 semaphore(%run_scoped3A : memref<!tpu.dma_semaphore, #tpu.memory_space<semaphore_mem>>) src(%dma_wait3A_260 : memref<1024xi32, #tpu.memory_space<hbm>>) dst(%arg8 : memref<1024xi32, #tpu.memory_space<vmem>>)
      tpu.yield
    }) : () -> ()
    %dma_start3A_203 = arith.constant 0 : i32
    %dma_start3A_204 = arith.constant 0 : i32
    %dma_start3A_205 = tpu.memref_slice %arg3[%dma_start3A_203, %dma_start3A_204] : memref<1003520x16xf32, #tpu.memory_space<hbm>> -> memref<1003520x16xf32, #tpu.memory_space<hbm>>
    tpu.enqueue_indirect_dma source(%dma_start3A_205 : memref<1003520x16xf32, #tpu.memory_space<hbm>>) target(%arg10 : memref<1024x16xf32, #tpu.memory_space<vmem>>) offsets(%arg8 : memref<1024xi32, #tpu.memory_space<vmem>>) semaphore(%arg14 : memref<!tpu.dma_semaphore, #tpu.memory_space<semaphore_mem>>)
    %dma_start3A_206 = arith.constant 0 : i32
    %dma_start3A_207 = arith.constant 0 : i32
    %dma_start3A_208 = tpu.memref_slice %arg4[%dma_start3A_206, %dma_start3A_207] : memref<1003520x16xf32, #tpu.memory_space<hbm>> -> memref<1003520x16xf32, #tpu.memory_space<hbm>>
    tpu.enqueue_indirect_dma source(%dma_start3A_208 : memref<1003520x16xf32, #tpu.memory_space<hbm>>) target(%arg12 : memref<1024x16xf32, #tpu.memory_space<vmem>>) offsets(%arg8 : memref<1024xi32, #tpu.memory_space<vmem>>) semaphore(%arg16 : memref<!tpu.dma_semaphore, #tpu.memory_space<semaphore_mem>>)
    %dma_wait3A_209 = arith.constant 0 : i32
    %dma_wait3A_210 = arith.constant 0 : i32
    %dma_wait3A_211 = tpu.memref_slice %arg3[%dma_wait3A_209, %dma_wait3A_210] : memref<1003520x16xf32, #tpu.memory_space<hbm>> -> memref<1003520x16xf32, #tpu.memory_space<hbm>>
    tpu.wait_indirect_dma semaphore(%arg13 : memref<!tpu.dma_semaphore, #tpu.memory_space<semaphore_mem>>) src(%dma_wait3A_211 : memref<1003520x16xf32, #tpu.memory_space<hbm>>) dst(%arg9 : memref<1024x16xf32, #tpu.memory_space<vmem>>)
    %dma_wait3A_212 = arith.constant 0 : i32
    %dma_wait3A_213 = arith.constant 0 : i32
    %dma_wait3A_214 = tpu.memref_slice %arg4[%dma_wait3A_212, %dma_wait3A_213] : memref<1003520x16xf32, #tpu.memory_space<hbm>> -> memref<1003520x16xf32, #tpu.memory_space<hbm>>
    tpu.wait_indirect_dma semaphore(%arg15 : memref<!tpu.dma_semaphore, #tpu.memory_space<semaphore_mem>>) src(%dma_wait3A_214 : memref<1003520x16xf32, #tpu.memory_space<hbm>>) dst(%arg11 : memref<1024x16xf32, #tpu.memory_space<vmem>>)
    %add3A_215 = arith.constant 12288 : i32
    %add3A_216 = arith.addi %mul3A_2, %add3A_215 : i32
    "tpu.region"() ({
      %run_scoped3A = tpu.sem_alloc : memref<!tpu.dma_semaphore, #tpu.memory_space<semaphore_mem>>
      %dma_start3A_257 = arith.constant 0 : i32
      %dma_start3A_258 = tpu.memref_slice %arg5[%add3A_216, %dma_start3A_257] : memref<524288x16xf32, #tpu.memory_space<hbm>> -> memref<1024x16xf32, #tpu.memory_space<hbm>>
      %dma_start3A_259 = arith.constant 0 : i32
      %dma_start3A_260 = tpu.memref_slice %arg5[%add3A_216, %dma_start3A_259] : memref<524288x16xf32, #tpu.memory_space<hbm>> -> memref<1024x16xf32, #tpu.memory_space<hbm>>
      tpu.enqueue_dma source(%arg9 : memref<1024x16xf32, #tpu.memory_space<vmem>>) target(%dma_start3A_260 : memref<1024x16xf32, #tpu.memory_space<hbm>>) target_semaphore(%run_scoped3A : memref<!tpu.dma_semaphore, #tpu.memory_space<semaphore_mem>>)
      %dma_wait3A_261 = arith.constant 0 : i32
      %dma_wait3A_262 = tpu.memref_slice %arg5[%add3A_216, %dma_wait3A_261] : memref<524288x16xf32, #tpu.memory_space<hbm>> -> memref<1024x16xf32, #tpu.memory_space<hbm>>
      %dma_wait3A_263 = arith.constant 0 : i32
      %dma_wait3A_264 = tpu.memref_slice %arg5[%add3A_216, %dma_wait3A_263] : memref<524288x16xf32, #tpu.memory_space<hbm>> -> memref<1024x16xf32, #tpu.memory_space<hbm>>
      tpu.wait_dma2 semaphore(%run_scoped3A : memref<!tpu.dma_semaphore, #tpu.memory_space<semaphore_mem>>) src(%arg9 : memref<1024x16xf32, #tpu.memory_space<vmem>>) dst(%dma_wait3A_264 : memref<1024x16xf32, #tpu.memory_space<hbm>>)
      tpu.yield
    }) : () -> ()
    "tpu.region"() ({
      %run_scoped3A = tpu.sem_alloc : memref<!tpu.dma_semaphore, #tpu.memory_space<semaphore_mem>>
      %dma_start3A_257 = arith.constant 0 : i32
      %dma_start3A_258 = tpu.memref_slice %arg6[%add3A_216, %dma_start3A_257] : memref<524288x16xf32, #tpu.memory_space<hbm>> -> memref<1024x16xf32, #tpu.memory_space<hbm>>
      %dma_start3A_259 = arith.constant 0 : i32
      %dma_start3A_260 = tpu.memref_slice %arg6[%add3A_216, %dma_start3A_259] : memref<524288x16xf32, #tpu.memory_space<hbm>> -> memref<1024x16xf32, #tpu.memory_space<hbm>>
      tpu.enqueue_dma source(%arg11 : memref<1024x16xf32, #tpu.memory_space<vmem>>) target(%dma_start3A_260 : memref<1024x16xf32, #tpu.memory_space<hbm>>) target_semaphore(%run_scoped3A : memref<!tpu.dma_semaphore, #tpu.memory_space<semaphore_mem>>)
      %dma_wait3A_261 = arith.constant 0 : i32
      %dma_wait3A_262 = tpu.memref_slice %arg6[%add3A_216, %dma_wait3A_261] : memref<524288x16xf32, #tpu.memory_space<hbm>> -> memref<1024x16xf32, #tpu.memory_space<hbm>>
      %dma_wait3A_263 = arith.constant 0 : i32
      %dma_wait3A_264 = tpu.memref_slice %arg6[%add3A_216, %dma_wait3A_263] : memref<524288x16xf32, #tpu.memory_space<hbm>> -> memref<1024x16xf32, #tpu.memory_space<hbm>>
      tpu.wait_dma2 semaphore(%run_scoped3A : memref<!tpu.dma_semaphore, #tpu.memory_space<semaphore_mem>>) src(%arg11 : memref<1024x16xf32, #tpu.memory_space<vmem>>) dst(%dma_wait3A_264 : memref<1024x16xf32, #tpu.memory_space<hbm>>)
      tpu.yield
    }) : () -> ()
    %add3A_217 = arith.constant 14336 : i32
    %add3A_218 = arith.addi %mul3A_2, %add3A_217 : i32
    "tpu.region"() ({
      %run_scoped3A = tpu.sem_alloc : memref<!tpu.dma_semaphore, #tpu.memory_space<semaphore_mem>>
      %dma_start3A_257 = tpu.memref_slice %arg2[%add3A_218] : memref<524288xi32, #tpu.memory_space<hbm>> -> memref<1024xi32, #tpu.memory_space<hbm>>
      %dma_start3A_258 = tpu.memref_slice %arg2[%add3A_218] : memref<524288xi32, #tpu.memory_space<hbm>> -> memref<1024xi32, #tpu.memory_space<hbm>>
      tpu.enqueue_dma source(%dma_start3A_258 : memref<1024xi32, #tpu.memory_space<hbm>>) target(%arg7 : memref<1024xi32, #tpu.memory_space<vmem>>) target_semaphore(%run_scoped3A : memref<!tpu.dma_semaphore, #tpu.memory_space<semaphore_mem>>)
      %dma_wait3A_259 = tpu.memref_slice %arg2[%add3A_218] : memref<524288xi32, #tpu.memory_space<hbm>> -> memref<1024xi32, #tpu.memory_space<hbm>>
      %dma_wait3A_260 = tpu.memref_slice %arg2[%add3A_218] : memref<524288xi32, #tpu.memory_space<hbm>> -> memref<1024xi32, #tpu.memory_space<hbm>>
      tpu.wait_dma2 semaphore(%run_scoped3A : memref<!tpu.dma_semaphore, #tpu.memory_space<semaphore_mem>>) src(%dma_wait3A_260 : memref<1024xi32, #tpu.memory_space<hbm>>) dst(%arg7 : memref<1024xi32, #tpu.memory_space<vmem>>)
      tpu.yield
    }) : () -> ()
    %dma_start3A_219 = arith.constant 0 : i32
    %dma_start3A_220 = arith.constant 0 : i32
    %dma_start3A_221 = tpu.memref_slice %arg3[%dma_start3A_219, %dma_start3A_220] : memref<1003520x16xf32, #tpu.memory_space<hbm>> -> memref<1003520x16xf32, #tpu.memory_space<hbm>>
    tpu.enqueue_indirect_dma source(%dma_start3A_221 : memref<1003520x16xf32, #tpu.memory_space<hbm>>) target(%arg9 : memref<1024x16xf32, #tpu.memory_space<vmem>>) offsets(%arg7 : memref<1024xi32, #tpu.memory_space<vmem>>) semaphore(%arg13 : memref<!tpu.dma_semaphore, #tpu.memory_space<semaphore_mem>>)
    %dma_start3A_222 = arith.constant 0 : i32
    %dma_start3A_223 = arith.constant 0 : i32
    %dma_start3A_224 = tpu.memref_slice %arg4[%dma_start3A_222, %dma_start3A_223] : memref<1003520x16xf32, #tpu.memory_space<hbm>> -> memref<1003520x16xf32, #tpu.memory_space<hbm>>
    tpu.enqueue_indirect_dma source(%dma_start3A_224 : memref<1003520x16xf32, #tpu.memory_space<hbm>>) target(%arg11 : memref<1024x16xf32, #tpu.memory_space<vmem>>) offsets(%arg7 : memref<1024xi32, #tpu.memory_space<vmem>>) semaphore(%arg15 : memref<!tpu.dma_semaphore, #tpu.memory_space<semaphore_mem>>)
    %dma_wait3A_225 = arith.constant 0 : i32
    %dma_wait3A_226 = arith.constant 0 : i32
    %dma_wait3A_227 = tpu.memref_slice %arg3[%dma_wait3A_225, %dma_wait3A_226] : memref<1003520x16xf32, #tpu.memory_space<hbm>> -> memref<1003520x16xf32, #tpu.memory_space<hbm>>
    tpu.wait_indirect_dma semaphore(%arg14 : memref<!tpu.dma_semaphore, #tpu.memory_space<semaphore_mem>>) src(%dma_wait3A_227 : memref<1003520x16xf32, #tpu.memory_space<hbm>>) dst(%arg10 : memref<1024x16xf32, #tpu.memory_space<vmem>>)
    %dma_wait3A_228 = arith.constant 0 : i32
    %dma_wait3A_229 = arith.constant 0 : i32
    %dma_wait3A_230 = tpu.memref_slice %arg4[%dma_wait3A_228, %dma_wait3A_229] : memref<1003520x16xf32, #tpu.memory_space<hbm>> -> memref<1003520x16xf32, #tpu.memory_space<hbm>>
    tpu.wait_indirect_dma semaphore(%arg16 : memref<!tpu.dma_semaphore, #tpu.memory_space<semaphore_mem>>) src(%dma_wait3A_230 : memref<1003520x16xf32, #tpu.memory_space<hbm>>) dst(%arg12 : memref<1024x16xf32, #tpu.memory_space<vmem>>)
    %add3A_231 = arith.constant 13312 : i32
    %add3A_232 = arith.addi %mul3A_2, %add3A_231 : i32
    "tpu.region"() ({
      %run_scoped3A = tpu.sem_alloc : memref<!tpu.dma_semaphore, #tpu.memory_space<semaphore_mem>>
      %dma_start3A_257 = arith.constant 0 : i32
      %dma_start3A_258 = tpu.memref_slice %arg5[%add3A_232, %dma_start3A_257] : memref<524288x16xf32, #tpu.memory_space<hbm>> -> memref<1024x16xf32, #tpu.memory_space<hbm>>
      %dma_start3A_259 = arith.constant 0 : i32
      %dma_start3A_260 = tpu.memref_slice %arg5[%add3A_232, %dma_start3A_259] : memref<524288x16xf32, #tpu.memory_space<hbm>> -> memref<1024x16xf32, #tpu.memory_space<hbm>>
      tpu.enqueue_dma source(%arg10 : memref<1024x16xf32, #tpu.memory_space<vmem>>) target(%dma_start3A_260 : memref<1024x16xf32, #tpu.memory_space<hbm>>) target_semaphore(%run_scoped3A : memref<!tpu.dma_semaphore, #tpu.memory_space<semaphore_mem>>)
      %dma_wait3A_261 = arith.constant 0 : i32
      %dma_wait3A_262 = tpu.memref_slice %arg5[%add3A_232, %dma_wait3A_261] : memref<524288x16xf32, #tpu.memory_space<hbm>> -> memref<1024x16xf32, #tpu.memory_space<hbm>>
      %dma_wait3A_263 = arith.constant 0 : i32
      %dma_wait3A_264 = tpu.memref_slice %arg5[%add3A_232, %dma_wait3A_263] : memref<524288x16xf32, #tpu.memory_space<hbm>> -> memref<1024x16xf32, #tpu.memory_space<hbm>>
      tpu.wait_dma2 semaphore(%run_scoped3A : memref<!tpu.dma_semaphore, #tpu.memory_space<semaphore_mem>>) src(%arg10 : memref<1024x16xf32, #tpu.memory_space<vmem>>) dst(%dma_wait3A_264 : memref<1024x16xf32, #tpu.memory_space<hbm>>)
      tpu.yield
    }) : () -> ()
    "tpu.region"() ({
      %run_scoped3A = tpu.sem_alloc : memref<!tpu.dma_semaphore, #tpu.memory_space<semaphore_mem>>
      %dma_start3A_257 = arith.constant 0 : i32
      %dma_start3A_258 = tpu.memref_slice %arg6[%add3A_232, %dma_start3A_257] : memref<524288x16xf32, #tpu.memory_space<hbm>> -> memref<1024x16xf32, #tpu.memory_space<hbm>>
      %dma_start3A_259 = arith.constant 0 : i32
      %dma_start3A_260 = tpu.memref_slice %arg6[%add3A_232, %dma_start3A_259] : memref<524288x16xf32, #tpu.memory_space<hbm>> -> memref<1024x16xf32, #tpu.memory_space<hbm>>
      tpu.enqueue_dma source(%arg12 : memref<1024x16xf32, #tpu.memory_space<vmem>>) target(%dma_start3A_260 : memref<1024x16xf32, #tpu.memory_space<hbm>>) target_semaphore(%run_scoped3A : memref<!tpu.dma_semaphore, #tpu.memory_space<semaphore_mem>>)
      %dma_wait3A_261 = arith.constant 0 : i32
      %dma_wait3A_262 = tpu.memref_slice %arg6[%add3A_232, %dma_wait3A_261] : memref<524288x16xf32, #tpu.memory_space<hbm>> -> memref<1024x16xf32, #tpu.memory_space<hbm>>
      %dma_wait3A_263 = arith.constant 0 : i32
      %dma_wait3A_264 = tpu.memref_slice %arg6[%add3A_232, %dma_wait3A_263] : memref<524288x16xf32, #tpu.memory_space<hbm>> -> memref<1024x16xf32, #tpu.memory_space<hbm>>
      tpu.wait_dma2 semaphore(%run_scoped3A : memref<!tpu.dma_semaphore, #tpu.memory_space<semaphore_mem>>) src(%arg12 : memref<1024x16xf32, #tpu.memory_space<vmem>>) dst(%dma_wait3A_264 : memref<1024x16xf32, #tpu.memory_space<hbm>>)
      tpu.yield
    }) : () -> ()
    %add3A_233 = arith.constant 15360 : i32
    %add3A_234 = arith.addi %mul3A_2, %add3A_233 : i32
    "tpu.region"() ({
      %run_scoped3A = tpu.sem_alloc : memref<!tpu.dma_semaphore, #tpu.memory_space<semaphore_mem>>
      %dma_start3A_257 = tpu.memref_slice %arg2[%add3A_234] : memref<524288xi32, #tpu.memory_space<hbm>> -> memref<1024xi32, #tpu.memory_space<hbm>>
      %dma_start3A_258 = tpu.memref_slice %arg2[%add3A_234] : memref<524288xi32, #tpu.memory_space<hbm>> -> memref<1024xi32, #tpu.memory_space<hbm>>
      tpu.enqueue_dma source(%dma_start3A_258 : memref<1024xi32, #tpu.memory_space<hbm>>) target(%arg8 : memref<1024xi32, #tpu.memory_space<vmem>>) target_semaphore(%run_scoped3A : memref<!tpu.dma_semaphore, #tpu.memory_space<semaphore_mem>>)
      %dma_wait3A_259 = tpu.memref_slice %arg2[%add3A_234] : memref<524288xi32, #tpu.memory_space<hbm>> -> memref<1024xi32, #tpu.memory_space<hbm>>
      %dma_wait3A_260 = tpu.memref_slice %arg2[%add3A_234] : memref<524288xi32, #tpu.memory_space<hbm>> -> memref<1024xi32, #tpu.memory_space<hbm>>
      tpu.wait_dma2 semaphore(%run_scoped3A : memref<!tpu.dma_semaphore, #tpu.memory_space<semaphore_mem>>) src(%dma_wait3A_260 : memref<1024xi32, #tpu.memory_space<hbm>>) dst(%arg8 : memref<1024xi32, #tpu.memory_space<vmem>>)
      tpu.yield
    }) : () -> ()
    %dma_start3A_235 = arith.constant 0 : i32
    %dma_start3A_236 = arith.constant 0 : i32
    %dma_start3A_237 = tpu.memref_slice %arg3[%dma_start3A_235, %dma_start3A_236] : memref<1003520x16xf32, #tpu.memory_space<hbm>> -> memref<1003520x16xf32, #tpu.memory_space<hbm>>
    tpu.enqueue_indirect_dma source(%dma_start3A_237 : memref<1003520x16xf32, #tpu.memory_space<hbm>>) target(%arg10 : memref<1024x16xf32, #tpu.memory_space<vmem>>) offsets(%arg8 : memref<1024xi32, #tpu.memory_space<vmem>>) semaphore(%arg14 : memref<!tpu.dma_semaphore, #tpu.memory_space<semaphore_mem>>)
    %dma_start3A_238 = arith.constant 0 : i32
    %dma_start3A_239 = arith.constant 0 : i32
    %dma_start3A_240 = tpu.memref_slice %arg4[%dma_start3A_238, %dma_start3A_239] : memref<1003520x16xf32, #tpu.memory_space<hbm>> -> memref<1003520x16xf32, #tpu.memory_space<hbm>>
    tpu.enqueue_indirect_dma source(%dma_start3A_240 : memref<1003520x16xf32, #tpu.memory_space<hbm>>) target(%arg12 : memref<1024x16xf32, #tpu.memory_space<vmem>>) offsets(%arg8 : memref<1024xi32, #tpu.memory_space<vmem>>) semaphore(%arg16 : memref<!tpu.dma_semaphore, #tpu.memory_space<semaphore_mem>>)
    %dma_wait3A_241 = arith.constant 0 : i32
    %dma_wait3A_242 = arith.constant 0 : i32
    %dma_wait3A_243 = tpu.memref_slice %arg3[%dma_wait3A_241, %dma_wait3A_242] : memref<1003520x16xf32, #tpu.memory_space<hbm>> -> memref<1003520x16xf32, #tpu.memory_space<hbm>>
    tpu.wait_indirect_dma semaphore(%arg13 : memref<!tpu.dma_semaphore, #tpu.memory_space<semaphore_mem>>) src(%dma_wait3A_243 : memref<1003520x16xf32, #tpu.memory_space<hbm>>) dst(%arg9 : memref<1024x16xf32, #tpu.memory_space<vmem>>)
    %dma_wait3A_244 = arith.constant 0 : i32
    %dma_wait3A_245 = arith.constant 0 : i32
    %dma_wait3A_246 = tpu.memref_slice %arg4[%dma_wait3A_244, %dma_wait3A_245] : memref<1003520x16xf32, #tpu.memory_space<hbm>> -> memref<1003520x16xf32, #tpu.memory_space<hbm>>
    tpu.wait_indirect_dma semaphore(%arg15 : memref<!tpu.dma_semaphore, #tpu.memory_space<semaphore_mem>>) src(%dma_wait3A_246 : memref<1003520x16xf32, #tpu.memory_space<hbm>>) dst(%arg11 : memref<1024x16xf32, #tpu.memory_space<vmem>>)
    %add3A_247 = arith.constant 14336 : i32
    %add3A_248 = arith.addi %mul3A_2, %add3A_247 : i32
    "tpu.region"() ({
      %run_scoped3A = tpu.sem_alloc : memref<!tpu.dma_semaphore, #tpu.memory_space<semaphore_mem>>
      %dma_start3A_257 = arith.constant 0 : i32
      %dma_start3A_258 = tpu.memref_slice %arg5[%add3A_248, %dma_start3A_257] : memref<524288x16xf32, #tpu.memory_space<hbm>> -> memref<1024x16xf32, #tpu.memory_space<hbm>>
      %dma_start3A_259 = arith.constant 0 : i32
      %dma_start3A_260 = tpu.memref_slice %arg5[%add3A_248, %dma_start3A_259] : memref<524288x16xf32, #tpu.memory_space<hbm>> -> memref<1024x16xf32, #tpu.memory_space<hbm>>
      tpu.enqueue_dma source(%arg9 : memref<1024x16xf32, #tpu.memory_space<vmem>>) target(%dma_start3A_260 : memref<1024x16xf32, #tpu.memory_space<hbm>>) target_semaphore(%run_scoped3A : memref<!tpu.dma_semaphore, #tpu.memory_space<semaphore_mem>>)
      %dma_wait3A_261 = arith.constant 0 : i32
      %dma_wait3A_262 = tpu.memref_slice %arg5[%add3A_248, %dma_wait3A_261] : memref<524288x16xf32, #tpu.memory_space<hbm>> -> memref<1024x16xf32, #tpu.memory_space<hbm>>
      %dma_wait3A_263 = arith.constant 0 : i32
      %dma_wait3A_264 = tpu.memref_slice %arg5[%add3A_248, %dma_wait3A_263] : memref<524288x16xf32, #tpu.memory_space<hbm>> -> memref<1024x16xf32, #tpu.memory_space<hbm>>
      tpu.wait_dma2 semaphore(%run_scoped3A : memref<!tpu.dma_semaphore, #tpu.memory_space<semaphore_mem>>) src(%arg9 : memref<1024x16xf32, #tpu.memory_space<vmem>>) dst(%dma_wait3A_264 : memref<1024x16xf32, #tpu.memory_space<hbm>>)
      tpu.yield
    }) : () -> ()
    "tpu.region"() ({
      %run_scoped3A = tpu.sem_alloc : memref<!tpu.dma_semaphore, #tpu.memory_space<semaphore_mem>>
      %dma_start3A_257 = arith.constant 0 : i32
      %dma_start3A_258 = tpu.memref_slice %arg6[%add3A_248, %dma_start3A_257] : memref<524288x16xf32, #tpu.memory_space<hbm>> -> memref<1024x16xf32, #tpu.memory_space<hbm>>
      %dma_start3A_259 = arith.constant 0 : i32
      %dma_start3A_260 = tpu.memref_slice %arg6[%add3A_248, %dma_start3A_259] : memref<524288x16xf32, #tpu.memory_space<hbm>> -> memref<1024x16xf32, #tpu.memory_space<hbm>>
      tpu.enqueue_dma source(%arg11 : memref<1024x16xf32, #tpu.memory_space<vmem>>) target(%dma_start3A_260 : memref<1024x16xf32, #tpu.memory_space<hbm>>) target_semaphore(%run_scoped3A : memref<!tpu.dma_semaphore, #tpu.memory_space<semaphore_mem>>)
      %dma_wait3A_261 = arith.constant 0 : i32
      %dma_wait3A_262 = tpu.memref_slice %arg6[%add3A_248, %dma_wait3A_261] : memref<524288x16xf32, #tpu.memory_space<hbm>> -> memref<1024x16xf32, #tpu.memory_space<hbm>>
      %dma_wait3A_263 = arith.constant 0 : i32
      %dma_wait3A_264 = tpu.memref_slice %arg6[%add3A_248, %dma_wait3A_263] : memref<524288x16xf32, #tpu.memory_space<hbm>> -> memref<1024x16xf32, #tpu.memory_space<hbm>>
      tpu.wait_dma2 semaphore(%run_scoped3A : memref<!tpu.dma_semaphore, #tpu.memory_space<semaphore_mem>>) src(%arg11 : memref<1024x16xf32, #tpu.memory_space<vmem>>) dst(%dma_wait3A_264 : memref<1024x16xf32, #tpu.memory_space<hbm>>)
      tpu.yield
    }) : () -> ()
    %dma_wait3A_249 = arith.constant 0 : i32
    %dma_wait3A_250 = arith.constant 0 : i32
    %dma_wait3A_251 = tpu.memref_slice %arg3[%dma_wait3A_249, %dma_wait3A_250] : memref<1003520x16xf32, #tpu.memory_space<hbm>> -> memref<1003520x16xf32, #tpu.memory_space<hbm>>
    tpu.wait_indirect_dma semaphore(%arg14 : memref<!tpu.dma_semaphore, #tpu.memory_space<semaphore_mem>>) src(%dma_wait3A_251 : memref<1003520x16xf32, #tpu.memory_space<hbm>>) dst(%arg10 : memref<1024x16xf32, #tpu.memory_space<vmem>>)
    %dma_wait3A_252 = arith.constant 0 : i32
    %dma_wait3A_253 = arith.constant 0 : i32
    %dma_wait3A_254 = tpu.memref_slice %arg4[%dma_wait3A_252, %dma_wait3A_253] : memref<1003520x16xf32, #tpu.memory_space<hbm>> -> memref<1003520x16xf32, #tpu.memory_space<hbm>>
    tpu.wait_indirect_dma semaphore(%arg16 : memref<!tpu.dma_semaphore, #tpu.memory_space<semaphore_mem>>) src(%dma_wait3A_254 : memref<1003520x16xf32, #tpu.memory_space<hbm>>) dst(%arg12 : memref<1024x16xf32, #tpu.memory_space<vmem>>)
    %add3A_255 = arith.constant 15360 : i32
    %add3A_256 = arith.addi %mul3A_2, %add3A_255 : i32
    "tpu.region"() ({
      %run_scoped3A = tpu.sem_alloc : memref<!tpu.dma_semaphore, #tpu.memory_space<semaphore_mem>>
      %dma_start3A_257 = arith.constant 0 : i32
      %dma_start3A_258 = tpu.memref_slice %arg5[%add3A_256, %dma_start3A_257] : memref<524288x16xf32, #tpu.memory_space<hbm>> -> memref<1024x16xf32, #tpu.memory_space<hbm>>
      %dma_start3A_259 = arith.constant 0 : i32
      %dma_start3A_260 = tpu.memref_slice %arg5[%add3A_256, %dma_start3A_259] : memref<524288x16xf32, #tpu.memory_space<hbm>> -> memref<1024x16xf32, #tpu.memory_space<hbm>>
      tpu.enqueue_dma source(%arg10 : memref<1024x16xf32, #tpu.memory_space<vmem>>) target(%dma_start3A_260 : memref<1024x16xf32, #tpu.memory_space<hbm>>) target_semaphore(%run_scoped3A : memref<!tpu.dma_semaphore, #tpu.memory_space<semaphore_mem>>)
      %dma_wait3A_261 = arith.constant 0 : i32
      %dma_wait3A_262 = tpu.memref_slice %arg5[%add3A_256, %dma_wait3A_261] : memref<524288x16xf32, #tpu.memory_space<hbm>> -> memref<1024x16xf32, #tpu.memory_space<hbm>>
      %dma_wait3A_263 = arith.constant 0 : i32
      %dma_wait3A_264 = tpu.memref_slice %arg5[%add3A_256, %dma_wait3A_263] : memref<524288x16xf32, #tpu.memory_space<hbm>> -> memref<1024x16xf32, #tpu.memory_space<hbm>>
      tpu.wait_dma2 semaphore(%run_scoped3A : memref<!tpu.dma_semaphore, #tpu.memory_space<semaphore_mem>>) src(%arg10 : memref<1024x16xf32, #tpu.memory_space<vmem>>) dst(%dma_wait3A_264 : memref<1024x16xf32, #tpu.memory_space<hbm>>)
      tpu.yield
    }) : () -> ()
    "tpu.region"() ({
      %run_scoped3A = tpu.sem_alloc : memref<!tpu.dma_semaphore, #tpu.memory_space<semaphore_mem>>
      %dma_start3A_257 = arith.constant 0 : i32
      %dma_start3A_258 = tpu.memref_slice %arg6[%add3A_256, %dma_start3A_257] : memref<524288x16xf32, #tpu.memory_space<hbm>> -> memref<1024x16xf32, #tpu.memory_space<hbm>>
      %dma_start3A_259 = arith.constant 0 : i32
      %dma_start3A_260 = tpu.memref_slice %arg6[%add3A_256, %dma_start3A_259] : memref<524288x16xf32, #tpu.memory_space<hbm>> -> memref<1024x16xf32, #tpu.memory_space<hbm>>
      tpu.enqueue_dma source(%arg12 : memref<1024x16xf32, #tpu.memory_space<vmem>>) target(%dma_start3A_260 : memref<1024x16xf32, #tpu.memory_space<hbm>>) target_semaphore(%run_scoped3A : memref<!tpu.dma_semaphore, #tpu.memory_space<semaphore_mem>>)
      %dma_wait3A_261 = arith.constant 0 : i32
      %dma_wait3A_262 = tpu.memref_slice %arg6[%add3A_256, %dma_wait3A_261] : memref<524288x16xf32, #tpu.memory_space<hbm>> -> memref<1024x16xf32, #tpu.memory_space<hbm>>
      %dma_wait3A_263 = arith.constant 0 : i32
      %dma_wait3A_264 = tpu.memref_slice %arg6[%add3A_256, %dma_wait3A_263] : memref<524288x16xf32, #tpu.memory_space<hbm>> -> memref<1024x16xf32, #tpu.memory_space<hbm>>
      tpu.wait_dma2 semaphore(%run_scoped3A : memref<!tpu.dma_semaphore, #tpu.memory_space<semaphore_mem>>) src(%arg12 : memref<1024x16xf32, #tpu.memory_space<vmem>>) dst(%dma_wait3A_264 : memref<1024x16xf32, #tpu.memory_space<hbm>>)
      tpu.yield
    }) : () -> ()
    return
  }
}

module attributes {stable_mosaic.version = 14 : i64} {
  func.func @_relayout_body(%arg0: i32, %arg1: memref<16x4096xf32, #tpu.memory_space<vmem>>, %arg2: memref<128x128xf32, #tpu.memory_space<vmem>>, %arg3: memref<512x128xf32, #tpu.memory_space<vmem>>) attributes {dimension_semantics = [#tpu.dimension_semantics<arbitrary>], iteration_bounds = array<i64: 245>, scalar_prefetch = 0 : i64, scratch_operands = 0 : i64, tpu.core_type = #tpu.core_type<tc>, window_params = [{transform_indices = @transform_0, window_bounds = array<i64: 16, 4096>}, {pipeline_mode = #tpu.pipeline_mode<synchronous>, transform_indices = @transform_1, window_bounds = array<i64: 128, 128>}, {transform_indices = @transform_2, window_bounds = array<i64: 512, 128>}]} {
    %get3A = arith.constant 0 : index
    %get3A_0 = arith.constant 0 : index
    %get3A_1 = vector.load %arg1[%get3A, %get3A_0] : memref<16x4096xf32, #tpu.memory_space<vmem>>, vector<16x4096xf32>
    %slice3A = vector.extract_strided_slice %get3A_1 {offsets = [0, 0], sizes = [16, 512], strides = [1, 1]} : vector<16x4096xf32> to vector<16x512xf32>
    %slice3A_2 = vector.extract_strided_slice %get3A_1 {offsets = [0, 512], sizes = [16, 512], strides = [1, 1]} : vector<16x4096xf32> to vector<16x512xf32>
    %slice3A_3 = vector.extract_strided_slice %get3A_1 {offsets = [0, 1024], sizes = [16, 512], strides = [1, 1]} : vector<16x4096xf32> to vector<16x512xf32>
    %slice3A_4 = vector.extract_strided_slice %get3A_1 {offsets = [0, 1536], sizes = [16, 512], strides = [1, 1]} : vector<16x4096xf32> to vector<16x512xf32>
    %slice3A_5 = vector.extract_strided_slice %get3A_1 {offsets = [0, 2048], sizes = [16, 512], strides = [1, 1]} : vector<16x4096xf32> to vector<16x512xf32>
    %slice3A_6 = vector.extract_strided_slice %get3A_1 {offsets = [0, 2560], sizes = [16, 512], strides = [1, 1]} : vector<16x4096xf32> to vector<16x512xf32>
    %slice3A_7 = vector.extract_strided_slice %get3A_1 {offsets = [0, 3072], sizes = [16, 512], strides = [1, 1]} : vector<16x4096xf32> to vector<16x512xf32>
    %slice3A_8 = vector.extract_strided_slice %get3A_1 {offsets = [0, 3584], sizes = [16, 512], strides = [1, 1]} : vector<16x4096xf32> to vector<16x512xf32>
    %concatenate3A = tpu.concatenate %slice3A, %slice3A_2, %slice3A_3, %slice3A_4, %slice3A_5, %slice3A_6, %slice3A_7, %slice3A_8 in 0 : vector<16x512xf32>, vector<16x512xf32>, vector<16x512xf32>, vector<16x512xf32>, vector<16x512xf32>, vector<16x512xf32>, vector<16x512xf32>, vector<16x512xf32> -> vector<128x512xf32>
    %get3A_9 = arith.constant 0 : index
    %get3A_10 = arith.constant 0 : index
    %get3A_11 = vector.load %arg2[%get3A_9, %get3A_10] : memref<128x128xf32, #tpu.memory_space<vmem>>, vector<128x128xf32>
    %dot_general3A = arith.constant dense<0.000000e+00> : vector<512x128xf32>
    %dot_general3A_12 = tpu.matmul %concatenate3A, %get3A_11, %dot_general3A {dimension_numbers = #tpu.dot_dimension_numbers<[0], [0], [1], [1], [0, 1, 1, 1], [], []>, transpose_lhs_hint = false} : vector<128x512xf32>, vector<128x128xf32>, vector<512x128xf32> -> vector<512x128xf32>
    %swap3A = arith.constant 0 : index
    %swap3A_13 = arith.constant 0 : index
    %swap3A_14 = vector.load %arg3[%swap3A, %swap3A_13] : memref<512x128xf32, #tpu.memory_space<vmem>>, vector<512x128xf32>
    tpu.vector_store %arg3[%swap3A, %swap3A_13], %dot_general3A_12 {strides = array<i32>} : memref<512x128xf32, #tpu.memory_space<vmem>>, vector<512x128xf32>,
    return
  }
  func.func @transform_0(%arg0: i32) -> (i32, i32) {
    %c0_i32 = arith.constant 0 : i32
    %c0_i32_0 = arith.constant 0 : i32
    return %c0_i32, %arg0 : i32, i32
  }
  func.func @transform_1(%arg0: i32) -> (i32, i32) {
    %c0_i32 = arith.constant 0 : i32
    %c0_i32_0 = arith.constant 0 : i32
    %c0_i32_1 = arith.constant 0 : i32
    return %c0_i32, %c0_i32_0 : i32, i32
  }
  func.func @transform_2(%arg0: i32) -> (i32, i32) {
    %c0_i32 = arith.constant 0 : i32
    %c0_i32_0 = arith.constant 0 : i32
    return %arg0, %c0_i32 : i32, i32
  }
}

module attributes {stable_mosaic.version = 14 : i64} {
  func.func @_dense_body(%arg0: i32, %arg1: memref<64x4x8x128xf32, #tpu.memory_space<vmem>>, %arg2: memref<64x4x8x128xf32, #tpu.memory_space<vmem>>, %arg3: memref<4x128xf32, #tpu.memory_space<vmem>>, %arg4: memref<4x128xf32, #tpu.memory_space<vmem>>, %arg5: memref<4x128x512xf32, #tpu.memory_space<vmem>>, %arg6: memref<512xf32, #tpu.memory_space<vmem>>, %arg7: memref<512x256xf32, #tpu.memory_space<vmem>>, %arg8: memref<256xf32, #tpu.memory_space<vmem>>, %arg9: memref<256x384xf32, #tpu.memory_space<vmem>>, %arg10: memref<384xf32, #tpu.memory_space<vmem>>, %arg11: memref<384x3xf32, #tpu.memory_space<vmem>>, %arg12: memref<3xf32, #tpu.memory_space<vmem>>, %arg13: memref<4x128xf32, #tpu.memory_space<vmem>>, %arg14: memref<512x1xf32, #tpu.memory_space<vmem>>, %arg15: memref<512x1xf32, #tpu.memory_space<vmem>>, %arg16: memref<512x1xf32, #tpu.memory_space<vmem>>, %arg17: memref<512x1xf32, #tpu.memory_space<vmem>>) attributes {dimension_semantics = [#tpu.dimension_semantics<arbitrary>], iteration_bounds = array<i64: 32>, scalar_prefetch = 0 : i64, scratch_operands = 0 : i64, tpu.core_type = #tpu.core_type<tc>, window_params = [{transform_indices = @transform_0, window_bounds = array<i64: 64, 4, 8, 128>}, {transform_indices = @transform_1, window_bounds = array<i64: 64, 4, 8, 128>}, {pipeline_mode = #tpu.pipeline_mode<synchronous>, transform_indices = @transform_2, window_bounds = array<i64: 4, 128>}, {pipeline_mode = #tpu.pipeline_mode<synchronous>, transform_indices = @transform_3, window_bounds = array<i64: 4, 128>}, {pipeline_mode = #tpu.pipeline_mode<synchronous>, transform_indices = @transform_4, window_bounds = array<i64: 4, 128, 512>}, {pipeline_mode = #tpu.pipeline_mode<synchronous>, transform_indices = @transform_5, window_bounds = array<i64: 512>}, {pipeline_mode = #tpu.pipeline_mode<synchronous>, transform_indices = @transform_6, window_bounds = array<i64: 512, 256>}, {pipeline_mode = #tpu.pipeline_mode<synchronous>, transform_indices = @transform_7, window_bounds = array<i64: 256>}, {pipeline_mode = #tpu.pipeline_mode<synchronous>, transform_indices = @transform_8, window_bounds = array<i64: 256, 384>}, {pipeline_mode = #tpu.pipeline_mode<synchronous>, transform_indices = @transform_9, window_bounds = array<i64: 384>}, {pipeline_mode = #tpu.pipeline_mode<synchronous>, transform_indices = @transform_10, window_bounds = array<i64: 384, 3>}, {pipeline_mode = #tpu.pipeline_mode<synchronous>, transform_indices = @transform_11, window_bounds = array<i64: 3>}, {pipeline_mode = #tpu.pipeline_mode<synchronous>, transform_indices = @transform_12, window_bounds = array<i64: 4, 128>}, {transform_indices = @transform_13, window_bounds = array<i64: 512, 1>}, {transform_indices = @transform_14, window_bounds = array<i64: 512, 1>}, {transform_indices = @transform_15, window_bounds = array<i64: 512, 1>}, {transform_indices = @transform_16, window_bounds = array<i64: 512, 1>}]} {
    %get3A = arith.constant 0 : index
    %get3A_0 = arith.constant 0 : index
    %get3A_1 = arith.constant 0 : index
    %get3A_2 = arith.constant 0 : index
    %get3A_3 = vector.load %arg1[%get3A, %get3A_0, %get3A_1, %get3A_2] : memref<64x4x8x128xf32, #tpu.memory_space<vmem>>, vector<64x1x8x128xf32>
    %get3A_4 = vector.shape_cast %get3A_3 : vector<64x1x8x128xf32> to vector<64x8x128xf32>
    %reshape3A = vector.shape_cast %get3A_4 : vector<64x8x128xf32> to vector<512x128xf32>
    %get3A_5 = arith.constant 0 : index
    %get3A_6 = arith.constant 1 : index
    %get3A_7 = arith.constant 0 : index
    %get3A_8 = arith.constant 0 : index
    %get3A_9 = vector.load %arg1[%get3A_5, %get3A_6, %get3A_7, %get3A_8] : memref<64x4x8x128xf32, #tpu.memory_space<vmem>>, vector<64x1x8x128xf32>
    %get3A_10 = vector.shape_cast %get3A_9 : vector<64x1x8x128xf32> to vector<64x8x128xf32>
    %reshape3A_11 = vector.shape_cast %get3A_10 : vector<64x8x128xf32> to vector<512x128xf32>
    %get3A_12 = arith.constant 0 : index
    %get3A_13 = arith.constant 2 : index
    %get3A_14 = arith.constant 0 : index
    %get3A_15 = arith.constant 0 : index
    %get3A_16 = vector.load %arg1[%get3A_12, %get3A_13, %get3A_14, %get3A_15] : memref<64x4x8x128xf32, #tpu.memory_space<vmem>>, vector<64x1x8x128xf32>
    %get3A_17 = vector.shape_cast %get3A_16 : vector<64x1x8x128xf32> to vector<64x8x128xf32>
    %reshape3A_18 = vector.shape_cast %get3A_17 : vector<64x8x128xf32> to vector<512x128xf32>
    %get3A_19 = arith.constant 0 : index
    %get3A_20 = arith.constant 3 : index
    %get3A_21 = arith.constant 0 : index
    %get3A_22 = arith.constant 0 : index
    %get3A_23 = vector.load %arg1[%get3A_19, %get3A_20, %get3A_21, %get3A_22] : memref<64x4x8x128xf32, #tpu.memory_space<vmem>>, vector<64x1x8x128xf32>
    %get3A_24 = vector.shape_cast %get3A_23 : vector<64x1x8x128xf32> to vector<64x8x128xf32>
    %reshape3A_25 = vector.shape_cast %get3A_24 : vector<64x8x128xf32> to vector<512x128xf32>
    %get3A_26 = arith.constant 0 : index
    %get3A_27 = arith.constant 0 : index
    %get3A_28 = arith.constant 0 : index
    %get3A_29 = arith.constant 0 : index
    %get3A_30 = vector.load %arg2[%get3A_26, %get3A_27, %get3A_28, %get3A_29] : memref<64x4x8x128xf32, #tpu.memory_space<vmem>>, vector<64x1x8x128xf32>
    %get3A_31 = vector.shape_cast %get3A_30 : vector<64x1x8x128xf32> to vector<64x8x128xf32>
    %reshape3A_32 = vector.shape_cast %get3A_31 : vector<64x8x128xf32> to vector<512x128xf32>
    %get3A_33 = arith.constant 0 : index
    %get3A_34 = arith.constant 1 : index
    %get3A_35 = arith.constant 0 : index
    %get3A_36 = arith.constant 0 : index
    %get3A_37 = vector.load %arg2[%get3A_33, %get3A_34, %get3A_35, %get3A_36] : memref<64x4x8x128xf32, #tpu.memory_space<vmem>>, vector<64x1x8x128xf32>
    %get3A_38 = vector.shape_cast %get3A_37 : vector<64x1x8x128xf32> to vector<64x8x128xf32>
    %reshape3A_39 = vector.shape_cast %get3A_38 : vector<64x8x128xf32> to vector<512x128xf32>
    %get3A_40 = arith.constant 0 : index
    %get3A_41 = arith.constant 2 : index
    %get3A_42 = arith.constant 0 : index
    %get3A_43 = arith.constant 0 : index
    %get3A_44 = vector.load %arg2[%get3A_40, %get3A_41, %get3A_42, %get3A_43] : memref<64x4x8x128xf32, #tpu.memory_space<vmem>>, vector<64x1x8x128xf32>
    %get3A_45 = vector.shape_cast %get3A_44 : vector<64x1x8x128xf32> to vector<64x8x128xf32>
    %reshape3A_46 = vector.shape_cast %get3A_45 : vector<64x8x128xf32> to vector<512x128xf32>
    %get3A_47 = arith.constant 0 : index
    %get3A_48 = arith.constant 3 : index
    %get3A_49 = arith.constant 0 : index
    %get3A_50 = arith.constant 0 : index
    %get3A_51 = vector.load %arg2[%get3A_47, %get3A_48, %get3A_49, %get3A_50] : memref<64x4x8x128xf32, #tpu.memory_space<vmem>>, vector<64x1x8x128xf32>
    %get3A_52 = vector.shape_cast %get3A_51 : vector<64x1x8x128xf32> to vector<64x8x128xf32>
    %reshape3A_53 = vector.shape_cast %get3A_52 : vector<64x8x128xf32> to vector<512x128xf32>
    %iota3A = tpu.iota {dimensions = array<i32: 1>} : vector<512x128xi32>
    %lt3A = arith.constant 32 : i32
    %lt3A_54 = vector.broadcast %lt3A : i32 to vector<512x128xi32>
    %lt3A_55 = arith.cmpi slt, %iota3A, %lt3A_54 : vector<512x128xi32>
    %convert_element_type3A = arith.extui %lt3A_55 : vector<512x128xi1> to vector<512x128xi32>
    %convert_element_type3A_56 = arith.sitofp %convert_element_type3A : vector<512x128xi32> to vector<512x128xf32>
    %reduce_sum3A = arith.constant dense<0.000000e+00> : vector<512xf32>
    %reduce_sum3A_57 = vector.multi_reduction <add>, %reshape3A, %reduce_sum3A [1] : vector<512x128xf32> to vector<512xf32>
    %broadcast_in_dim3A = vector.shape_cast %reduce_sum3A_57 : vector<512xf32> to vector<512x1xf32>
    %reduce_sum3A_58 = arith.constant dense<0.000000e+00> : vector<512xf32>
    %reduce_sum3A_59 = vector.multi_reduction <add>, %reshape3A_11, %reduce_sum3A_58 [1] : vector<512x128xf32> to vector<512xf32>
    %broadcast_in_dim3A_60 = vector.shape_cast %reduce_sum3A_59 : vector<512xf32> to vector<512x1xf32>
    %add3A = arith.addf %broadcast_in_dim3A, %broadcast_in_dim3A_60 : vector<512x1xf32>
    %reduce_sum3A_61 = arith.constant dense<0.000000e+00> : vector<512xf32>
    %reduce_sum3A_62 = vector.multi_reduction <add>, %reshape3A_18, %reduce_sum3A_61 [1] : vector<512x128xf32> to vector<512xf32>
    %broadcast_in_dim3A_63 = vector.shape_cast %reduce_sum3A_62 : vector<512xf32> to vector<512x1xf32>
    %add3A_64 = arith.addf %add3A, %broadcast_in_dim3A_63 : vector<512x1xf32>
    %mul3A = arith.mulf %reshape3A_25, %convert_element_type3A_56 : vector<512x128xf32>
    %reduce_sum3A_65 = arith.constant dense<0.000000e+00> : vector<512xf32>
    %reduce_sum3A_66 = vector.multi_reduction <add>, %mul3A, %reduce_sum3A_65 [1] : vector<512x128xf32> to vector<512xf32>
    %broadcast_in_dim3A_67 = vector.shape_cast %reduce_sum3A_66 : vector<512xf32> to vector<512x1xf32>
    %add3A_68 = arith.addf %add3A_64, %broadcast_in_dim3A_67 : vector<512x1xf32>
    %div3A = arith.constant 4.160000e+02 : f32
    %div3A_69 = vector.broadcast %div3A : f32 to vector<512x1xf32>
    %div3A_70 = arith.divf %add3A_68, %div3A_69 : vector<512x1xf32>
    %sub3A = vector.broadcast %div3A_70 : vector<512x1xf32> to vector<512x128xf32>
    %sub3A_71 = arith.subf %reshape3A, %sub3A : vector<512x128xf32>
    %integer_pow3A = arith.mulf %sub3A_71, %sub3A_71 : vector<512x128xf32>
    %reduce_sum3A_72 = arith.constant dense<0.000000e+00> : vector<512xf32>
    %reduce_sum3A_73 = vector.multi_reduction <add>, %integer_pow3A, %reduce_sum3A_72 [1] : vector<512x128xf32> to vector<512xf32>
    %broadcast_in_dim3A_74 = vector.shape_cast %reduce_sum3A_73 : vector<512xf32> to vector<512x1xf32>
    %sub3A_75 = vector.broadcast %div3A_70 : vector<512x1xf32> to vector<512x128xf32>
    %sub3A_76 = arith.subf %reshape3A_11, %sub3A_75 : vector<512x128xf32>
    %integer_pow3A_77 = arith.mulf %sub3A_76, %sub3A_76 : vector<512x128xf32>
    %reduce_sum3A_78 = arith.constant dense<0.000000e+00> : vector<512xf32>
    %reduce_sum3A_79 = vector.multi_reduction <add>, %integer_pow3A_77, %reduce_sum3A_78 [1] : vector<512x128xf32> to vector<512xf32>
    %broadcast_in_dim3A_80 = vector.shape_cast %reduce_sum3A_79 : vector<512xf32> to vector<512x1xf32>
    %add3A_81 = arith.addf %broadcast_in_dim3A_74, %broadcast_in_dim3A_80 : vector<512x1xf32>
    %sub3A_82 = vector.broadcast %div3A_70 : vector<512x1xf32> to vector<512x128xf32>
    %sub3A_83 = arith.subf %reshape3A_18, %sub3A_82 : vector<512x128xf32>
    %integer_pow3A_84 = arith.mulf %sub3A_83, %sub3A_83 : vector<512x128xf32>
    %reduce_sum3A_85 = arith.constant dense<0.000000e+00> : vector<512xf32>
    %reduce_sum3A_86 = vector.multi_reduction <add>, %integer_pow3A_84, %reduce_sum3A_85 [1] : vector<512x128xf32> to vector<512xf32>
    %broadcast_in_dim3A_87 = vector.shape_cast %reduce_sum3A_86 : vector<512xf32> to vector<512x1xf32>
    %add3A_88 = arith.addf %add3A_81, %broadcast_in_dim3A_87 : vector<512x1xf32>
    %sub3A_89 = vector.broadcast %div3A_70 : vector<512x1xf32> to vector<512x128xf32>
    %sub3A_90 = arith.subf %reshape3A_25, %sub3A_89 : vector<512x128xf32>
    %integer_pow3A_91 = arith.mulf %sub3A_90, %sub3A_90 : vector<512x128xf32>
    %mul3A_92 = arith.mulf %integer_pow3A_91, %convert_element_type3A_56 : vector<512x128xf32>
    %reduce_sum3A_93 = arith.constant dense<0.000000e+00> : vector<512xf32>
    %reduce_sum3A_94 = vector.multi_reduction <add>, %mul3A_92, %reduce_sum3A_93 [1] : vector<512x128xf32> to vector<512xf32>
    %broadcast_in_dim3A_95 = vector.shape_cast %reduce_sum3A_94 : vector<512xf32> to vector<512x1xf32>
    %add3A_96 = arith.addf %add3A_88, %broadcast_in_dim3A_95 : vector<512x1xf32>
    %div3A_97 = arith.constant 4.160000e+02 : f32
    %div3A_98 = vector.broadcast %div3A_97 : f32 to vector<512x1xf32>
    %div3A_99 = arith.divf %add3A_96, %div3A_98 : vector<512x1xf32>
    %add3A_100 = arith.constant 9.99999974E-6 : f32
    %add3A_101 = vector.broadcast %add3A_100 : f32 to vector<512x1xf32>
    %add3A_102 = arith.addf %div3A_99, %add3A_101 : vector<512x1xf32>
    %sqrt3A = math.sqrt %add3A_102 : vector<512x1xf32>
    %div3A_103 = arith.constant 1.000000e+00 : f32
    %div3A_104 = vector.broadcast %div3A_103 : f32 to vector<512x1xf32>
    %div3A_105 = arith.divf %div3A_104, %sqrt3A : vector<512x1xf32>
    %get3A_106 = arith.constant 0 : index
    %get3A_107 = vector.load %arg6[%get3A_106] : memref<512xf32, #tpu.memory_space<vmem>>, vector<512xf32>
    %broadcast_in_dim3A_108 = arith.constant 0.000000e+00 : f32
    %broadcast_in_dim3A_109 = vector.broadcast %broadcast_in_dim3A_108 : f32 to vector<512x1xf32>
    %sub3A_110 = vector.broadcast %div3A_70 : vector<512x1xf32> to vector<512x128xf32>
    %sub3A_111 = arith.subf %reshape3A, %sub3A_110 : vector<512x128xf32>
    %mul3A_112 = vector.broadcast %div3A_105 : vector<512x1xf32> to vector<512x128xf32>
    %mul3A_113 = arith.mulf %sub3A_111, %mul3A_112 : vector<512x128xf32>
    %get3A_114 = arith.constant 0 : index
    %get3A_115 = arith.constant 0 : index
    %get3A_116 = vector.load %arg3[%get3A_114, %get3A_115] : memref<4x128xf32, #tpu.memory_space<vmem>>, vector<1x128xf32>
    %get3A_117 = vector.shape_cast %get3A_116 : vector<1x128xf32> to vector<128xf32>
    %broadcast_in_dim3A_118 = vector.shape_cast %get3A_117 : vector<128xf32> to vector<1x128xf32>
    %mul3A_119 = vector.broadcast %broadcast_in_dim3A_118 : vector<1x128xf32> to vector<512x128xf32>
    %mul3A_120 = arith.mulf %mul3A_113, %mul3A_119 : vector<512x128xf32>
    %get3A_121 = arith.constant 0 : index
    %get3A_122 = arith.constant 0 : index
    %get3A_123 = vector.load %arg4[%get3A_121, %get3A_122] : memref<4x128xf32, #tpu.memory_space<vmem>>, vector<1x128xf32>
    %get3A_124 = vector.shape_cast %get3A_123 : vector<1x128xf32> to vector<128xf32>
    %broadcast_in_dim3A_125 = vector.shape_cast %get3A_124 : vector<128xf32> to vector<1x128xf32>
    %add3A_126 = vector.broadcast %broadcast_in_dim3A_125 : vector<1x128xf32> to vector<512x128xf32>
    %add3A_127 = arith.addf %mul3A_120, %add3A_126 : vector<512x128xf32>
    %get3A_128 = arith.constant 0 : index
    %get3A_129 = arith.constant 0 : index
    %get3A_130 = arith.constant 0 : index
    %get3A_131 = vector.load %arg5[%get3A_128, %get3A_129, %get3A_130] : memref<4x128x512xf32, #tpu.memory_space<vmem>>, vector<1x128x512xf32>
    %get3A_132 = vector.shape_cast %get3A_131 : vector<1x128x512xf32> to vector<128x512xf32>
    %dot_general3A = arith.constant dense<0.000000e+00> : vector<512x512xf32>
    %dot_general3A_133 = tpu.matmul %add3A_127, %get3A_132, %dot_general3A {dimension_numbers = #tpu.dot_dimension_numbers<[1], [0], [0], [1], [0, 0, 1, 1], [], []>, transpose_lhs_hint = false} : vector<512x128xf32>, vector<128x512xf32>, vector<512x512xf32> -> vector<512x512xf32>
    %broadcast_in_dim3A_134 = vector.shape_cast %get3A_107 : vector<512xf32> to vector<1x512xf32>
    %add3A_135 = vector.broadcast %broadcast_in_dim3A_134 : vector<1x512xf32> to vector<512x512xf32>
    %add3A_136 = arith.addf %add3A_135, %dot_general3A_133 : vector<512x512xf32>
    %get3A_137 = arith.constant 0 : index
    %get3A_138 = arith.constant 0 : index
    %get3A_139 = vector.load %arg13[%get3A_137, %get3A_138] : memref<4x128xf32, #tpu.memory_space<vmem>>, vector<1x128xf32>
    %get3A_140 = vector.shape_cast %get3A_139 : vector<1x128xf32> to vector<128xf32>
    %broadcast_in_dim3A_141 = vector.shape_cast %get3A_140 : vector<128xf32> to vector<1x128xf32>
    %mul3A_142 = vector.broadcast %broadcast_in_dim3A_141 : vector<1x128xf32> to vector<512x128xf32>
    %mul3A_143 = arith.mulf %reshape3A_32, %mul3A_142 : vector<512x128xf32>
    %reduce_sum3A_144 = arith.constant dense<0.000000e+00> : vector<512xf32>
    %reduce_sum3A_145 = vector.multi_reduction <add>, %mul3A_143, %reduce_sum3A_144 [1] : vector<512x128xf32> to vector<512xf32>
    %broadcast_in_dim3A_146 = vector.shape_cast %reduce_sum3A_145 : vector<512xf32> to vector<512x1xf32>
    %add3A_147 = arith.addf %broadcast_in_dim3A_109, %broadcast_in_dim3A_146 : vector<512x1xf32>
    %sub3A_148 = vector.broadcast %div3A_70 : vector<512x1xf32> to vector<512x128xf32>
    %sub3A_149 = arith.subf %reshape3A_11, %sub3A_148 : vector<512x128xf32>
    %mul3A_150 = vector.broadcast %div3A_105 : vector<512x1xf32> to vector<512x128xf32>
    %mul3A_151 = arith.mulf %sub3A_149, %mul3A_150 : vector<512x128xf32>
    %get3A_152 = arith.constant 1 : index
    %get3A_153 = arith.constant 0 : index
    %get3A_154 = vector.load %arg3[%get3A_152, %get3A_153] : memref<4x128xf32, #tpu.memory_space<vmem>>, vector<1x128xf32>
    %get3A_155 = vector.shape_cast %get3A_154 : vector<1x128xf32> to vector<128xf32>
    %broadcast_in_dim3A_156 = vector.shape_cast %get3A_155 : vector<128xf32> to vector<1x128xf32>
    %mul3A_157 = vector.broadcast %broadcast_in_dim3A_156 : vector<1x128xf32> to vector<512x128xf32>
    %mul3A_158 = arith.mulf %mul3A_151, %mul3A_157 : vector<512x128xf32>
    %get3A_159 = arith.constant 1 : index
    %get3A_160 = arith.constant 0 : index
    %get3A_161 = vector.load %arg4[%get3A_159, %get3A_160] : memref<4x128xf32, #tpu.memory_space<vmem>>, vector<1x128xf32>
    %get3A_162 = vector.shape_cast %get3A_161 : vector<1x128xf32> to vector<128xf32>
    %broadcast_in_dim3A_163 = vector.shape_cast %get3A_162 : vector<128xf32> to vector<1x128xf32>
    %add3A_164 = vector.broadcast %broadcast_in_dim3A_163 : vector<1x128xf32> to vector<512x128xf32>
    %add3A_165 = arith.addf %mul3A_158, %add3A_164 : vector<512x128xf32>
    %get3A_166 = arith.constant 1 : index
    %get3A_167 = arith.constant 0 : index
    %get3A_168 = arith.constant 0 : index
    %get3A_169 = vector.load %arg5[%get3A_166, %get3A_167, %get3A_168] : memref<4x128x512xf32, #tpu.memory_space<vmem>>, vector<1x128x512xf32>
    %get3A_170 = vector.shape_cast %get3A_169 : vector<1x128x512xf32> to vector<128x512xf32>
    %dot_general3A_171 = arith.constant dense<0.000000e+00> : vector<512x512xf32>
    %dot_general3A_172 = tpu.matmul %add3A_165, %get3A_170, %dot_general3A_171 {dimension_numbers = #tpu.dot_dimension_numbers<[1], [0], [0], [1], [0, 0, 1, 1], [], []>, transpose_lhs_hint = false} : vector<512x128xf32>, vector<128x512xf32>, vector<512x512xf32> -> vector<512x512xf32>
    %add3A_173 = arith.addf %add3A_136, %dot_general3A_172 : vector<512x512xf32>
    %get3A_174 = arith.constant 1 : index
    %get3A_175 = arith.constant 0 : index
    %get3A_176 = vector.load %arg13[%get3A_174, %get3A_175] : memref<4x128xf32, #tpu.memory_space<vmem>>, vector<1x128xf32>
    %get3A_177 = vector.shape_cast %get3A_176 : vector<1x128xf32> to vector<128xf32>
    %broadcast_in_dim3A_178 = vector.shape_cast %get3A_177 : vector<128xf32> to vector<1x128xf32>
    %mul3A_179 = vector.broadcast %broadcast_in_dim3A_178 : vector<1x128xf32> to vector<512x128xf32>
    %mul3A_180 = arith.mulf %reshape3A_39, %mul3A_179 : vector<512x128xf32>
    %reduce_sum3A_181 = arith.constant dense<0.000000e+00> : vector<512xf32>
    %reduce_sum3A_182 = vector.multi_reduction <add>, %mul3A_180, %reduce_sum3A_181 [1] : vector<512x128xf32> to vector<512xf32>
    %broadcast_in_dim3A_183 = vector.shape_cast %reduce_sum3A_182 : vector<512xf32> to vector<512x1xf32>
    %add3A_184 = arith.addf %add3A_147, %broadcast_in_dim3A_183 : vector<512x1xf32>
    %sub3A_185 = vector.broadcast %div3A_70 : vector<512x1xf32> to vector<512x128xf32>
    %sub3A_186 = arith.subf %reshape3A_18, %sub3A_185 : vector<512x128xf32>
    %mul3A_187 = vector.broadcast %div3A_105 : vector<512x1xf32> to vector<512x128xf32>
    %mul3A_188 = arith.mulf %sub3A_186, %mul3A_187 : vector<512x128xf32>
    %get3A_189 = arith.constant 2 : index
    %get3A_190 = arith.constant 0 : index
    %get3A_191 = vector.load %arg3[%get3A_189, %get3A_190] : memref<4x128xf32, #tpu.memory_space<vmem>>, vector<1x128xf32>
    %get3A_192 = vector.shape_cast %get3A_191 : vector<1x128xf32> to vector<128xf32>
    %broadcast_in_dim3A_193 = vector.shape_cast %get3A_192 : vector<128xf32> to vector<1x128xf32>
    %mul3A_194 = vector.broadcast %broadcast_in_dim3A_193 : vector<1x128xf32> to vector<512x128xf32>
    %mul3A_195 = arith.mulf %mul3A_188, %mul3A_194 : vector<512x128xf32>
    %get3A_196 = arith.constant 2 : index
    %get3A_197 = arith.constant 0 : index
    %get3A_198 = vector.load %arg4[%get3A_196, %get3A_197] : memref<4x128xf32, #tpu.memory_space<vmem>>, vector<1x128xf32>
    %get3A_199 = vector.shape_cast %get3A_198 : vector<1x128xf32> to vector<128xf32>
    %broadcast_in_dim3A_200 = vector.shape_cast %get3A_199 : vector<128xf32> to vector<1x128xf32>
    %add3A_201 = vector.broadcast %broadcast_in_dim3A_200 : vector<1x128xf32> to vector<512x128xf32>
    %add3A_202 = arith.addf %mul3A_195, %add3A_201 : vector<512x128xf32>
    %get3A_203 = arith.constant 2 : index
    %get3A_204 = arith.constant 0 : index
    %get3A_205 = arith.constant 0 : index
    %get3A_206 = vector.load %arg5[%get3A_203, %get3A_204, %get3A_205] : memref<4x128x512xf32, #tpu.memory_space<vmem>>, vector<1x128x512xf32>
    %get3A_207 = vector.shape_cast %get3A_206 : vector<1x128x512xf32> to vector<128x512xf32>
    %dot_general3A_208 = arith.constant dense<0.000000e+00> : vector<512x512xf32>
    %dot_general3A_209 = tpu.matmul %add3A_202, %get3A_207, %dot_general3A_208 {dimension_numbers = #tpu.dot_dimension_numbers<[1], [0], [0], [1], [0, 0, 1, 1], [], []>, transpose_lhs_hint = false} : vector<512x128xf32>, vector<128x512xf32>, vector<512x512xf32> -> vector<512x512xf32>
    %add3A_210 = arith.addf %add3A_173, %dot_general3A_209 : vector<512x512xf32>
    %get3A_211 = arith.constant 2 : index
    %get3A_212 = arith.constant 0 : index
    %get3A_213 = vector.load %arg13[%get3A_211, %get3A_212] : memref<4x128xf32, #tpu.memory_space<vmem>>, vector<1x128xf32>
    %get3A_214 = vector.shape_cast %get3A_213 : vector<1x128xf32> to vector<128xf32>
    %broadcast_in_dim3A_215 = vector.shape_cast %get3A_214 : vector<128xf32> to vector<1x128xf32>
    %mul3A_216 = vector.broadcast %broadcast_in_dim3A_215 : vector<1x128xf32> to vector<512x128xf32>
    %mul3A_217 = arith.mulf %reshape3A_46, %mul3A_216 : vector<512x128xf32>
    %reduce_sum3A_218 = arith.constant dense<0.000000e+00> : vector<512xf32>
    %reduce_sum3A_219 = vector.multi_reduction <add>, %mul3A_217, %reduce_sum3A_218 [1] : vector<512x128xf32> to vector<512xf32>
    %broadcast_in_dim3A_220 = vector.shape_cast %reduce_sum3A_219 : vector<512xf32> to vector<512x1xf32>
    %add3A_221 = arith.addf %add3A_184, %broadcast_in_dim3A_220 : vector<512x1xf32>
    %sub3A_222 = vector.broadcast %div3A_70 : vector<512x1xf32> to vector<512x128xf32>
    %sub3A_223 = arith.subf %reshape3A_25, %sub3A_222 : vector<512x128xf32>
    %mul3A_224 = vector.broadcast %div3A_105 : vector<512x1xf32> to vector<512x128xf32>
    %mul3A_225 = arith.mulf %sub3A_223, %mul3A_224 : vector<512x128xf32>
    %get3A_226 = arith.constant 3 : index
    %get3A_227 = arith.constant 0 : index
    %get3A_228 = vector.load %arg3[%get3A_226, %get3A_227] : memref<4x128xf32, #tpu.memory_space<vmem>>, vector<1x128xf32>
    %get3A_229 = vector.shape_cast %get3A_228 : vector<1x128xf32> to vector<128xf32>
    %broadcast_in_dim3A_230 = vector.shape_cast %get3A_229 : vector<128xf32> to vector<1x128xf32>
    %mul3A_231 = vector.broadcast %broadcast_in_dim3A_230 : vector<1x128xf32> to vector<512x128xf32>
    %mul3A_232 = arith.mulf %mul3A_225, %mul3A_231 : vector<512x128xf32>
    %get3A_233 = arith.constant 3 : index
    %get3A_234 = arith.constant 0 : index
    %get3A_235 = vector.load %arg4[%get3A_233, %get3A_234] : memref<4x128xf32, #tpu.memory_space<vmem>>, vector<1x128xf32>
    %get3A_236 = vector.shape_cast %get3A_235 : vector<1x128xf32> to vector<128xf32>
    %broadcast_in_dim3A_237 = vector.shape_cast %get3A_236 : vector<128xf32> to vector<1x128xf32>
    %add3A_238 = vector.broadcast %broadcast_in_dim3A_237 : vector<1x128xf32> to vector<512x128xf32>
    %add3A_239 = arith.addf %mul3A_232, %add3A_238 : vector<512x128xf32>
    %get3A_240 = arith.constant 3 : index
    %get3A_241 = arith.constant 0 : index
    %get3A_242 = arith.constant 0 : index
    %get3A_243 = vector.load %arg5[%get3A_240, %get3A_241, %get3A_242] : memref<4x128x512xf32, #tpu.memory_space<vmem>>, vector<1x128x512xf32>
    %get3A_244 = vector.shape_cast %get3A_243 : vector<1x128x512xf32> to vector<128x512xf32>
    %dot_general3A_245 = arith.constant dense<0.000000e+00> : vector<512x512xf32>
    %dot_general3A_246 = tpu.matmul %add3A_239, %get3A_244, %dot_general3A_245 {dimension_numbers = #tpu.dot_dimension_numbers<[1], [0], [0], [1], [0, 0, 1, 1], [], []>, transpose_lhs_hint = false} : vector<512x128xf32>, vector<128x512xf32>, vector<512x512xf32> -> vector<512x512xf32>
    %add3A_247 = arith.addf %add3A_210, %dot_general3A_246 : vector<512x512xf32>
    %get3A_248 = arith.constant 3 : index
    %get3A_249 = arith.constant 0 : index
    %get3A_250 = vector.load %arg13[%get3A_248, %get3A_249] : memref<4x128xf32, #tpu.memory_space<vmem>>, vector<1x128xf32>
    %get3A_251 = vector.shape_cast %get3A_250 : vector<1x128xf32> to vector<128xf32>
    %broadcast_in_dim3A_252 = vector.shape_cast %get3A_251 : vector<128xf32> to vector<1x128xf32>
    %mul3A_253 = vector.broadcast %broadcast_in_dim3A_252 : vector<1x128xf32> to vector<512x128xf32>
    %mul3A_254 = arith.mulf %reshape3A_53, %mul3A_253 : vector<512x128xf32>
    %reduce_sum3A_255 = arith.constant dense<0.000000e+00> : vector<512xf32>
    %reduce_sum3A_256 = vector.multi_reduction <add>, %mul3A_254, %reduce_sum3A_255 [1] : vector<512x128xf32> to vector<512xf32>
    %broadcast_in_dim3A_257 = vector.shape_cast %reduce_sum3A_256 : vector<512xf32> to vector<512x1xf32>
    %add3A_258 = arith.addf %add3A_221, %broadcast_in_dim3A_257 : vector<512x1xf32>
    %max3A = arith.constant 0.000000e+00 : f32
    %max3A_259 = vector.broadcast %max3A : f32 to vector<512x512xf32>
    %max3A_260 = arith.maximumf %add3A_247, %max3A_259 : vector<512x512xf32>
    %get3A_261 = arith.constant 0 : index
    %get3A_262 = arith.constant 0 : index
    %get3A_263 = vector.load %arg7[%get3A_261, %get3A_262] : memref<512x256xf32, #tpu.memory_space<vmem>>, vector<512x256xf32>
    %dot_general3A_264 = arith.constant dense<0.000000e+00> : vector<512x256xf32>
    %dot_general3A_265 = tpu.matmul %max3A_260, %get3A_263, %dot_general3A_264 {dimension_numbers = #tpu.dot_dimension_numbers<[1], [0], [0], [1], [0, 0, 1, 1], [], []>, transpose_lhs_hint = false} : vector<512x512xf32>, vector<512x256xf32>, vector<512x256xf32> -> vector<512x256xf32>
    %get3A_266 = arith.constant 0 : index
    %get3A_267 = vector.load %arg8[%get3A_266] : memref<256xf32, #tpu.memory_space<vmem>>, vector<256xf32>
    %broadcast_in_dim3A_268 = vector.shape_cast %get3A_267 : vector<256xf32> to vector<1x256xf32>
    %add3A_269 = vector.broadcast %broadcast_in_dim3A_268 : vector<1x256xf32> to vector<512x256xf32>
    %add3A_270 = arith.addf %dot_general3A_265, %add3A_269 : vector<512x256xf32>
    %max3A_271 = arith.constant 0.000000e+00 : f32
    %max3A_272 = vector.broadcast %max3A_271 : f32 to vector<512x256xf32>
    %max3A_273 = arith.maximumf %add3A_270, %max3A_272 : vector<512x256xf32>
    %get3A_274 = arith.constant 0 : index
    %get3A_275 = arith.constant 0 : index
    %get3A_276 = vector.load %arg9[%get3A_274, %get3A_275] : memref<256x384xf32, #tpu.memory_space<vmem>>, vector<256x384xf32>
    %dot_general3A_277 = arith.constant dense<0.000000e+00> : vector<512x384xf32>
    %dot_general3A_278 = tpu.matmul %max3A_273, %get3A_276, %dot_general3A_277 {dimension_numbers = #tpu.dot_dimension_numbers<[1], [0], [0], [1], [0, 0, 1, 1], [], []>, transpose_lhs_hint = false} : vector<512x256xf32>, vector<256x384xf32>, vector<512x384xf32> -> vector<512x384xf32>
    %get3A_279 = arith.constant 0 : index
    %get3A_280 = vector.load %arg10[%get3A_279] : memref<384xf32, #tpu.memory_space<vmem>>, vector<384xf32>
    %broadcast_in_dim3A_281 = vector.shape_cast %get3A_280 : vector<384xf32> to vector<1x384xf32>
    %add3A_282 = vector.broadcast %broadcast_in_dim3A_281 : vector<1x384xf32> to vector<512x384xf32>
    %add3A_283 = arith.addf %dot_general3A_278, %add3A_282 : vector<512x384xf32>
    %max3A_284 = arith.constant 0.000000e+00 : f32
    %max3A_285 = vector.broadcast %max3A_284 : f32 to vector<512x384xf32>
    %max3A_286 = arith.maximumf %add3A_283, %max3A_285 : vector<512x384xf32>
    %get3A_287 = arith.constant 0 : index
    %get3A_288 = arith.constant 0 : index
    %get3A_289 = vector.load %arg11[%get3A_287, %get3A_288] : memref<384x3xf32, #tpu.memory_space<vmem>>, vector<384x3xf32>
    %dot_general3A_290 = arith.constant dense<0.000000e+00> : vector<512x3xf32>
    %dot_general3A_291 = tpu.matmul %max3A_286, %get3A_289, %dot_general3A_290 {dimension_numbers = #tpu.dot_dimension_numbers<[1], [0], [0], [1], [0, 0, 1, 1], [], []>, transpose_lhs_hint = false} : vector<512x384xf32>, vector<384x3xf32>, vector<512x3xf32> -> vector<512x3xf32>
    %get3A_292 = arith.constant 0 : index
    %get3A_293 = vector.load %arg12[%get3A_292] : memref<3xf32, #tpu.memory_space<vmem>>, vector<3xf32>
    %broadcast_in_dim3A_294 = vector.shape_cast %get3A_293 : vector<3xf32> to vector<1x3xf32>
    %add3A_295 = vector.broadcast %broadcast_in_dim3A_294 : vector<1x3xf32> to vector<512x3xf32>
    %add3A_296 = arith.addf %dot_general3A_291, %add3A_295 : vector<512x3xf32>
    %slice3A = vector.extract_strided_slice %add3A_296 {offsets = [0, 0], sizes = [512, 1], strides = [1, 1]} : vector<512x3xf32> to vector<512x1xf32>
    %logistic3A = arith.negf %slice3A : vector<512x1xf32>
    %logistic3A_297 = math.exp %logistic3A : vector<512x1xf32>
    %logistic3A_298 = arith.constant 1.000000e+00 : f32
    %logistic3A_299 = vector.broadcast %logistic3A_298 : f32 to vector<512x1xf32>
    %logistic3A_300 = arith.addf %logistic3A_299, %logistic3A_297 : vector<512x1xf32>
    %logistic3A_301 = arith.divf %logistic3A_299, %logistic3A_300 : vector<512x1xf32>
    %swap3A = arith.constant 0 : index
    %swap3A_302 = arith.constant 0 : index
    %swap3A_303 = vector.load %arg14[%swap3A, %swap3A_302] : memref<512x1xf32, #tpu.memory_space<vmem>>, vector<512x1xf32>
    tpu.vector_store %arg14[%swap3A, %swap3A_302], %logistic3A_301 {strides = array<i32>} : memref<512x1xf32, #tpu.memory_space<vmem>>, vector<512x1xf32>,
    %slice3A_304 = vector.extract_strided_slice %add3A_296 {offsets = [0, 1], sizes = [512, 1], strides = [1, 1]} : vector<512x3xf32> to vector<512x1xf32>
    %max3A_305 = arith.constant 0.000000e+00 : f32
    %max3A_306 = vector.broadcast %max3A_305 : f32 to vector<512x1xf32>
    %max3A_307 = arith.maximumf %slice3A_304, %max3A_306 : vector<512x1xf32>
    %abs3A = math.absf %slice3A_304 : vector<512x1xf32>
    %neg3A = arith.constant 0.000000e+00 : f32
    %neg3A_308 = vector.broadcast %neg3A : f32 to vector<512x1xf32>
    %neg3A_309 = arith.subf %neg3A_308, %abs3A : vector<512x1xf32>
    %exp3A = math.exp %neg3A_309 : vector<512x1xf32>
    %log1p3A = math.log1p %exp3A : vector<512x1xf32>
    %add3A_310 = arith.addf %max3A_307, %log1p3A : vector<512x1xf32>
    %max3A_311 = arith.constant 0.00999999977 : f32
    %max3A_312 = vector.broadcast %max3A_311 : f32 to vector<512x1xf32>
    %max3A_313 = arith.maximumf %add3A_310, %max3A_312 : vector<512x1xf32>
    %swap3A_314 = arith.constant 0 : index
    %swap3A_315 = arith.constant 0 : index
    %swap3A_316 = vector.load %arg15[%swap3A_314, %swap3A_315] : memref<512x1xf32, #tpu.memory_space<vmem>>, vector<512x1xf32>
    tpu.vector_store %arg15[%swap3A_314, %swap3A_315], %max3A_313 {strides = array<i32>} : memref<512x1xf32, #tpu.memory_space<vmem>>, vector<512x1xf32>,
    %slice3A_317 = vector.extract_strided_slice %add3A_296 {offsets = [0, 2], sizes = [512, 1], strides = [1, 1]} : vector<512x3xf32> to vector<512x1xf32>
    %max3A_318 = arith.constant 0.000000e+00 : f32
    %max3A_319 = vector.broadcast %max3A_318 : f32 to vector<512x1xf32>
    %max3A_320 = arith.maximumf %slice3A_317, %max3A_319 : vector<512x1xf32>
    %abs3A_321 = math.absf %slice3A_317 : vector<512x1xf32>
    %neg3A_322 = arith.constant 0.000000e+00 : f32
    %neg3A_323 = vector.broadcast %neg3A_322 : f32 to vector<512x1xf32>
    %neg3A_324 = arith.subf %neg3A_323, %abs3A_321 : vector<512x1xf32>
    %exp3A_325 = math.exp %neg3A_324 : vector<512x1xf32>
    %log1p3A_326 = math.log1p %exp3A_325 : vector<512x1xf32>
    %add3A_327 = arith.addf %max3A_320, %log1p3A_326 : vector<512x1xf32>
    %max3A_328 = arith.constant 0.00999999977 : f32
    %max3A_329 = vector.broadcast %max3A_328 : f32 to vector<512x1xf32>
    %max3A_330 = arith.maximumf %add3A_327, %max3A_329 : vector<512x1xf32>
    %swap3A_331 = arith.constant 0 : index
    %swap3A_332 = arith.constant 0 : index
    %swap3A_333 = vector.load %arg16[%swap3A_331, %swap3A_332] : memref<512x1xf32, #tpu.memory_space<vmem>>, vector<512x1xf32>
    tpu.vector_store %arg16[%swap3A_331, %swap3A_332], %max3A_330 {strides = array<i32>} : memref<512x1xf32, #tpu.memory_space<vmem>>, vector<512x1xf32>,
    %swap3A_334 = arith.constant 0 : index
    %swap3A_335 = arith.constant 0 : index
    %swap3A_336 = vector.load %arg17[%swap3A_334, %swap3A_335] : memref<512x1xf32, #tpu.memory_space<vmem>>, vector<512x1xf32>
    tpu.vector_store %arg17[%swap3A_334, %swap3A_335], %add3A_258 {strides = array<i32>} : memref<512x1xf32, #tpu.memory_space<vmem>>, vector<512x1xf32>,
    return
  }
  func.func @transform_0(%arg0: i32) -> (i32, i32, i32, i32) {
    %c0_i32 = arith.constant 0 : i32
    %c0_i32_0 = arith.constant 0 : i32
    %c0_i32_1 = arith.constant 0 : i32
    %c0_i32_2 = arith.constant 0 : i32
    return %arg0, %c0_i32, %c0_i32_0, %c0_i32_1 : i32, i32, i32, i32
  }
  func.func @transform_1(%arg0: i32) -> (i32, i32, i32, i32) {
    %c0_i32 = arith.constant 0 : i32
    %c0_i32_0 = arith.constant 0 : i32
    %c0_i32_1 = arith.constant 0 : i32
    %c0_i32_2 = arith.constant 0 : i32
    return %arg0, %c0_i32, %c0_i32_0, %c0_i32_1 : i32, i32, i32, i32
  }
  func.func @transform_2(%arg0: i32) -> (i32, i32) {
    %c0_i32 = arith.constant 0 : i32
    %c0_i32_0 = arith.constant 0 : i32
    %c0_i32_1 = arith.constant 0 : i32
    return %c0_i32, %c0_i32_0 : i32, i32
  }
  func.func @transform_3(%arg0: i32) -> (i32, i32) {
    %c0_i32 = arith.constant 0 : i32
    %c0_i32_0 = arith.constant 0 : i32
    %c0_i32_1 = arith.constant 0 : i32
    return %c0_i32, %c0_i32_0 : i32, i32
  }
  func.func @transform_4(%arg0: i32) -> (i32, i32, i32) {
    %c0_i32 = arith.constant 0 : i32
    %c0_i32_0 = arith.constant 0 : i32
    %c0_i32_1 = arith.constant 0 : i32
    %c0_i32_2 = arith.constant 0 : i32
    return %c0_i32, %c0_i32_0, %c0_i32_1 : i32, i32, i32
  }
  func.func @transform_5(%arg0: i32) -> i32 {
    %c0_i32 = arith.constant 0 : i32
    %c0_i32_0 = arith.constant 0 : i32
    return %c0_i32 : i32
  }
  func.func @transform_6(%arg0: i32) -> (i32, i32) {
    %c0_i32 = arith.constant 0 : i32
    %c0_i32_0 = arith.constant 0 : i32
    %c0_i32_1 = arith.constant 0 : i32
    return %c0_i32, %c0_i32_0 : i32, i32
  }
  func.func @transform_7(%arg0: i32) -> i32 {
    %c0_i32 = arith.constant 0 : i32
    %c0_i32_0 = arith.constant 0 : i32
    return %c0_i32 : i32
  }
  func.func @transform_8(%arg0: i32) -> (i32, i32) {
    %c0_i32 = arith.constant 0 : i32
    %c0_i32_0 = arith.constant 0 : i32
    %c0_i32_1 = arith.constant 0 : i32
    return %c0_i32, %c0_i32_0 : i32, i32
  }
  func.func @transform_9(%arg0: i32) -> i32 {
    %c0_i32 = arith.constant 0 : i32
    %c0_i32_0 = arith.constant 0 : i32
    return %c0_i32 : i32
  }
  func.func @transform_10(%arg0: i32) -> (i32, i32) {
    %c0_i32 = arith.constant 0 : i32
    %c0_i32_0 = arith.constant 0 : i32
    %c0_i32_1 = arith.constant 0 : i32
    return %c0_i32, %c0_i32_0 : i32, i32
  }
  func.func @transform_11(%arg0: i32) -> i32 {
    %c0_i32 = arith.constant 0 : i32
    %c0_i32_0 = arith.constant 0 : i32
    return %c0_i32 : i32
  }
  func.func @transform_12(%arg0: i32) -> (i32, i32) {
    %c0_i32 = arith.constant 0 : i32
    %c0_i32_0 = arith.constant 0 : i32
    %c0_i32_1 = arith.constant 0 : i32
    return %c0_i32, %c0_i32_0 : i32, i32
  }
  func.func @transform_13(%arg0: i32) -> (i32, i32) {
    %c0_i32 = arith.constant 0 : i32
    %c0_i32_0 = arith.constant 0 : i32
    return %arg0, %c0_i32 : i32, i32
  }
  func.func @transform_14(%arg0: i32) -> (i32, i32) {
    %c0_i32 = arith.constant 0 : i32
    %c0_i32_0 = arith.constant 0 : i32
    return %arg0, %c0_i32 : i32, i32
  }
  func.func @transform_15(%arg0: i32) -> (i32, i32) {
    %c0_i32 = arith.constant 0 : i32
    %c0_i32_0 = arith.constant 0 : i32
    return %arg0, %c0_i32 : i32, i32
  }
  func.func @transform_16(%arg0: i32) -> (i32, i32) {
    %c0_i32 = arith.constant 0 : i32
    %c0_i32_0 = arith.constant 0 : i32
    return %arg0, %c0_i32 : i32, i32
  }
}

</mosaic_0001>

<sc_bundles>
// kernel: kernel.6.cloned.1.call-start
scs
__scs_entry_jumppad:
0x0: {  	(pc) =	sbr.rel $0x88, $3  }
0x1: {  	(tag) =	ssettag $0x0;
	lr =	simm.s32 $0x1  }
0x2: {  	[smem:$0x3F8B] =	sst lr;
	_ =	strace $0xD0000000  }
0x3: {  	_ = 	snop  }
0x4: {  	_ = 	snop  }
0x5: {  	_ = 	snop  }
0x6: {  	_ = 	snop  }
0x7: {  	_ = 	snop  }
__scs_overlays_trampoline_lowered:
0x8: {  	[smem:$0x3F9A] =	sst s0  }
0x9: {  	[smem:$0x3F9B] =	sst s1  }
0xa: {  	[smem:$0x3F9C] =	sst s2  }
0xb: {  	[smem:$0x3F9D] =	sst s3  }
0xc: {  	[smem:$0x3F9E] =	sst s4  }
0xd: {  	[smem:$0x3F9F] =	sst s5  }
0xe: {  	[smem:$0x3FA0] =	sst s6  }
0xf: {  	[smem:$0x3FA1] =	sst s7  }
0x10: {  	[smem:$0x3FA2] =	sst s8  }
0x11: {  	[smem:$0x3FA3] =	sst s9;
	s0 =	simm.s32 @!p0 $0x0  }
0x12: {  	s1 =	sld [smem:$0x3F89];
	s0 =	simm.s32 @p0 $0x1  }
0x13: {  	[smem:$0x3FA4] =	sst s0;
	s0 =	simm.s32 @!p1 $0x0  }
0x14: {  	s2 =	sld [smem:$0x3F88];
	s0 =	simm.s32 @p1 $0x1  }
0x15: {  	[smem:$0x3FA5] =	sst s0;
	s0 =	simm.s32 @!p2 $0x0  }
0x16: {  	s3 =	sld [smem:$0x3FDB];
	s0 =	simm.s32 @p2 $0x1  }
0x17: {  	s4 =	simm.s32 $0x1BF5;
	[smem:$0x3FA7] =	sst s0  }
0x18: {  	s0 =	sld [smem:$0x3F8A];
	_ =	swait.ge [sflag:s4], $0x0  }
0x19: {  	s7 =	sld [smem:$0x3F8B]  }
0x1a: {  	s8 =	sadd.s32 $0xFFFFE003, lr  }
0x1b: {  	s9 =	sadd.s32 $0xFFFFFEF7, lr;
	s5 =	simm.s32 $0xFFFFFFFF;
	p2 =	slt.u32 s8, $0xFFFFF086  }
0x1c: {  	p1 =	slt.u32 s9, $0xF7A;
	s5 =	simm.s32 @!p2 $0x0  }
0x1d: {  	s5 =	simm.s32 @p1 $0x1;
	p0 =	seq.s32 s7, s2  }
0x1e: {  	s7 =	smul.u32 @!p0 $0xF7A, s2;
	p2 =	seq.s32 @!p0 s5, $0x0  }
0x1f: {  	s9 =	smul.u32 $0xF7A, s1;
	s8 =	simm.s32 @!p0 $0x1BF5;
	p2 =	por !p2, p0  }
0x20: {  	[sflag:s8] =	ssyncset.s32 @!p0 $0xFFFFF086;
	s6 =	sadd.s32 @!p0 s3, s7;
	s7 =	simm.s32 @!p0 $0x108  }
0x21: {  	s3 =	sadd.s32 s3, s9;
	s6 =	sadd.s32 @!p0 $0x88, s6;
	s7 =	simm.s32 @p2 $0x1082  }
0x22: {  	[simem:s7], [sflag:s8] =	dma.local @!p0 [hbm:s6], $0xF7A  }
0x23: {  	s9 =	sor.u32 $0xD0000000, s2;
	s6 =	simm.s32 $0x108;
	_ =	swait.ge @!p0 [sflag:s8], $0x0  }
0x24: {  	s3 =	sadd.s32 $0x88, s3;
	s6 =	simm.s32 @!p1 $0x1082;
	[sflag:s4] =	ssyncset.s32 $0xFFFFF086  }
0x25: {  	[simem:s6], [sflag:s4] =	dma.local [hbm:s3], $0xF7A  }
0x26: {  	[smem:$0x3F8B] =	sst s1;
	(tag) =	ssettag s2;
	_ =	strace s9  }
0x27: {  	s1 =	sld [smem:$0x3F9B]  }
0x28: {  	s2 =	sld [smem:$0x3F9C]  }
0x29: {  	s4 =	sld [smem:$0x3F9E]  }
0x2a: {  	p0 =	seq.s32 s5, $0x0;
	s5 =	sld [smem:$0x3F9F]  }
0x2b: {  	s6 =	sld [smem:$0x3FA0]  }
0x2c: {  	s7 =	sld [smem:$0x3FA1]  }
0x2d: {  	s3 =	simm.s32 $0x108;
	s8 =	sld [smem:$0x3FA2]  }
0x2e: {  	s3 =	simm.s32 @!p0 $0x1082;
	s9 =	sld [smem:$0x3FA3]  }
0x2f: {  	lr =	sadd.s32 s0, s3;
	s0 =	sld [smem:$0x3F9A]  }
0x30: {  	s3 =	sld [smem:$0x3F9D]  }
0x31: {  	[smem:$0x3FA6] =	sst s10  }
0x32: {  	s10 =	sld [smem:$0x3FA4];
	_ =	sdelay $0x3  }
0x33: {  	p0 =	seq.s32 s10, $0x1;
	s10 =	sld [smem:$0x3FA6];
	_ =	sdelay $0x3  }
0x34: {  	[smem:$0x3FA6] =	sst s10  }
0x35: {  	s10 =	sld [smem:$0x3FA5];
	_ =	sdelay $0x3  }
0x36: {  	p1 =	seq.s32 s10, $0x1;
	s10 =	sld [smem:$0x3FA6];
	_ =	sdelay $0x3  }
0x37: {  	[smem:$0x3FA6] =	sst s10  }
0x38: {  	s10 =	sld [smem:$0x3FA7]  }
0x39: {  	_ = 	snop;
	(pc) =	sbr.ind lr, $3  }
0x3a: {  	_ = 	snop  }
0x3b: {  	_ = 	snop  }
0x3c: {  	p2 =	seq.s32 s10, $0x1;
	s10 =	sld [smem:$0x3FA6]  }
0x3d: {  	_ =	shalt  }
0x3e: {  	_ =	shalt  }
0x3f: {  	_ =	shalt  }
0x40: {  	_ =	shalt  }
0x41: {  	_ =	shalt  }
0x42: {  	_ =	shalt  }
0x43: {  	_ =	shalt  }
0x44: {  	_ =	shalt  }
0x45: {  	_ =	shalt  }
0x46: {  	_ =	shalt  }
0x47: {  	_ =	shalt  }
0x48: {  	_ =	shalt  }
0x49: {  	_ =	shalt  }
0x4a: {  	_ =	shalt  }
0x4b: {  	_ =	shalt  }
0x4c: {  	_ =	shalt  }
0x4d: {  	_ =	shalt  }
0x4e: {  	_ =	shalt  }
0x4f: {  	_ =	shalt  }
0x50: {  	_ =	shalt  }
0x51: {  	_ =	shalt  }
0x52: {  	_ =	shalt  }
0x53: {  	_ =	shalt  }
0x54: {  	_ =	shalt  }
0x55: {  	_ =	shalt  }
0x56: {  	_ =	shalt  }
0x57: {  	_ =	shalt  }
0x58: {  	_ =	shalt  }
0x59: {  	_ =	shalt  }
0x5a: {  	_ =	shalt  }
0x5b: {  	_ =	shalt  }
0x5c: {  	_ =	shalt  }
0x5d: {  	_ =	shalt  }
0x5e: {  	_ =	shalt  }
0x5f: {  	_ =	shalt  }
0x60: {  	_ =	shalt  }
0x61: {  	_ =	shalt  }
0x62: {  	_ =	shalt  }
0x63: {  	_ =	shalt  }
0x64: {  	_ =	shalt  }
0x65: {  	_ =	shalt  }
0x66: {  	_ =	shalt  }
0x67: {  	_ =	shalt  }
0x68: {  	_ =	shalt  }
0x69: {  	_ =	shalt  }
0x6a: {  	_ =	shalt  }
0x6b: {  	_ =	shalt  }
0x6c: {  	_ =	shalt  }
0x6d: {  	_ =	shalt  }
0x6e: {  	_ =	shalt  }
0x6f: {  	_ =	shalt  }
0x70: {  	_ =	shalt  }
0x71: {  	_ =	shalt  }
0x72: {  	_ =	shalt  }
0x73: {  	_ =	shalt  }
0x74: {  	_ =	shalt  }
0x75: {  	_ =	shalt  }
0x76: {  	_ =	shalt  }
0x77: {  	_ =	shalt  }
0x78: {  	_ =	shalt  }
0x79: {  	_ =	shalt  }
0x7a: {  	_ =	shalt  }
0x7b: {  	_ =	shalt  }
0x7c: {  	_ =	shalt  }
0x7d: {  	_ =	shalt  }
0x7e: {  	_ =	shalt  }
0x7f: {  	_ =	shalt  }
0x80: {  	_ =	shalt  }
0x81: {  	_ =	shalt  }
0x82: {  	_ =	shalt  }
0x83: {  	_ =	shalt  }
0x84: {  	_ =	shalt  }
0x85: {  	_ =	shalt  }
0x86: {  	_ =	shalt  }
0x87: {  	_ =	shalt  }
.Lfunc_end0:
.L_simem_size_0:
called_computation_lowered:
.L_overlay_start_0:
0x88: {  	s2 =	sld [smem:$0x3FD9]  }
0x89: {  	s3 =	sld [smem:$0x3FFE];
	_ =	sdelay $0x1  }
0x8a: {  	s1 =	srdreg.scid  }
0x8b: {  	s0 =	sand.u32 $0x1, s1  }
0x8c: {  	s16 =	sshll.u32 s0, $0xA;
	s2 =	sadd.s32 s3, s2  }
0x8d: {  	s2 =	sadd.s32 s2, s16  }
0x8e: {  	[smem:$0x3FB2] =	sst s2  }
0x8f: {  	_ = 	snop  }
0x90: {  	(tm) =	ssettm $0x1  }
0x91: {  	s17 =	sld [smem:$0x3FFB];
	_ =	sdelay $0x3  }
0x92: {  	_ =	strace s17  }
0x93: {  	s2 =	sld [smem:$0x3FFC];
	_ =	sdelay $0x3  }
0x94: {  	_ =	strace s2  }
0x95: {  	s2 =	sld [smem:$0x3FFD];
	_ =	sdelay $0x3  }
0x96: {  	_ =	strace s2  }
0x97: {  	_ =	strace $0x8FFFFFFF  }
0x98: {  	s18 =	sld [smem:$0x3FDB];
	_ =	sdelay $0x1  }
0x99: {  	s19 =	simm.s32 $_scs_section_size  }
0x9a: {  	s4 =	simm.s32 $_size__tile_overlayer_lowered;
	s5 =	simm.s32 $_tile_overlayer_lowered  }
0x9b: {  	s22 =	simm.s32 $0x1BFF;
	s21 =	sshll.u32 s5, $0x1;
	s2 =	sadd.s32 s19, s18  }
0x9c: {  	s6 =	simm.s32 $0x0;
	s20 =	sshll.u32 s4, $0x1;
	s4 =	sadd.s32 s21, s2  }
0x9d: {  	[timem:s6], [sflag:s22] =	dma.local [hbm:s4], s20  }
0x9e: {  	_ =	swait.ge [sflag:s22], s20  }
0x9f: {  	s3 =	ssub.s32 $0x0, s20;
	[sflag:s22] =	ssyncset.done $0x0  }
0xa0: {  	[sflag:s22] =	ssyncadd.s32 s3;
	_ =	sdelay $0x1  }
0xa1: {  	s23 =	simm.s32 $0x1B8B  }
0xa2: {  	_ =	swait.ge [sflag:s23], $0x1  }
0xa3: {  	[sflag:s23] =	ssyncset.done $0x0  }
0xa4: {  	s25 =	simm.s32 $0x1B8E;
	s24 =	sld [smem:$0x3FFE];
	[sflag:s23] =	ssyncadd.s32 $0xFFFFFFFF  }
0xa5: {  	s26 =	simm.s32 $execute0_lowered;
	[smem:$0x3FD2] =	sst s25  }
0xa6: {  	s4 =	sshll.u32 s26, $0x1;
	_ =	strace $0x80000046;
	[dreg:$0x1] =	wrdreg $0xFFFFFFFF  }
0xa7: {  	s28 =	simm.s32 $_size_execute0_lowered;
	s2 =	sadd.s32 s2, s4;
	[dreg:$0x0] =	wrdreg $0x0  }
0xa8: {  	s4 =	sshll.u32 s28, $0x1;
	[dreg:$0x2] =	wrdreg s2  }
0xa9: {  	[dreg:$0x3] =	wrdreg s4  }
0xaa: {  	[dreg:$0x4] =	wrdreg $0xC0  }
0xab: {  	_ =	task [dreg:s6], $0x5FFFF  }
0xac: {  	[dreg:$0x1] =	wrdreg $0xFFFFFFFF  }
0xad: {  	[dreg:$0x0] =	wrdreg $0x60  }
0xae: {  	[dreg:$0x2] =	wrdreg s24  }
0xaf: {  	[dreg:$0x3] =	wrdreg $0x9  }
0xb0: {  	_ =	task.clear_ibuf [dreg:s6], $0x4FFFF;
	_ =	strace $0x90000046  }
0xb1: {  	s29 =	simm.s32 $0x9;
	_ =	strace $0x80000048  }
0xb2: {  	_ =	swait.ge [sflag:s29], $0x1  }
0xb3: {  	[sflag:s29] =	ssyncadd.s32 $0xFFFFFFFF  }
0xb4: {  	_ =	strace $0x90000048  }
0xb5: {  	_ =	sfence  }
0xb6: {  	s30 =	sld [smem:$0x0];
	_ =	sdelay $0x2  }
0xb7: {  	s31 =	sshll.u32 s1, $0xD;
	s1 =	sshrl.u32 s1, $0x2  }
0xb8: {  	s3 =	sand.u32 $0x4000, s31;
	s1 =	sadd.s32 s1, s30  }
0xb9: {  	s0 =	sor.u32 s3, s0;
	s1 =	sshll.u32 s1, $0x11  }
0xba: {  	s0 =	sor.u32 s1, s0  }
0xbb: {  	s0 =	sadd.s32 $0x8F2B, s0  }
0xbc: {  	[sflag:s0] =	ssyncadd.remote.s32 $0x1  }
0xbd: {  	_ =	sfence.sel $0xFFFF  }
0xbe: {  	[dreg:$0x0] =	wrdreg $0xFFFFFFFF;
	(pc) =	sbr.abs _section_cstart, $3  }
0xbf: {  	[dreg:$0x1] =	wrdreg $0xFFFFFFFF  }
0xc0: {  	_ =	task.clear_ibuf [dreg:s6], $0x2FFFF;
	_ =	strace $0x9FFFFFFF  }
0xc1: {  	(tm) =	ssettm $0x7FFFFFFF  }
tec
execute0_lowered:
.L_overlay_start_1:
0x0: {  	(tag) =	ssettag $0x1  }
0x1: {  	s2 =	rddreg [dreg:$0x0];
	s1 =	simm.s32 $0x0;
	s5 =	srdreg.scid  }
0x2: {  	s6 =	stileid.u32;
	[smem:$0x7FF] =	sst s1  }
0x3: {  	p0 =	por $0x0, $0x0;
	s0 =	sadd.s32 $0x3D7C00, s2;
	s3 =	sadd.s32 $0x1EDC00, s2  }
0x4: {  	s4 =	sadd.s32 $0x3C00, s2;
	s7 =	sand.u32 $0x1, s5;
	s5 =	sadd.s32 $0x3E7C00, s2  }
0x5: {  	s8 =	sshll.u32 s6, $0xF;
	s6 =	sadd.s32 $0x4E7C00, s2;
	s9 =	sshll.u32 s7, $0xE  }
0x6: {  	_ =	strace $0x80000047;
	s25 =	ssub.s32 $0x2, s7;
	s7 =	sor.u32 s9, s8  }
0x7: {  	s26 =	sshrl.u32 s25, $0x1;
	s9 =	sshrl.u32 s7, $0x3;
	s10 =	sor.u32 $0x400, s7  }
0x8: {  	s8 =	ssub.s32 s25, s26;
	s13 =	sshll.u32 s7, $0x1;
	s20 =	sor.u32 $0xC00, s7  }
0x9: {  	s26 =	sor.u32 $0x1000, s7;
	s9 =	sadd.s32 s0, s9;
	s11 =	sshrl.u32 s10, $0x3  }
0xa: {  	s14 =	sadd.s32 s5, s13;
	s15 =	sadd.s32 s6, s13;
	[dreg:$0x2] =	wrdreg s9  }
0xb: {  	s18 =	sshll.u32 s10, $0x1;
	s22 =	sshrl.u32 s20, $0x3;
	[dreg:$0x4] =	wrdreg s14  }
0xc: {  	s12 =	sadd.s32 s0, s11;
	s11 =	sor.u32 $0x800, s7;
	[dreg:$0x5] =	wrdreg s15  }
0xd: {  	s19 =	sadd.s32 s5, s18;
	s21 =	sadd.s32 s6, s18;
	[dreg:$0x3] =	wrdreg s12  }
0xe: {  	s23 =	sadd.s32 s0, s22;
	s14 =	sshll.u32 s20, $0x1;
	[dreg:$0x7] =	wrdreg s19  }
0xf: {  	s20 =	sshll.u32 s26, $0x1;
	s22 =	sor.u32 $0x1800, s7;
	[dreg:$0x8] =	wrdreg s21  }
0x10: {  	s16 =	sshrl.u32 s11, $0x3;
	[dreg:$0x9] =	wrdreg s23;
	s15 =	sadd.s32 s5, s14  }
0x11: {  	s24 =	sshll.u32 s11, $0x1;
	s21 =	sadd.s32 s5, s20;
	[dreg:$0xd] =	wrdreg s15  }
0x12: {  	s12 =	sshrl.u32 s26, $0x3;
	s23 =	sadd.s32 s6, s20;
	[dreg:$0x10] =	wrdreg s21  }
0x13: {  	s11 =	sor.u32 $0x3400, s7;
	s17 =	sadd.s32 s0, s16;
	[dreg:$0x11] =	wrdreg s23  }
0x14: {  	s25 =	sadd.s32 s5, s24;
	s9 =	sadd.s32 s6, s24;
	[dreg:$0x6] =	wrdreg s17  }
0x15: {  	s13 =	sadd.s32 s0, s12;
	s16 =	sor.u32 $0x1400, s7;
	[dreg:$0xa] =	wrdreg s25  }
0x16: {  	s24 =	sshrl.u32 s22, $0x3;
	s12 =	sor.u32 $0x1C00, s7;
	[dreg:$0xb] =	wrdreg s9  }
0x17: {  	[dreg:$0xc] =	wrdreg s13;
	s17 =	sadd.s32 s6, s14;
	s18 =	sshrl.u32 s16, $0x3  }
0x18: {  	s25 =	sadd.s32 s0, s24;
	s26 =	sshll.u32 s16, $0x1;
	[dreg:$0xe] =	wrdreg s17  }
0x19: {  	s14 =	sshrl.u32 s12, $0x3;
	s19 =	sadd.s32 s0, s18;
	[dreg:$0x12] =	wrdreg s25  }
0x1a: {  	s16 =	sshll.u32 s22, $0x1;
	s10 =	sadd.s32 s5, s26;
	[dreg:$0xf] =	wrdreg s19  }
0x1b: {  	s22 =	sshll.u32 s12, $0x1;
	s13 =	sadd.s32 s6, s26;
	[dreg:$0x13] =	wrdreg s10  }
0x1c: {  	s24 =	sor.u32 $0x2400, s7;
	s15 =	sadd.s32 s0, s14;
	[dreg:$0x14] =	wrdreg s13  }
0x1d: {  	s17 =	sadd.s32 s5, s16;
	s18 =	sor.u32 $0x2000, s7;
	[dreg:$0x15] =	wrdreg s15  }
0x1e: {  	s23 =	sadd.s32 s5, s22;
	s25 =	sadd.s32 s6, s22;
	[dreg:$0x16] =	wrdreg s17  }
0x1f: {  	s26 =	sshrl.u32 s24, $0x3;
	s14 =	sor.u32 $0x2800, s7;
	[dreg:$0x19] =	wrdreg s23  }
0x20: {  	s19 =	sadd.s32 s6, s16;
	s20 =	sshrl.u32 s18, $0x3;
	[dreg:$0x1a] =	wrdreg s25  }
0x21: {  	s9 =	sadd.s32 s0, s26;
	s12 =	sshll.u32 s18, $0x1;
	s16 =	sshrl.u32 s14, $0x3  }
0x22: {  	s18 =	sshll.u32 s24, $0x1;
	s24 =	sshll.u32 s14, $0x1;
	[dreg:$0x17] =	wrdreg s19  }
0x23: {  	s25 =	sor.u32 $0x3000, s7;
	s21 =	sadd.s32 s0, s20;
	[dreg:$0x1b] =	wrdreg s9  }
0x24: {  	s13 =	sadd.s32 s5, s12;
	s15 =	sadd.s32 s6, s12;
	s17 =	sadd.s32 s0, s16  }
0x25: {  	s19 =	sadd.s32 s5, s18;
	s20 =	sor.u32 $0x2C00, s7;
	[dreg:$0x18] =	wrdreg s21  }
0x26: {  	s31 =	sadd.s32 s5, s24;
	s30 =	sadd.s32 s6, s24;
	[dreg:$0x1c] =	wrdreg s13  }
0x27: {  	s26 =	sshrl.u32 s25, $0x3;
	s12 =	sshrl.u32 s11, $0x3;
	[dreg:$0x1d] =	wrdreg s15  }
0x28: {  	s2 =	sshll.u32 s25, $0x1;
	s9 =	sshll.u32 s11, $0x1;
	[dreg:$0x1e] =	wrdreg s17  }
0x29: {  	[dreg:$0x1f] =	wrdreg s19;
	s21 =	sadd.s32 s6, s18;
	s22 =	sshrl.u32 s20, $0x3  }
0x2a: {  	s10 =	sshll.u32 s20, $0x1;
	s29 =	sadd.s32 s0, s26;
	s25 =	sadd.s32 s0, s12  }
0x2b: {  	s24 =	sadd.s32 s5, s2;
	s13 =	sor.u32 $0x3800, s7;
	s18 =	sadd.s32 s5, s9  }
0x2c: {  	s15 =	sor.u32 $0x3C00, s7;
	s17 =	sadd.s32 s6, s9;
	s12 =	simm.s32 $0x8800  }
0x2d: {  	[smem:$0x7FC] =	sst s21;
	s23 =	sadd.s32 s0, s22;
	s28 =	sadd.s32 s5, s10  }
0x2e: {  	s26 =	sadd.s32 s6, s10;
	s14 =	sshrl.u32 s13, $0x3;
	s7 =	sshrl.u32 s15, $0x3  }
0x2f: {  	s19 =	sshll.u32 s13, $0x1;
	s20 =	sshll.u32 s15, $0x1;
	s21 =	smax.u32 s8, $0x1  }
0x30: {  	s15 =	simm.s32 $0x800;
	s10 =	simm.s32 $0x4800;
	s8 =	simm.s32 $0xC800  }
0x31: {  	s13 =	simm.s32 $0x4;
	[smem:$0x7FD] =	sst s23;
	p1 =	sne.s32 s21, $0x1  }
.Ltmp0:
0x32: {  	s23 =	sadd.s32 s6, s2;
	s22 =	sadd.s32 s0, s14;
	(pc) =	sbr.rel @!p1 .LBB2_3-.Ltmp0, $4  }
0x33: {  	s16 =	sadd.s32 s0, s7;
	s11 =	sadd.s32 s5, s19;
	s9 =	sadd.s32 s6, s19  }
0x34: {  	s7 =	sadd.s32 s5, s20;
	s6 =	sadd.s32 s6, s20;
	s5 =	simm.s32 $0x5  }
0x35: {  	s19 =	simm.s32 $0x400;
	s0 =	sadd.s32 $0xFFFFFFFF, s21;
	s21 =	simm.s32 $0x1  }
0x36: {  	s20 =	simm.s32 $0x3;
	s14 =	simm.s32 $0x2;
	s2 =	rddreg [dreg:$0x2]  }
0x37: {  	[tilespmem:s1], [sflag:$0x5] =	stream.linear.gather [hbm4b:s2+s1], $0x400, $0x38;
	[tilespmem:$0x10800] =	vst v63  }
0x38: {  	_ =	swait.ge [sflag:s5], $0x400  }
0x39: {  	[sflag:s5] =	ssyncset.done $0x0  }
0x3a: {  	[sflag:s5] =	ssyncadd.s32 $0xFFFFFC00  }
0x3b: {  	[tilespmem:s15], [sflag:$0x1] =	stream.indirect.gather [hbm4b:s3+s19], $0x10, s1, s19, $0xb8;
	[tilespmem:$0x10800] =	vst v63  }
0x3c: {  	_ = 	snop  }
0x3d: {  	[tilespmem:s12], [sflag:$0x3] =	stream.indirect.gather [hbm4b:s4+s19], $0x10, s1, s19, $0xb8;
	[tilespmem:$0x10800] =	vst v63  }
0x3e: {  	s2 =	rddreg [dreg:$0x3]  }
0x3f: {  	[tilespmem:s19], [sflag:$0x5] =	stream.linear.gather [hbm4b:s2+s1], $0x400, $0x38;
	[tilespmem:$0x10800] =	vst v63  }
0x40: {  	_ =	swait.ge [sflag:s5], $0x400  }
0x41: {  	[sflag:s5] =	ssyncset.done $0x0  }
0x42: {  	[sflag:s5] =	ssyncadd.s32 $0xFFFFFC00  }
0x43: {  	[tilespmem:s10], [sflag:$0x2] =	stream.indirect.gather [hbm4b:s3+s19], $0x10, s19, s19, $0xb8;
	[tilespmem:$0x10800] =	vst v63  }
0x44: {  	_ = 	snop  }
0x45: {  	[tilespmem:s8], [sflag:$0x4] =	stream.indirect.gather [hbm4b:s4+s19], $0x10, s19, s19, $0xb8;
	[tilespmem:$0x10800] =	vst v63  }
0x46: {  	_ =	swait.ge [sflag:s21], $0x4000  }
0x47: {  	[sflag:s21] =	ssyncset.done $0x0  }
0x48: {  	[sflag:s21] =	ssyncadd.s32 $0xFFFFC000  }
0x49: {  	_ =	swait.ge [sflag:s20], $0x4000  }
0x4a: {  	[sflag:s20] =	ssyncset.done $0x0  }
0x4b: {  	s2 =	rddreg [dreg:$0x4];
	[sflag:s20] =	ssyncadd.s32 $0xFFFFC000  }
0x4c: {  	[hbm4b:s2+s1] =	stream.linear.scatter [tilespmem:s15], [sflag:$0x5], $0x4000, $0x38;
	[tilespmem:$0x10800] =	vst v63  }
0x4d: {  	_ =	swait.ge [sflag:s5], $0x4000  }
0x4e: {  	[sflag:s5] =	ssyncset.done $0x0  }
0x4f: {  	s2 =	rddreg [dreg:$0x5];
	[sflag:s5] =	ssyncadd.s32 $0xFFFFC000  }
0x50: {  	[hbm4b:s2+s1] =	stream.linear.scatter [tilespmem:s12], [sflag:$0x5], $0x4000, $0x38;
	[tilespmem:$0x10800] =	vst v63  }
0x51: {  	_ =	swait.ge [sflag:s5], $0x4000  }
0x52: {  	[sflag:s5] =	ssyncset.done $0x0  }
0x53: {  	s2 =	rddreg [dreg:$0x6];
	[sflag:s5] =	ssyncadd.s32 $0xFFFFC000  }
0x54: {  	[tilespmem:s1], [sflag:$0x5] =	stream.linear.gather [hbm4b:s2+s1], $0x400, $0x38;
	[tilespmem:$0x10800] =	vst v63  }
0x55: {  	_ =	swait.ge [sflag:s5], $0x400  }
0x56: {  	[sflag:s5] =	ssyncset.done $0x0  }
0x57: {  	[sflag:s5] =	ssyncadd.s32 $0xFFFFFC00  }
0x58: {  	[tilespmem:s15], [sflag:$0x1] =	stream.indirect.gather [hbm4b:s3+s19], $0x10, s1, s19, $0xb8;
	[tilespmem:$0x10800] =	vst v63  }
0x59: {  	_ = 	snop  }
0x5a: {  	[tilespmem:s12], [sflag:$0x3] =	stream.indirect.gather [hbm4b:s4+s19], $0x10, s1, s19, $0xb8;
	[tilespmem:$0x10800] =	vst v63  }
0x5b: {  	_ =	swait.ge [sflag:s14], $0x4000  }
0x5c: {  	[sflag:s14] =	ssyncset.done $0x0  }
0x5d: {  	[sflag:s14] =	ssyncadd.s32 $0xFFFFC000  }
0x5e: {  	_ =	swait.ge [sflag:s13], $0x4000  }
0x5f: {  	[sflag:s13] =	ssyncset.done $0x0  }
0x60: {  	s2 =	rddreg [dreg:$0x7];
	[sflag:s13] =	ssyncadd.s32 $0xFFFFC000  }
0x61: {  	[hbm4b:s2+s1] =	stream.linear.scatter [tilespmem:s10], [sflag:$0x5], $0x4000, $0x38;
	[tilespmem:$0x10800] =	vst v63  }
0x62: {  	_ =	swait.ge [sflag:s5], $0x4000  }
0x63: {  	[sflag:s5] =	ssyncset.done $0x0  }
0x64: {  	s2 =	rddreg [dreg:$0x8];
	[sflag:s5] =	ssyncadd.s32 $0xFFFFC000  }
0x65: {  	[hbm4b:s2+s1] =	stream.linear.scatter [tilespmem:s8], [sflag:$0x5], $0x4000, $0x38;
	[tilespmem:$0x10800] =	vst v63  }
0x66: {  	_ =	swait.ge [sflag:s5], $0x4000  }
0x67: {  	[sflag:s5] =	ssyncset.done $0x0  }
0x68: {  	s2 =	rddreg [dreg:$0x9];
	[sflag:s5] =	ssyncadd.s32 $0xFFFFC000  }
0x69: {  	[tilespmem:s19], [sflag:$0x5] =	stream.linear.gather [hbm4b:s2+s1], $0x400, $0x38;
	[tilespmem:$0x10800] =	vst v63  }
0x6a: {  	_ =	swait.ge [sflag:s5], $0x400  }
0x6b: {  	[sflag:s5] =	ssyncset.done $0x0  }
0x6c: {  	[sflag:s5] =	ssyncadd.s32 $0xFFFFFC00  }
0x6d: {  	[tilespmem:s10], [sflag:$0x2] =	stream.indirect.gather [hbm4b:s3+s19], $0x10, s19, s19, $0xb8;
	[tilespmem:$0x10800] =	vst v63  }
0x6e: {  	_ = 	snop  }
0x6f: {  	[tilespmem:s8], [sflag:$0x4] =	stream.indirect.gather [hbm4b:s4+s19], $0x10, s19, s19, $0xb8;
	[tilespmem:$0x10800] =	vst v63  }
0x70: {  	_ =	swait.ge [sflag:s21], $0x4000  }
0x71: {  	[sflag:s21] =	ssyncset.done $0x0  }
0x72: {  	[sflag:s21] =	ssyncadd.s32 $0xFFFFC000  }
0x73: {  	_ =	swait.ge [sflag:s20], $0x4000  }
0x74: {  	[sflag:s20] =	ssyncset.done $0x0  }
0x75: {  	s2 =	rddreg [dreg:$0xa];
	[sflag:s20] =	ssyncadd.s32 $0xFFFFC000  }
0x76: {  	[hbm4b:s2+s1] =	stream.linear.scatter [tilespmem:s15], [sflag:$0x5], $0x4000, $0x38;
	[tilespmem:$0x10800] =	vst v63  }
0x77: {  	_ =	swait.ge [sflag:s5], $0x4000  }
0x78: {  	[sflag:s5] =	ssyncset.done $0x0  }
0x79: {  	s2 =	rddreg [dreg:$0xb];
	[sflag:s5] =	ssyncadd.s32 $0xFFFFC000  }
0x7a: {  	[hbm4b:s2+s1] =	stream.linear.scatter [tilespmem:s12], [sflag:$0x5], $0x4000, $0x38;
	[tilespmem:$0x10800] =	vst v63  }
0x7b: {  	_ =	swait.ge [sflag:s5], $0x4000  }
0x7c: {  	[sflag:s5] =	ssyncset.done $0x0  }
0x7d: {  	s2 =	rddreg [dreg:$0xc];
	[sflag:s5] =	ssyncadd.s32 $0xFFFFC000  }
0x7e: {  	[tilespmem:s1], [sflag:$0x5] =	stream.linear.gather [hbm4b:s2+s1], $0x400, $0x38;
	[tilespmem:$0x10800] =	vst v63  }
0x7f: {  	_ =	swait.ge [sflag:s5], $0x400  }
0x80: {  	[sflag:s5] =	ssyncset.done $0x0  }
0x81: {  	[sflag:s5] =	ssyncadd.s32 $0xFFFFFC00  }
0x82: {  	[tilespmem:s15], [sflag:$0x1] =	stream.indirect.gather [hbm4b:s3+s19], $0x10, s1, s19, $0xb8;
	[tilespmem:$0x10800] =	vst v63  }
0x83: {  	_ = 	snop  }
0x84: {  	[tilespmem:s12], [sflag:$0x3] =	stream.indirect.gather [hbm4b:s4+s19], $0x10, s1, s19, $0xb8;
	[tilespmem:$0x10800] =	vst v63  }
0x85: {  	_ =	swait.ge [sflag:s14], $0x4000  }
0x86: {  	[sflag:s14] =	ssyncset.done $0x0  }
0x87: {  	[sflag:s14] =	ssyncadd.s32 $0xFFFFC000  }
0x88: {  	_ =	swait.ge [sflag:s13], $0x4000  }
0x89: {  	[sflag:s13] =	ssyncset.done $0x0  }
0x8a: {  	s2 =	rddreg [dreg:$0xd];
	[sflag:s13] =	ssyncadd.s32 $0xFFFFC000  }
0x8b: {  	[hbm4b:s2+s1] =	stream.linear.scatter [tilespmem:s10], [sflag:$0x5], $0x4000, $0x38;
	[tilespmem:$0x10800] =	vst v63  }
0x8c: {  	_ =	swait.ge [sflag:s5], $0x4000  }
0x8d: {  	[sflag:s5] =	ssyncset.done $0x0  }
0x8e: {  	s2 =	rddreg [dreg:$0xe];
	[sflag:s5] =	ssyncadd.s32 $0xFFFFC000  }
0x8f: {  	[hbm4b:s2+s1] =	stream.linear.scatter [tilespmem:s8], [sflag:$0x5], $0x4000, $0x38;
	[tilespmem:$0x10800] =	vst v63  }
0x90: {  	_ =	swait.ge [sflag:s5], $0x4000  }
0x91: {  	[sflag:s5] =	ssyncset.done $0x0  }
0x92: {  	s2 =	rddreg [dreg:$0xf];
	[sflag:s5] =	ssyncadd.s32 $0xFFFFC000  }
0x93: {  	[tilespmem:s19], [sflag:$0x5] =	stream.linear.gather [hbm4b:s2+s1], $0x400, $0x38;
	[tilespmem:$0x10800] =	vst v63  }
0x94: {  	_ =	swait.ge [sflag:s5], $0x400  }
0x95: {  	[sflag:s5] =	ssyncset.done $0x0  }
0x96: {  	[sflag:s5] =	ssyncadd.s32 $0xFFFFFC00  }
0x97: {  	[tilespmem:s10], [sflag:$0x2] =	stream.indirect.gather [hbm4b:s3+s19], $0x10, s19, s19, $0xb8;
	[tilespmem:$0x10800] =	vst v63  }
0x98: {  	_ = 	snop  }
0x99: {  	[tilespmem:s8], [sflag:$0x4] =	stream.indirect.gather [hbm4b:s4+s19], $0x10, s19, s19, $0xb8;
	[tilespmem:$0x10800] =	vst v63  }
0x9a: {  	_ =	swait.ge [sflag:s21], $0x4000  }
0x9b: {  	[sflag:s21] =	ssyncset.done $0x0  }
0x9c: {  	[sflag:s21] =	ssyncadd.s32 $0xFFFFC000  }
0x9d: {  	_ =	swait.ge [sflag:s20], $0x4000  }
0x9e: {  	[sflag:s20] =	ssyncset.done $0x0  }
0x9f: {  	s2 =	rddreg [dreg:$0x10];
	[sflag:s20] =	ssyncadd.s32 $0xFFFFC000  }
0xa0: {  	[hbm4b:s2+s1] =	stream.linear.scatter [tilespmem:s15], [sflag:$0x5], $0x4000, $0x38;
	[tilespmem:$0x10800] =	vst v63  }
0xa1: {  	_ =	swait.ge [sflag:s5], $0x4000  }
0xa2: {  	[sflag:s5] =	ssyncset.done $0x0  }
0xa3: {  	s2 =	rddreg [dreg:$0x11];
	[sflag:s5] =	ssyncadd.s32 $0xFFFFC000  }
0xa4: {  	[hbm4b:s2+s1] =	stream.linear.scatter [tilespmem:s12], [sflag:$0x5], $0x4000, $0x38;
	[tilespmem:$0x10800] =	vst v63  }
0xa5: {  	_ =	swait.ge [sflag:s5], $0x4000  }
0xa6: {  	[sflag:s5] =	ssyncset.done $0x0  }
0xa7: {  	s2 =	rddreg [dreg:$0x12];
	[sflag:s5] =	ssyncadd.s32 $0xFFFFC000  }
0xa8: {  	[tilespmem:s1], [sflag:$0x5] =	stream.linear.gather [hbm4b:s2+s1], $0x400, $0x38;
	[tilespmem:$0x10800] =	vst v63  }
0xa9: {  	_ =	swait.ge [sflag:s5], $0x400  }
0xaa: {  	[sflag:s5] =	ssyncset.done $0x0  }
0xab: {  	[sflag:s5] =	ssyncadd.s32 $0xFFFFFC00  }
0xac: {  	[tilespmem:s15], [sflag:$0x1] =	stream.indirect.gather [hbm4b:s3+s19], $0x10, s1, s19, $0xb8;
	[tilespmem:$0x10800] =	vst v63  }
0xad: {  	_ = 	snop  }
0xae: {  	[tilespmem:s12], [sflag:$0x3] =	stream.indirect.gather [hbm4b:s4+s19], $0x10, s1, s19, $0xb8;
	[tilespmem:$0x10800] =	vst v63  }
0xaf: {  	_ =	swait.ge [sflag:s14], $0x4000  }
0xb0: {  	[sflag:s14] =	ssyncset.done $0x0  }
0xb1: {  	[sflag:s14] =	ssyncadd.s32 $0xFFFFC000  }
0xb2: {  	_ =	swait.ge [sflag:s13], $0x4000  }
0xb3: {  	[sflag:s13] =	ssyncset.done $0x0  }
0xb4: {  	s2 =	rddreg [dreg:$0x13];
	[sflag:s13] =	ssyncadd.s32 $0xFFFFC000  }
0xb5: {  	[hbm4b:s2+s1] =	stream.linear.scatter [tilespmem:s10], [sflag:$0x5], $0x4000, $0x38;
	[tilespmem:$0x10800] =	vst v63  }
0xb6: {  	_ =	swait.ge [sflag:s5], $0x4000  }
0xb7: {  	[sflag:s5] =	ssyncset.done $0x0  }
0xb8: {  	s2 =	rddreg [dreg:$0x14];
	[sflag:s5] =	ssyncadd.s32 $0xFFFFC000  }
0xb9: {  	[hbm4b:s2+s1] =	stream.linear.scatter [tilespmem:s8], [sflag:$0x5], $0x4000, $0x38;
	[tilespmem:$0x10800] =	vst v63  }
0xba: {  	_ =	swait.ge [sflag:s5], $0x4000  }
0xbb: {  	[sflag:s5] =	ssyncset.done $0x0  }
0xbc: {  	s2 =	rddreg [dreg:$0x15];
	[sflag:s5] =	ssyncadd.s32 $0xFFFFC000  }
0xbd: {  	[tilespmem:s19], [sflag:$0x5] =	stream.linear.gather [hbm4b:s2+s1], $0x400, $0x38;
	[tilespmem:$0x10800] =	vst v63  }
0xbe: {  	_ =	swait.ge [sflag:s5], $0x400  }
0xbf: {  	[sflag:s5] =	ssyncset.done $0x0  }
0xc0: {  	[sflag:s5] =	ssyncadd.s32 $0xFFFFFC00  }
0xc1: {  	[tilespmem:s10], [sflag:$0x2] =	stream.indirect.gather [hbm4b:s3+s19], $0x10, s19, s19, $0xb8;
	[tilespmem:$0x10800] =	vst v63  }
0xc2: {  	_ = 	snop  }
0xc3: {  	[tilespmem:s8], [sflag:$0x4] =	stream.indirect.gather [hbm4b:s4+s19], $0x10, s19, s19, $0xb8;
	[tilespmem:$0x10800] =	vst v63  }
0xc4: {  	_ =	swait.ge [sflag:s21], $0x4000  }
0xc5: {  	[sflag:s21] =	ssyncset.done $0x0  }
0xc6: {  	[sflag:s21] =	ssyncadd.s32 $0xFFFFC000  }
0xc7: {  	_ =	swait.ge [sflag:s20], $0x4000  }
0xc8: {  	[sflag:s20] =	ssyncset.done $0x0  }
0xc9: {  	s2 =	rddreg [dreg:$0x16];
	[sflag:s20] =	ssyncadd.s32 $0xFFFFC000  }
0xca: {  	[hbm4b:s2+s1] =	stream.linear.scatter [tilespmem:s15], [sflag:$0x5], $0x4000, $0x38;
	[tilespmem:$0x10800] =	vst v63  }
0xcb: {  	_ =	swait.ge [sflag:s5], $0x4000  }
0xcc: {  	[sflag:s5] =	ssyncset.done $0x0  }
0xcd: {  	s2 =	rddreg [dreg:$0x17];
	[sflag:s5] =	ssyncadd.s32 $0xFFFFC000  }
0xce: {  	[hbm4b:s2+s1] =	stream.linear.scatter [tilespmem:s12], [sflag:$0x5], $0x4000, $0x38;
	[tilespmem:$0x10800] =	vst v63  }
0xcf: {  	_ =	swait.ge [sflag:s5], $0x4000  }
0xd0: {  	[sflag:s5] =	ssyncset.done $0x0  }
0xd1: {  	s2 =	rddreg [dreg:$0x18];
	[sflag:s5] =	ssyncadd.s32 $0xFFFFC000  }
0xd2: {  	[tilespmem:s1], [sflag:$0x5] =	stream.linear.gather [hbm4b:s2+s1], $0x400, $0x38;
	[tilespmem:$0x10800] =	vst v63  }
0xd3: {  	_ =	swait.ge [sflag:s5], $0x400  }
0xd4: {  	[sflag:s5] =	ssyncset.done $0x0  }
0xd5: {  	[sflag:s5] =	ssyncadd.s32 $0xFFFFFC00  }
0xd6: {  	[tilespmem:s15], [sflag:$0x1] =	stream.indirect.gather [hbm4b:s3+s19], $0x10, s1, s19, $0xb8;
	[tilespmem:$0x10800] =	vst v63  }
0xd7: {  	_ = 	snop  }
0xd8: {  	[tilespmem:s12], [sflag:$0x3] =	stream.indirect.gather [hbm4b:s4+s19], $0x10, s1, s19, $0xb8;
	[tilespmem:$0x10800] =	vst v63  }
0xd9: {  	_ =	swait.ge [sflag:s14], $0x4000  }
0xda: {  	[sflag:s14] =	ssyncset.done $0x0  }
0xdb: {  	[sflag:s14] =	ssyncadd.s32 $0xFFFFC000  }
0xdc: {  	_ =	swait.ge [sflag:s13], $0x4000  }
0xdd: {  	[sflag:s13] =	ssyncset.done $0x0  }
0xde: {  	s2 =	rddreg [dreg:$0x19];
	[sflag:s13] =	ssyncadd.s32 $0xFFFFC000  }
0xdf: {  	[hbm4b:s2+s1] =	stream.linear.scatter [tilespmem:s10], [sflag:$0x5], $0x4000, $0x38;
	[tilespmem:$0x10800] =	vst v63  }
0xe0: {  	_ =	swait.ge [sflag:s5], $0x4000  }
0xe1: {  	[sflag:s5] =	ssyncset.done $0x0  }
0xe2: {  	s2 =	rddreg [dreg:$0x1a];
	[sflag:s5] =	ssyncadd.s32 $0xFFFFC000  }
0xe3: {  	[hbm4b:s2+s1] =	stream.linear.scatter [tilespmem:s8], [sflag:$0x5], $0x4000, $0x38;
	[tilespmem:$0x10800] =	vst v63  }
0xe4: {  	_ =	swait.ge [sflag:s5], $0x4000  }
0xe5: {  	[sflag:s5] =	ssyncset.done $0x0  }
0xe6: {  	s2 =	rddreg [dreg:$0x1b];
	[sflag:s5] =	ssyncadd.s32 $0xFFFFC000  }
0xe7: {  	[tilespmem:s19], [sflag:$0x5] =	stream.linear.gather [hbm4b:s2+s1], $0x400, $0x38;
	[tilespmem:$0x10800] =	vst v63  }
0xe8: {  	_ =	swait.ge [sflag:s5], $0x400  }
0xe9: {  	[sflag:s5] =	ssyncset.done $0x0  }
0xea: {  	[sflag:s5] =	ssyncadd.s32 $0xFFFFFC00  }
0xeb: {  	[tilespmem:s10], [sflag:$0x2] =	stream.indirect.gather [hbm4b:s3+s19], $0x10, s19, s19, $0xb8;
	[tilespmem:$0x10800] =	vst v63  }
0xec: {  	_ = 	snop  }
0xed: {  	[tilespmem:s8], [sflag:$0x4] =	stream.indirect.gather [hbm4b:s4+s19], $0x10, s19, s19, $0xb8;
	[tilespmem:$0x10800] =	vst v63  }
0xee: {  	_ =	swait.ge [sflag:s21], $0x4000  }
0xef: {  	[sflag:s21] =	ssyncset.done $0x0  }
0xf0: {  	[sflag:s21] =	ssyncadd.s32 $0xFFFFC000  }
0xf1: {  	_ =	swait.ge [sflag:s20], $0x4000  }
0xf2: {  	[sflag:s20] =	ssyncset.done $0x0  }
0xf3: {  	s2 =	rddreg [dreg:$0x1c];
	[sflag:s20] =	ssyncadd.s32 $0xFFFFC000  }
0xf4: {  	[hbm4b:s2+s1] =	stream.linear.scatter [tilespmem:s15], [sflag:$0x5], $0x4000, $0x38;
	[tilespmem:$0x10800] =	vst v63  }
0xf5: {  	_ =	swait.ge [sflag:s5], $0x4000  }
0xf6: {  	[sflag:s5] =	ssyncset.done $0x0  }
0xf7: {  	s2 =	rddreg [dreg:$0x1d];
	[sflag:s5] =	ssyncadd.s32 $0xFFFFC000  }
0xf8: {  	[hbm4b:s2+s1] =	stream.linear.scatter [tilespmem:s12], [sflag:$0x5], $0x4000, $0x38;
	[tilespmem:$0x10800] =	vst v63  }
0xf9: {  	_ =	swait.ge [sflag:s5], $0x4000  }
0xfa: {  	[sflag:s5] =	ssyncset.done $0x0  }
0xfb: {  	s2 =	rddreg [dreg:$0x1e];
	[sflag:s5] =	ssyncadd.s32 $0xFFFFC000  }
0xfc: {  	[tilespmem:s1], [sflag:$0x5] =	stream.linear.gather [hbm4b:s2+s1], $0x400, $0x38;
	[tilespmem:$0x10800] =	vst v63  }
0xfd: {  	_ =	swait.ge [sflag:s5], $0x400  }
0xfe: {  	[sflag:s5] =	ssyncset.done $0x0  }
0xff: {  	[sflag:s5] =	ssyncadd.s32 $0xFFFFFC00  }
0x100: {  	[tilespmem:s15], [sflag:$0x1] =	stream.indirect.gather [hbm4b:s3+s19], $0x10, s1, s19, $0xb8;
	[tilespmem:$0x10800] =	vst v63  }
0x101: {  	_ = 	snop  }
0x102: {  	[tilespmem:s12], [sflag:$0x3] =	stream.indirect.gather [hbm4b:s4+s19], $0x10, s1, s19, $0xb8;
	[tilespmem:$0x10800] =	vst v63  }
0x103: {  	_ =	swait.ge [sflag:s14], $0x4000  }
0x104: {  	[sflag:s14] =	ssyncset.done $0x0  }
0x105: {  	[sflag:s14] =	ssyncadd.s32 $0xFFFFC000  }
0x106: {  	_ =	swait.ge [sflag:s13], $0x4000  }
0x107: {  	[sflag:s13] =	ssyncset.done $0x0  }
0x108: {  	s2 =	rddreg [dreg:$0x1f];
	[sflag:s13] =	ssyncadd.s32 $0xFFFFC000  }
0x109: {  	[hbm4b:s2+s1] =	stream.linear.scatter [tilespmem:s10], [sflag:$0x5], $0x4000, $0x38;
	[tilespmem:$0x10800] =	vst v63  }
0x10a: {  	_ =	swait.ge [sflag:s5], $0x4000  }
0x10b: {  	s2 =	sld [smem:$0x7FC]  }
0x10c: {  	[sflag:s5] =	ssyncset.done $0x0  }
0x10d: {  	[sflag:s5] =	ssyncadd.s32 $0xFFFFC000  }
0x10e: {  	[hbm4b:s2+s1] =	stream.linear.scatter [tilespmem:s8], [sflag:$0x5], $0x4000, $0x38;
	[tilespmem:$0x10800] =	vst v63  }
0x10f: {  	_ =	swait.ge [sflag:s5], $0x4000  }
0x110: {  	s2 =	sld [smem:$0x7FD]  }
0x111: {  	[sflag:s5] =	ssyncset.done $0x0  }
0x112: {  	[sflag:s5] =	ssyncadd.s32 $0xFFFFC000  }
0x113: {  	[tilespmem:s19], [sflag:$0x5] =	stream.linear.gather [hbm4b:s2+s1], $0x400, $0x38;
	[tilespmem:$0x10800] =	vst v63  }
0x114: {  	_ =	swait.ge [sflag:s5], $0x400  }
0x115: {  	[sflag:s5] =	ssyncset.done $0x0  }
0x116: {  	[sflag:s5] =	ssyncadd.s32 $0xFFFFFC00  }
0x117: {  	[tilespmem:s10], [sflag:$0x2] =	stream.indirect.gather [hbm4b:s3+s19], $0x10, s19, s19, $0xb8;
	[tilespmem:$0x10800] =	vst v63  }
0x118: {  	_ = 	snop  }
0x119: {  	[tilespmem:s8], [sflag:$0x4] =	stream.indirect.gather [hbm4b:s4+s19], $0x10, s19, s19, $0xb8;
	[tilespmem:$0x10800] =	vst v63  }
0x11a: {  	_ =	swait.ge [sflag:s21], $0x4000  }
0x11b: {  	[sflag:s21] =	ssyncset.done $0x0  }
0x11c: {  	[sflag:s21] =	ssyncadd.s32 $0xFFFFC000  }
0x11d: {  	_ =	swait.ge [sflag:s20], $0x4000  }
0x11e: {  	[sflag:s20] =	ssyncset.done $0x0  }
0x11f: {  	[sflag:s20] =	ssyncadd.s32 $0xFFFFC000  }
0x120: {  	[hbm4b:s31+s1] =	stream.linear.scatter [tilespmem:s15], [sflag:$0x5], $0x4000, $0x38;
	[tilespmem:$0x10800] =	vst v63  }
0x121: {  	_ =	swait.ge [sflag:s5], $0x4000  }
0x122: {  	[sflag:s5] =	ssyncset.done $0x0  }
0x123: {  	[sflag:s5] =	ssyncadd.s32 $0xFFFFC000  }
0x124: {  	[hbm4b:s30+s1] =	stream.linear.scatter [tilespmem:s12], [sflag:$0x5], $0x4000, $0x38;
	[tilespmem:$0x10800] =	vst v63  }
0x125: {  	_ =	swait.ge [sflag:s5], $0x4000  }
0x126: {  	[sflag:s5] =	ssyncset.done $0x0  }
0x127: {  	[sflag:s5] =	ssyncadd.s32 $0xFFFFC000  }
0x128: {  	[tilespmem:s1], [sflag:$0x5] =	stream.linear.gather [hbm4b:s29+s1], $0x400, $0x38;
	[tilespmem:$0x10800] =	vst v63  }
0x129: {  	_ =	swait.ge [sflag:s5], $0x400  }
0x12a: {  	[sflag:s5] =	ssyncset.done $0x0  }
0x12b: {  	[sflag:s5] =	ssyncadd.s32 $0xFFFFFC00  }
0x12c: {  	[tilespmem:s15], [sflag:$0x1] =	stream.indirect.gather [hbm4b:s3+s19], $0x10, s1, s19, $0xb8;
	[tilespmem:$0x10800] =	vst v63  }
0x12d: {  	_ = 	snop  }
0x12e: {  	[tilespmem:s12], [sflag:$0x3] =	stream.indirect.gather [hbm4b:s4+s19], $0x10, s1, s19, $0xb8;
	[tilespmem:$0x10800] =	vst v63  }
0x12f: {  	_ =	swait.ge [sflag:s14], $0x4000  }
0x130: {  	[sflag:s14] =	ssyncset.done $0x0  }
0x131: {  	[sflag:s14] =	ssyncadd.s32 $0xFFFFC000  }
0x132: {  	_ =	swait.ge [sflag:s13], $0x4000  }
0x133: {  	[sflag:s13] =	ssyncset.done $0x0  }
0x134: {  	[sflag:s13] =	ssyncadd.s32 $0xFFFFC000  }
0x135: {  	[hbm4b:s28+s1] =	stream.linear.scatter [tilespmem:s10], [sflag:$0x5], $0x4000, $0x38;
	[tilespmem:$0x10800] =	vst v63  }
0x136: {  	_ =	swait.ge [sflag:s5], $0x4000  }
0x137: {  	[sflag:s5] =	ssyncset.done $0x0  }
0x138: {  	[sflag:s5] =	ssyncadd.s32 $0xFFFFC000  }
0x139: {  	[hbm4b:s26+s1] =	stream.linear.scatter [tilespmem:s8], [sflag:$0x5], $0x4000, $0x38;
	[tilespmem:$0x10800] =	vst v63  }
0x13a: {  	_ =	swait.ge [sflag:s5], $0x4000  }
0x13b: {  	[sflag:s5] =	ssyncset.done $0x0  }
0x13c: {  	[sflag:s5] =	ssyncadd.s32 $0xFFFFC000  }
0x13d: {  	[tilespmem:s19], [sflag:$0x5] =	stream.linear.gather [hbm4b:s25+s1], $0x400, $0x38;
	[tilespmem:$0x10800] =	vst v63  }
0x13e: {  	_ =	swait.ge [sflag:s5], $0x400  }
0x13f: {  	[sflag:s5] =	ssyncset.done $0x0  }
0x140: {  	[sflag:s5] =	ssyncadd.s32 $0xFFFFFC00  }
0x141: {  	[tilespmem:s10], [sflag:$0x2] =	stream.indirect.gather [hbm4b:s3+s19], $0x10, s19, s19, $0xb8;
	[tilespmem:$0x10800] =	vst v63  }
0x142: {  	_ = 	snop  }
0x143: {  	[tilespmem:s8], [sflag:$0x4] =	stream.indirect.gather [hbm4b:s4+s19], $0x10, s19, s19, $0xb8;
	[tilespmem:$0x10800] =	vst v63  }
0x144: {  	_ =	swait.ge [sflag:s21], $0x4000  }
0x145: {  	[sflag:s21] =	ssyncset.done $0x0  }
0x146: {  	[sflag:s21] =	ssyncadd.s32 $0xFFFFC000  }
0x147: {  	_ =	swait.ge [sflag:s20], $0x4000  }
0x148: {  	[sflag:s20] =	ssyncset.done $0x0  }
0x149: {  	[sflag:s20] =	ssyncadd.s32 $0xFFFFC000  }
0x14a: {  	[hbm4b:s24+s1] =	stream.linear.scatter [tilespmem:s15], [sflag:$0x5], $0x4000, $0x38;
	[tilespmem:$0x10800] =	vst v63  }
0x14b: {  	_ =	swait.ge [sflag:s5], $0x4000  }
0x14c: {  	[sflag:s5] =	ssyncset.done $0x0  }
0x14d: {  	[sflag:s5] =	ssyncadd.s32 $0xFFFFC000  }
0x14e: {  	[hbm4b:s23+s1] =	stream.linear.scatter [tilespmem:s12], [sflag:$0x5], $0x4000, $0x38;
	[tilespmem:$0x10800] =	vst v63  }
0x14f: {  	_ =	swait.ge [sflag:s5], $0x4000  }
0x150: {  	[sflag:s5] =	ssyncset.done $0x0  }
0x151: {  	[sflag:s5] =	ssyncadd.s32 $0xFFFFC000  }
0x152: {  	[tilespmem:s1], [sflag:$0x5] =	stream.linear.gather [hbm4b:s22+s1], $0x400, $0x38;
	[tilespmem:$0x10800] =	vst v63  }
0x153: {  	_ =	swait.ge [sflag:s5], $0x400  }
0x154: {  	[sflag:s5] =	ssyncset.done $0x0  }
0x155: {  	[sflag:s5] =	ssyncadd.s32 $0xFFFFFC00  }
0x156: {  	[tilespmem:s15], [sflag:$0x1] =	stream.indirect.gather [hbm4b:s3+s19], $0x10, s1, s19, $0xb8;
	[tilespmem:$0x10800] =	vst v63  }
0x157: {  	_ = 	snop  }
0x158: {  	[tilespmem:s12], [sflag:$0x3] =	stream.indirect.gather [hbm4b:s4+s19], $0x10, s1, s19, $0xb8;
	[tilespmem:$0x10800] =	vst v63  }
0x159: {  	_ =	swait.ge [sflag:s14], $0x4000  }
0x15a: {  	[sflag:s14] =	ssyncset.done $0x0  }
0x15b: {  	[sflag:s14] =	ssyncadd.s32 $0xFFFFC000  }
0x15c: {  	_ =	swait.ge [sflag:s13], $0x4000  }
0x15d: {  	[sflag:s13] =	ssyncset.done $0x0  }
0x15e: {  	[sflag:s13] =	ssyncadd.s32 $0xFFFFC000  }
0x15f: {  	[hbm4b:s18+s1] =	stream.linear.scatter [tilespmem:s10], [sflag:$0x5], $0x4000, $0x38;
	[tilespmem:$0x10800] =	vst v63  }
0x160: {  	_ =	swait.ge [sflag:s5], $0x4000  }
0x161: {  	[sflag:s5] =	ssyncset.done $0x0  }
0x162: {  	[sflag:s5] =	ssyncadd.s32 $0xFFFFC000  }
0x163: {  	[hbm4b:s17+s1] =	stream.linear.scatter [tilespmem:s8], [sflag:$0x5], $0x4000, $0x38;
	[tilespmem:$0x10800] =	vst v63  }
0x164: {  	_ =	swait.ge [sflag:s5], $0x4000  }
0x165: {  	[sflag:s5] =	ssyncset.done $0x0  }
0x166: {  	[sflag:s5] =	ssyncadd.s32 $0xFFFFC000  }
0x167: {  	[tilespmem:s19], [sflag:$0x5] =	stream.linear.gather [hbm4b:s16+s1], $0x400, $0x38;
	[tilespmem:$0x10800] =	vst v63  }
0x168: {  	_ =	swait.ge [sflag:s5], $0x400  }
0x169: {  	[sflag:s5] =	ssyncset.done $0x0  }
0x16a: {  	[sflag:s5] =	ssyncadd.s32 $0xFFFFFC00  }
0x16b: {  	[tilespmem:s10], [sflag:$0x2] =	stream.indirect.gather [hbm4b:s3+s19], $0x10, s19, s19, $0xb8;
	[tilespmem:$0x10800] =	vst v63  }
0x16c: {  	_ = 	snop  }
0x16d: {  	[tilespmem:s8], [sflag:$0x4] =	stream.indirect.gather [hbm4b:s4+s19], $0x10, s19, s19, $0xb8;
	[tilespmem:$0x10800] =	vst v63  }
0x16e: {  	_ =	swait.ge [sflag:s21], $0x4000  }
0x16f: {  	[sflag:s21] =	ssyncset.done $0x0  }
0x170: {  	[sflag:s21] =	ssyncadd.s32 $0xFFFFC000  }
0x171: {  	_ =	swait.ge [sflag:s20], $0x4000  }
0x172: {  	[sflag:s20] =	ssyncset.done $0x0  }
0x173: {  	[sflag:s20] =	ssyncadd.s32 $0xFFFFC000  }
0x174: {  	[hbm4b:s11+s1] =	stream.linear.scatter [tilespmem:s15], [sflag:$0x5], $0x4000, $0x38;
	[tilespmem:$0x10800] =	vst v63  }
0x175: {  	_ =	swait.ge [sflag:s5], $0x4000  }
0x176: {  	[sflag:s5] =	ssyncset.done $0x0  }
0x177: {  	[sflag:s5] =	ssyncadd.s32 $0xFFFFC000  }
0x178: {  	[hbm4b:s9+s1] =	stream.linear.scatter [tilespmem:s12], [sflag:$0x5], $0x4000, $0x38;
	[tilespmem:$0x10800] =	vst v63  }
0x179: {  	_ =	swait.ge [sflag:s5], $0x4000  }
0x17a: {  	[sflag:s5] =	ssyncset.done $0x0  }
0x17b: {  	[sflag:s5] =	ssyncadd.s32 $0xFFFFC000  }
0x17c: {  	_ =	swait.ge [sflag:s14], $0x4000  }
0x17d: {  	[sflag:s14] =	ssyncset.done $0x0  }
0x17e: {  	[sflag:s14] =	ssyncadd.s32 $0xFFFFC000  }
0x17f: {  	_ =	swait.ge [sflag:s13], $0x4000  }
0x180: {  	[sflag:s13] =	ssyncset.done $0x0  }
0x181: {  	[sflag:s13] =	ssyncadd.s32 $0xFFFFC000  }
0x182: {  	[hbm4b:s7+s1] =	stream.linear.scatter [tilespmem:s10], [sflag:$0x5], $0x4000, $0x38;
	[tilespmem:$0x10800] =	vst v63  }
0x183: {  	p1 =	sne.s32 s0, $0x1;
	_ =	swait.ge [sflag:s5], $0x4000  }
.Ltmp1:
0x184: {  	[sflag:s5] =	ssyncset.done $0x0;
	(pc) =	sbr.rel @!p1 .LBB2_3-.Ltmp1, $4  }
0x185: {  	[sflag:s5] =	ssyncadd.s32 $0xFFFFC000  }
0x186: {  	[hbm4b:s6+s1] =	stream.linear.scatter [tilespmem:s8], [sflag:$0x5], $0x4000, $0x38;
	[tilespmem:$0x10800] =	vst v63  }
0x187: {  	s0 =	sadd.s32 $0xFFFFFFFF, s0;
	_ =	swait.ge [sflag:s5], $0x4000  }
0x188: {  	p0 =	por $0x1, $0x1;
	s2 =	rddreg [dreg:$0x2];
	[sflag:s5] =	ssyncset.done $0x0  }
.LBB2_2:
0x189: {  	[sflag:s5] =	ssyncadd.s32 $0xFFFFC000  }
0x18a: {  	[tilespmem:s1], [sflag:$0x5] =	stream.linear.gather [hbm4b:s2+s1], $0x400, $0x38;
	[tilespmem:$0x10800] =	vst v63  }
0x18b: {  	_ =	swait.ge [sflag:s5], $0x400  }
0x18c: {  	[sflag:s5] =	ssyncset.done $0x0  }
0x18d: {  	[sflag:s5] =	ssyncadd.s32 $0xFFFFFC00  }
0x18e: {  	[tilespmem:s15], [sflag:$0x1] =	stream.indirect.gather [hbm4b:s3+s19], $0x10, s1, s19, $0xb8;
	[tilespmem:$0x10800] =	vst v63  }
0x18f: {  	_ = 	snop  }
0x190: {  	[tilespmem:s12], [sflag:$0x3] =	stream.indirect.gather [hbm4b:s4+s19], $0x10, s1, s19, $0xb8;
	[tilespmem:$0x10800] =	vst v63  }
0x191: {  	s2 =	rddreg [dreg:$0x3]  }
0x192: {  	[tilespmem:s19], [sflag:$0x5] =	stream.linear.gather [hbm4b:s2+s1], $0x400, $0x38;
	[tilespmem:$0x10800] =	vst v63  }
0x193: {  	_ =	swait.ge [sflag:s5], $0x400  }
0x194: {  	[sflag:s5] =	ssyncset.done $0x0  }
0x195: {  	[sflag:s5] =	ssyncadd.s32 $0xFFFFFC00  }
0x196: {  	[tilespmem:s10], [sflag:$0x2] =	stream.indirect.gather [hbm4b:s3+s19], $0x10, s19, s19, $0xb8;
	[tilespmem:$0x10800] =	vst v63  }
0x197: {  	_ = 	snop  }
0x198: {  	[tilespmem:s8], [sflag:$0x4] =	stream.indirect.gather [hbm4b:s4+s19], $0x10, s19, s19, $0xb8;
	[tilespmem:$0x10800] =	vst v63  }
0x199: {  	_ =	swait.ge [sflag:s21], $0x4000  }
0x19a: {  	[sflag:s21] =	ssyncset.done $0x0  }
0x19b: {  	[sflag:s21] =	ssyncadd.s32 $0xFFFFC000  }
0x19c: {  	_ =	swait.ge [sflag:s20], $0x4000  }
0x19d: {  	[sflag:s20] =	ssyncset.done $0x0  }
0x19e: {  	s2 =	rddreg [dreg:$0x4];
	[sflag:s20] =	ssyncadd.s32 $0xFFFFC000  }
0x19f: {  	[hbm4b:s2+s1] =	stream.linear.scatter [tilespmem:s15], [sflag:$0x5], $0x4000, $0x38;
	[tilespmem:$0x10800] =	vst v63  }
0x1a0: {  	_ =	swait.ge [sflag:s5], $0x4000  }
0x1a1: {  	[sflag:s5] =	ssyncset.done $0x0  }
0x1a2: {  	s2 =	rddreg [dreg:$0x5];
	[sflag:s5] =	ssyncadd.s32 $0xFFFFC000  }
0x1a3: {  	[hbm4b:s2+s1] =	stream.linear.scatter [tilespmem:s12], [sflag:$0x5], $0x4000, $0x38;
	[tilespmem:$0x10800] =	vst v63  }
0x1a4: {  	_ =	swait.ge [sflag:s5], $0x4000  }
0x1a5: {  	[sflag:s5] =	ssyncset.done $0x0  }
0x1a6: {  	s2 =	rddreg [dreg:$0x6];
	[sflag:s5] =	ssyncadd.s32 $0xFFFFC000  }
0x1a7: {  	[tilespmem:s1], [sflag:$0x5] =	stream.linear.gather [hbm4b:s2+s1], $0x400, $0x38;
	[tilespmem:$0x10800] =	vst v63  }
0x1a8: {  	_ =	swait.ge [sflag:s5], $0x400  }
0x1a9: {  	[sflag:s5] =	ssyncset.done $0x0  }
0x1aa: {  	[sflag:s5] =	ssyncadd.s32 $0xFFFFFC00  }
0x1ab: {  	[tilespmem:s15], [sflag:$0x1] =	stream.indirect.gather [hbm4b:s3+s19], $0x10, s1, s19, $0xb8;
	[tilespmem:$0x10800] =	vst v63  }
0x1ac: {  	_ = 	snop  }
0x1ad: {  	[tilespmem:s12], [sflag:$0x3] =	stream.indirect.gather [hbm4b:s4+s19], $0x10, s1, s19, $0xb8;
	[tilespmem:$0x10800] =	vst v63  }
0x1ae: {  	_ =	swait.ge [sflag:s14], $0x4000  }
0x1af: {  	[sflag:s14] =	ssyncset.done $0x0  }
0x1b0: {  	[sflag:s14] =	ssyncadd.s32 $0xFFFFC000  }
0x1b1: {  	_ =	swait.ge [sflag:s13], $0x4000  }
0x1b2: {  	[sflag:s13] =	ssyncset.done $0x0  }
0x1b3: {  	s2 =	rddreg [dreg:$0x7];
	[sflag:s13] =	ssyncadd.s32 $0xFFFFC000  }
0x1b4: {  	[hbm4b:s2+s1] =	stream.linear.scatter [tilespmem:s10], [sflag:$0x5], $0x4000, $0x38;
	[tilespmem:$0x10800] =	vst v63  }
0x1b5: {  	_ =	swait.ge [sflag:s5], $0x4000  }
0x1b6: {  	[sflag:s5] =	ssyncset.done $0x0  }
0x1b7: {  	s2 =	rddreg [dreg:$0x8];
	[sflag:s5] =	ssyncadd.s32 $0xFFFFC000  }
0x1b8: {  	[hbm4b:s2+s1] =	stream.linear.scatter [tilespmem:s8], [sflag:$0x5], $0x4000, $0x38;
	[tilespmem:$0x10800] =	vst v63  }
0x1b9: {  	_ =	swait.ge [sflag:s5], $0x4000  }
0x1ba: {  	[sflag:s5] =	ssyncset.done $0x0  }
0x1bb: {  	s2 =	rddreg [dreg:$0x9];
	[sflag:s5] =	ssyncadd.s32 $0xFFFFC000  }
0x1bc: {  	[tilespmem:s19], [sflag:$0x5] =	stream.linear.gather [hbm4b:s2+s1], $0x400, $0x38;
	[tilespmem:$0x10800] =	vst v63  }
0x1bd: {  	_ =	swait.ge [sflag:s5], $0x400  }
0x1be: {  	[sflag:s5] =	ssyncset.done $0x0  }
0x1bf: {  	[sflag:s5] =	ssyncadd.s32 $0xFFFFFC00  }
0x1c0: {  	[tilespmem:s10], [sflag:$0x2] =	stream.indirect.gather [hbm4b:s3+s19], $0x10, s19, s19, $0xb8;
	[tilespmem:$0x10800] =	vst v63  }
0x1c1: {  	_ = 	snop  }
0x1c2: {  	[tilespmem:s8], [sflag:$0x4] =	stream.indirect.gather [hbm4b:s4+s19], $0x10, s19, s19, $0xb8;
	[tilespmem:$0x10800] =	vst v63  }
0x1c3: {  	_ =	swait.ge [sflag:s21], $0x4000  }
0x1c4: {  	[sflag:s21] =	ssyncset.done $0x0  }
0x1c5: {  	[sflag:s21] =	ssyncadd.s32 $0xFFFFC000  }
0x1c6: {  	_ =	swait.ge [sflag:s20], $0x4000  }
0x1c7: {  	[sflag:s20] =	ssyncset.done $0x0  }
0x1c8: {  	s2 =	rddreg [dreg:$0xa];
	[sflag:s20] =	ssyncadd.s32 $0xFFFFC000  }
0x1c9: {  	[hbm4b:s2+s1] =	stream.linear.scatter [tilespmem:s15], [sflag:$0x5], $0x4000, $0x38;
	[tilespmem:$0x10800] =	vst v63  }
0x1ca: {  	_ =	swait.ge [sflag:s5], $0x4000  }
0x1cb: {  	[sflag:s5] =	ssyncset.done $0x0  }
0x1cc: {  	s2 =	rddreg [dreg:$0xb];
	[sflag:s5] =	ssyncadd.s32 $0xFFFFC000  }
0x1cd: {  	[hbm4b:s2+s1] =	stream.linear.scatter [tilespmem:s12], [sflag:$0x5], $0x4000, $0x38;
	[tilespmem:$0x10800] =	vst v63  }
0x1ce: {  	_ =	swait.ge [sflag:s5], $0x4000  }
0x1cf: {  	[sflag:s5] =	ssyncset.done $0x0  }
0x1d0: {  	s2 =	rddreg [dreg:$0xc];
	[sflag:s5] =	ssyncadd.s32 $0xFFFFC000  }
0x1d1: {  	[tilespmem:s1], [sflag:$0x5] =	stream.linear.gather [hbm4b:s2+s1], $0x400, $0x38;
	[tilespmem:$0x10800] =	vst v63  }
0x1d2: {  	_ =	swait.ge [sflag:s5], $0x400  }
0x1d3: {  	[sflag:s5] =	ssyncset.done $0x0  }
0x1d4: {  	[sflag:s5] =	ssyncadd.s32 $0xFFFFFC00  }
0x1d5: {  	[tilespmem:s15], [sflag:$0x1] =	stream.indirect.gather [hbm4b:s3+s19], $0x10, s1, s19, $0xb8;
	[tilespmem:$0x10800] =	vst v63  }
0x1d6: {  	_ = 	snop  }
0x1d7: {  	[tilespmem:s12], [sflag:$0x3] =	stream.indirect.gather [hbm4b:s4+s19], $0x10, s1, s19, $0xb8;
	[tilespmem:$0x10800] =	vst v63  }
0x1d8: {  	_ =	swait.ge [sflag:s14], $0x4000  }
0x1d9: {  	[sflag:s14] =	ssyncset.done $0x0  }
0x1da: {  	[sflag:s14] =	ssyncadd.s32 $0xFFFFC000  }
0x1db: {  	_ =	swait.ge [sflag:s13], $0x4000  }
0x1dc: {  	[sflag:s13] =	ssyncset.done $0x0  }
0x1dd: {  	s2 =	rddreg [dreg:$0xd];
	[sflag:s13] =	ssyncadd.s32 $0xFFFFC000  }
0x1de: {  	[hbm4b:s2+s1] =	stream.linear.scatter [tilespmem:s10], [sflag:$0x5], $0x4000, $0x38;
	[tilespmem:$0x10800] =	vst v63  }
0x1df: {  	_ =	swait.ge [sflag:s5], $0x4000  }
0x1e0: {  	[sflag:s5] =	ssyncset.done $0x0  }
0x1e1: {  	s2 =	rddreg [dreg:$0xe];
	[sflag:s5] =	ssyncadd.s32 $0xFFFFC000  }
0x1e2: {  	[hbm4b:s2+s1] =	stream.linear.scatter [tilespmem:s8], [sflag:$0x5], $0x4000, $0x38;
	[tilespmem:$0x10800] =	vst v63  }
0x1e3: {  	_ =	swait.ge [sflag:s5], $0x4000  }
0x1e4: {  	[sflag:s5] =	ssyncset.done $0x0  }
0x1e5: {  	s2 =	rddreg [dreg:$0xf];
	[sflag:s5] =	ssyncadd.s32 $0xFFFFC000  }
0x1e6: {  	[tilespmem:s19], [sflag:$0x5] =	stream.linear.gather [hbm4b:s2+s1], $0x400, $0x38;
	[tilespmem:$0x10800] =	vst v63  }
0x1e7: {  	_ =	swait.ge [sflag:s5], $0x400  }
0x1e8: {  	[sflag:s5] =	ssyncset.done $0x0  }
0x1e9: {  	[sflag:s5] =	ssyncadd.s32 $0xFFFFFC00  }
0x1ea: {  	[tilespmem:s10], [sflag:$0x2] =	stream.indirect.gather [hbm4b:s3+s19], $0x10, s19, s19, $0xb8;
	[tilespmem:$0x10800] =	vst v63  }
0x1eb: {  	_ = 	snop  }
0x1ec: {  	[tilespmem:s8], [sflag:$0x4] =	stream.indirect.gather [hbm4b:s4+s19], $0x10, s19, s19, $0xb8;
	[tilespmem:$0x10800] =	vst v63  }
0x1ed: {  	_ =	swait.ge [sflag:s21], $0x4000  }
0x1ee: {  	[sflag:s21] =	ssyncset.done $0x0  }
0x1ef: {  	[sflag:s21] =	ssyncadd.s32 $0xFFFFC000  }
0x1f0: {  	_ =	swait.ge [sflag:s20], $0x4000  }
0x1f1: {  	[sflag:s20] =	ssyncset.done $0x0  }
0x1f2: {  	s2 =	rddreg [dreg:$0x10];
	[sflag:s20] =	ssyncadd.s32 $0xFFFFC000  }
0x1f3: {  	[hbm4b:s2+s1] =	stream.linear.scatter [tilespmem:s15], [sflag:$0x5], $0x4000, $0x38;
	[tilespmem:$0x10800] =	vst v63  }
0x1f4: {  	_ =	swait.ge [sflag:s5], $0x4000  }
0x1f5: {  	[sflag:s5] =	ssyncset.done $0x0  }
0x1f6: {  	s2 =	rddreg [dreg:$0x11];
	[sflag:s5] =	ssyncadd.s32 $0xFFFFC000  }
0x1f7: {  	[hbm4b:s2+s1] =	stream.linear.scatter [tilespmem:s12], [sflag:$0x5], $0x4000, $0x38;
	[tilespmem:$0x10800] =	vst v63  }
0x1f8: {  	_ =	swait.ge [sflag:s5], $0x4000  }
0x1f9: {  	[sflag:s5] =	ssyncset.done $0x0  }
0x1fa: {  	s2 =	rddreg [dreg:$0x12];
	[sflag:s5] =	ssyncadd.s32 $0xFFFFC000  }
0x1fb: {  	[tilespmem:s1], [sflag:$0x5] =	stream.linear.gather [hbm4b:s2+s1], $0x400, $0x38;
	[tilespmem:$0x10800] =	vst v63  }
0x1fc: {  	_ =	swait.ge [sflag:s5], $0x400  }
0x1fd: {  	[sflag:s5] =	ssyncset.done $0x0  }
0x1fe: {  	[sflag:s5] =	ssyncadd.s32 $0xFFFFFC00  }
0x1ff: {  	[tilespmem:s15], [sflag:$0x1] =	stream.indirect.gather [hbm4b:s3+s19], $0x10, s1, s19, $0xb8;
	[tilespmem:$0x10800] =	vst v63  }
0x200: {  	_ = 	snop  }
0x201: {  	[tilespmem:s12], [sflag:$0x3] =	stream.indirect.gather [hbm4b:s4+s19], $0x10, s1, s19, $0xb8;
	[tilespmem:$0x10800] =	vst v63  }
0x202: {  	_ =	swait.ge [sflag:s14], $0x4000  }
0x203: {  	[sflag:s14] =	ssyncset.done $0x0  }
0x204: {  	[sflag:s14] =	ssyncadd.s32 $0xFFFFC000  }
0x205: {  	_ =	swait.ge [sflag:s13], $0x4000  }
0x206: {  	[sflag:s13] =	ssyncset.done $0x0  }
0x207: {  	s2 =	rddreg [dreg:$0x13];
	[sflag:s13] =	ssyncadd.s32 $0xFFFFC000  }
0x208: {  	[hbm4b:s2+s1] =	stream.linear.scatter [tilespmem:s10], [sflag:$0x5], $0x4000, $0x38;
	[tilespmem:$0x10800] =	vst v63  }
0x209: {  	_ =	swait.ge [sflag:s5], $0x4000  }
0x20a: {  	[sflag:s5] =	ssyncset.done $0x0  }
0x20b: {  	s2 =	rddreg [dreg:$0x14];
	[sflag:s5] =	ssyncadd.s32 $0xFFFFC000  }
0x20c: {  	[hbm4b:s2+s1] =	stream.linear.scatter [tilespmem:s8], [sflag:$0x5], $0x4000, $0x38;
	[tilespmem:$0x10800] =	vst v63  }
0x20d: {  	_ =	swait.ge [sflag:s5], $0x4000  }
0x20e: {  	[sflag:s5] =	ssyncset.done $0x0  }
0x20f: {  	s2 =	rddreg [dreg:$0x15];
	[sflag:s5] =	ssyncadd.s32 $0xFFFFC000  }
0x210: {  	[tilespmem:s19], [sflag:$0x5] =	stream.linear.gather [hbm4b:s2+s1], $0x400, $0x38;
	[tilespmem:$0x10800] =	vst v63  }
0x211: {  	_ =	swait.ge [sflag:s5], $0x400  }
0x212: {  	[sflag:s5] =	ssyncset.done $0x0  }
0x213: {  	[sflag:s5] =	ssyncadd.s32 $0xFFFFFC00  }
0x214: {  	[tilespmem:s10], [sflag:$0x2] =	stream.indirect.gather [hbm4b:s3+s19], $0x10, s19, s19, $0xb8;
	[tilespmem:$0x10800] =	vst v63  }
0x215: {  	_ = 	snop  }
0x216: {  	[tilespmem:s8], [sflag:$0x4] =	stream.indirect.gather [hbm4b:s4+s19], $0x10, s19, s19, $0xb8;
	[tilespmem:$0x10800] =	vst v63  }
0x217: {  	_ =	swait.ge [sflag:s21], $0x4000  }
0x218: {  	[sflag:s21] =	ssyncset.done $0x0  }
0x219: {  	[sflag:s21] =	ssyncadd.s32 $0xFFFFC000  }
0x21a: {  	_ =	swait.ge [sflag:s20], $0x4000  }
0x21b: {  	[sflag:s20] =	ssyncset.done $0x0  }
0x21c: {  	s2 =	rddreg [dreg:$0x16];
	[sflag:s20] =	ssyncadd.s32 $0xFFFFC000  }
0x21d: {  	[hbm4b:s2+s1] =	stream.linear.scatter [tilespmem:s15], [sflag:$0x5], $0x4000, $0x38;
	[tilespmem:$0x10800] =	vst v63  }
0x21e: {  	_ =	swait.ge [sflag:s5], $0x4000  }
0x21f: {  	[sflag:s5] =	ssyncset.done $0x0  }
0x220: {  	s2 =	rddreg [dreg:$0x17];
	[sflag:s5] =	ssyncadd.s32 $0xFFFFC000  }
0x221: {  	[hbm4b:s2+s1] =	stream.linear.scatter [tilespmem:s12], [sflag:$0x5], $0x4000, $0x38;
	[tilespmem:$0x10800] =	vst v63  }
0x222: {  	_ =	swait.ge [sflag:s5], $0x4000  }
0x223: {  	[sflag:s5] =	ssyncset.done $0x0  }
0x224: {  	s2 =	rddreg [dreg:$0x18];
	[sflag:s5] =	ssyncadd.s32 $0xFFFFC000  }
0x225: {  	[tilespmem:s1], [sflag:$0x5] =	stream.linear.gather [hbm4b:s2+s1], $0x400, $0x38;
	[tilespmem:$0x10800] =	vst v63  }
0x226: {  	_ =	swait.ge [sflag:s5], $0x400  }
0x227: {  	[sflag:s5] =	ssyncset.done $0x0  }
0x228: {  	[sflag:s5] =	ssyncadd.s32 $0xFFFFFC00  }
0x229: {  	[tilespmem:s15], [sflag:$0x1] =	stream.indirect.gather [hbm4b:s3+s19], $0x10, s1, s19, $0xb8;
	[tilespmem:$0x10800] =	vst v63  }
0x22a: {  	_ = 	snop  }
0x22b: {  	[tilespmem:s12], [sflag:$0x3] =	stream.indirect.gather [hbm4b:s4+s19], $0x10, s1, s19, $0xb8;
	[tilespmem:$0x10800] =	vst v63  }
0x22c: {  	_ =	swait.ge [sflag:s14], $0x4000  }
0x22d: {  	[sflag:s14] =	ssyncset.done $0x0  }
0x22e: {  	[sflag:s14] =	ssyncadd.s32 $0xFFFFC000  }
0x22f: {  	_ =	swait.ge [sflag:s13], $0x4000  }
0x230: {  	[sflag:s13] =	ssyncset.done $0x0  }
0x231: {  	s2 =	rddreg [dreg:$0x19];
	[sflag:s13] =	ssyncadd.s32 $0xFFFFC000  }
0x232: {  	[hbm4b:s2+s1] =	stream.linear.scatter [tilespmem:s10], [sflag:$0x5], $0x4000, $0x38;
	[tilespmem:$0x10800] =	vst v63  }
0x233: {  	_ =	swait.ge [sflag:s5], $0x4000  }
0x234: {  	[sflag:s5] =	ssyncset.done $0x0  }
0x235: {  	s2 =	rddreg [dreg:$0x1a];
	[sflag:s5] =	ssyncadd.s32 $0xFFFFC000  }
0x236: {  	[hbm4b:s2+s1] =	stream.linear.scatter [tilespmem:s8], [sflag:$0x5], $0x4000, $0x38;
	[tilespmem:$0x10800] =	vst v63  }
0x237: {  	_ =	swait.ge [sflag:s5], $0x4000  }
0x238: {  	[sflag:s5] =	ssyncset.done $0x0  }
0x239: {  	s2 =	rddreg [dreg:$0x1b];
	[sflag:s5] =	ssyncadd.s32 $0xFFFFC000  }
0x23a: {  	[tilespmem:s19], [sflag:$0x5] =	stream.linear.gather [hbm4b:s2+s1], $0x400, $0x38;
	[tilespmem:$0x10800] =	vst v63  }
0x23b: {  	_ =	swait.ge [sflag:s5], $0x400  }
0x23c: {  	[sflag:s5] =	ssyncset.done $0x0  }
0x23d: {  	[sflag:s5] =	ssyncadd.s32 $0xFFFFFC00  }
0x23e: {  	[tilespmem:s10], [sflag:$0x2] =	stream.indirect.gather [hbm4b:s3+s19], $0x10, s19, s19, $0xb8;
	[tilespmem:$0x10800] =	vst v63  }
0x23f: {  	_ = 	snop  }
0x240: {  	[tilespmem:s8], [sflag:$0x4] =	stream.indirect.gather [hbm4b:s4+s19], $0x10, s19, s19, $0xb8;
	[tilespmem:$0x10800] =	vst v63  }
0x241: {  	_ =	swait.ge [sflag:s21], $0x4000  }
0x242: {  	[sflag:s21] =	ssyncset.done $0x0  }
0x243: {  	[sflag:s21] =	ssyncadd.s32 $0xFFFFC000  }
0x244: {  	_ =	swait.ge [sflag:s20], $0x4000  }
0x245: {  	[sflag:s20] =	ssyncset.done $0x0  }
0x246: {  	s2 =	rddreg [dreg:$0x1c];
	[sflag:s20] =	ssyncadd.s32 $0xFFFFC000  }
0x247: {  	[hbm4b:s2+s1] =	stream.linear.scatter [tilespmem:s15], [sflag:$0x5], $0x4000, $0x38;
	[tilespmem:$0x10800] =	vst v63  }
0x248: {  	_ =	swait.ge [sflag:s5], $0x4000  }
0x249: {  	[sflag:s5] =	ssyncset.done $0x0  }
0x24a: {  	s2 =	rddreg [dreg:$0x1d];
	[sflag:s5] =	ssyncadd.s32 $0xFFFFC000  }
0x24b: {  	[hbm4b:s2+s1] =	stream.linear.scatter [tilespmem:s12], [sflag:$0x5], $0x4000, $0x38;
	[tilespmem:$0x10800] =	vst v63  }
0x24c: {  	_ =	swait.ge [sflag:s5], $0x4000  }
0x24d: {  	[sflag:s5] =	ssyncset.done $0x0  }
0x24e: {  	s2 =	rddreg [dreg:$0x1e];
	[sflag:s5] =	ssyncadd.s32 $0xFFFFC000  }
0x24f: {  	[tilespmem:s1], [sflag:$0x5] =	stream.linear.gather [hbm4b:s2+s1], $0x400, $0x38;
	[tilespmem:$0x10800] =	vst v63  }
0x250: {  	_ =	swait.ge [sflag:s5], $0x400  }
0x251: {  	[sflag:s5] =	ssyncset.done $0x0  }
0x252: {  	[sflag:s5] =	ssyncadd.s32 $0xFFFFFC00  }
0x253: {  	[tilespmem:s15], [sflag:$0x1] =	stream.indirect.gather [hbm4b:s3+s19], $0x10, s1, s19, $0xb8;
	[tilespmem:$0x10800] =	vst v63  }
0x254: {  	_ = 	snop  }
0x255: {  	[tilespmem:s12], [sflag:$0x3] =	stream.indirect.gather [hbm4b:s4+s19], $0x10, s1, s19, $0xb8;
	[tilespmem:$0x10800] =	vst v63  }
0x256: {  	_ =	swait.ge [sflag:s14], $0x4000  }
0x257: {  	[sflag:s14] =	ssyncset.done $0x0  }
0x258: {  	[sflag:s14] =	ssyncadd.s32 $0xFFFFC000  }
0x259: {  	_ =	swait.ge [sflag:s13], $0x4000  }
0x25a: {  	[sflag:s13] =	ssyncset.done $0x0  }
0x25b: {  	s2 =	rddreg [dreg:$0x1f];
	[sflag:s13] =	ssyncadd.s32 $0xFFFFC000  }
0x25c: {  	[hbm4b:s2+s1] =	stream.linear.scatter [tilespmem:s10], [sflag:$0x5], $0x4000, $0x38;
	[tilespmem:$0x10800] =	vst v63  }
0x25d: {  	_ =	swait.ge [sflag:s5], $0x4000  }
0x25e: {  	s2 =	sld [smem:$0x7FC]  }
0x25f: {  	[sflag:s5] =	ssyncset.done $0x0  }
0x260: {  	[sflag:s5] =	ssyncadd.s32 $0xFFFFC000  }
0x261: {  	[hbm4b:s2+s1] =	stream.linear.scatter [tilespmem:s8], [sflag:$0x5], $0x4000, $0x38;
	[tilespmem:$0x10800] =	vst v63  }
0x262: {  	_ =	swait.ge [sflag:s5], $0x4000  }
0x263: {  	s2 =	sld [smem:$0x7FD]  }
0x264: {  	[sflag:s5] =	ssyncset.done $0x0  }
0x265: {  	[sflag:s5] =	ssyncadd.s32 $0xFFFFC000  }
0x266: {  	[tilespmem:s19], [sflag:$0x5] =	stream.linear.gather [hbm4b:s2+s1], $0x400, $0x38;
	[tilespmem:$0x10800] =	vst v63  }
0x267: {  	_ =	swait.ge [sflag:s5], $0x400  }
0x268: {  	[sflag:s5] =	ssyncset.done $0x0  }
0x269: {  	[sflag:s5] =	ssyncadd.s32 $0xFFFFFC00  }
0x26a: {  	[tilespmem:s10], [sflag:$0x2] =	stream.indirect.gather [hbm4b:s3+s19], $0x10, s19, s19, $0xb8;
	[tilespmem:$0x10800] =	vst v63  }
0x26b: {  	_ = 	snop  }
0x26c: {  	[tilespmem:s8], [sflag:$0x4] =	stream.indirect.gather [hbm4b:s4+s19], $0x10, s19, s19, $0xb8;
	[tilespmem:$0x10800] =	vst v63  }
0x26d: {  	_ =	swait.ge [sflag:s21], $0x4000  }
0x26e: {  	[sflag:s21] =	ssyncset.done $0x0  }
0x26f: {  	[sflag:s21] =	ssyncadd.s32 $0xFFFFC000  }
0x270: {  	_ =	swait.ge [sflag:s20], $0x4000  }
0x271: {  	[sflag:s20] =	ssyncset.done $0x0  }
0x272: {  	[sflag:s20] =	ssyncadd.s32 $0xFFFFC000  }
0x273: {  	[hbm4b:s31+s1] =	stream.linear.scatter [tilespmem:s15], [sflag:$0x5], $0x4000, $0x38;
	[tilespmem:$0x10800] =	vst v63  }
0x274: {  	_ =	swait.ge [sflag:s5], $0x4000  }
0x275: {  	[sflag:s5] =	ssyncset.done $0x0  }
0x276: {  	[sflag:s5] =	ssyncadd.s32 $0xFFFFC000  }
0x277: {  	[hbm4b:s30+s1] =	stream.linear.scatter [tilespmem:s12], [sflag:$0x5], $0x4000, $0x38;
	[tilespmem:$0x10800] =	vst v63  }
0x278: {  	_ =	swait.ge [sflag:s5], $0x4000  }
0x279: {  	[sflag:s5] =	ssyncset.done $0x0  }
0x27a: {  	[sflag:s5] =	ssyncadd.s32 $0xFFFFC000  }
0x27b: {  	[tilespmem:s1], [sflag:$0x5] =	stream.linear.gather [hbm4b:s29+s1], $0x400, $0x38;
	[tilespmem:$0x10800] =	vst v63  }
0x27c: {  	_ =	swait.ge [sflag:s5], $0x400  }
0x27d: {  	[sflag:s5] =	ssyncset.done $0x0  }
0x27e: {  	[sflag:s5] =	ssyncadd.s32 $0xFFFFFC00  }
0x27f: {  	[tilespmem:s15], [sflag:$0x1] =	stream.indirect.gather [hbm4b:s3+s19], $0x10, s1, s19, $0xb8;
	[tilespmem:$0x10800] =	vst v63  }
0x280: {  	_ = 	snop  }
0x281: {  	[tilespmem:s12], [sflag:$0x3] =	stream.indirect.gather [hbm4b:s4+s19], $0x10, s1, s19, $0xb8;
	[tilespmem:$0x10800] =	vst v63  }
0x282: {  	_ =	swait.ge [sflag:s14], $0x4000  }
0x283: {  	[sflag:s14] =	ssyncset.done $0x0  }
0x284: {  	[sflag:s14] =	ssyncadd.s32 $0xFFFFC000  }
0x285: {  	_ =	swait.ge [sflag:s13], $0x4000  }
0x286: {  	[sflag:s13] =	ssyncset.done $0x0  }
0x287: {  	[sflag:s13] =	ssyncadd.s32 $0xFFFFC000  }
0x288: {  	[hbm4b:s28+s1] =	stream.linear.scatter [tilespmem:s10], [sflag:$0x5], $0x4000, $0x38;
	[tilespmem:$0x10800] =	vst v63  }
0x289: {  	_ =	swait.ge [sflag:s5], $0x4000  }
0x28a: {  	[sflag:s5] =	ssyncset.done $0x0  }
0x28b: {  	[sflag:s5] =	ssyncadd.s32 $0xFFFFC000  }
0x28c: {  	[hbm4b:s26+s1] =	stream.linear.scatter [tilespmem:s8], [sflag:$0x5], $0x4000, $0x38;
	[tilespmem:$0x10800] =	vst v63  }
0x28d: {  	_ =	swait.ge [sflag:s5], $0x4000  }
0x28e: {  	[sflag:s5] =	ssyncset.done $0x0  }
0x28f: {  	[sflag:s5] =	ssyncadd.s32 $0xFFFFC000  }
0x290: {  	[tilespmem:s19], [sflag:$0x5] =	stream.linear.gather [hbm4b:s25+s1], $0x400, $0x38;
	[tilespmem:$0x10800] =	vst v63  }
0x291: {  	_ =	swait.ge [sflag:s5], $0x400  }
0x292: {  	[sflag:s5] =	ssyncset.done $0x0  }
0x293: {  	[sflag:s5] =	ssyncadd.s32 $0xFFFFFC00  }
0x294: {  	[tilespmem:s10], [sflag:$0x2] =	stream.indirect.gather [hbm4b:s3+s19], $0x10, s19, s19, $0xb8;
	[tilespmem:$0x10800] =	vst v63  }
0x295: {  	_ = 	snop  }
0x296: {  	[tilespmem:s8], [sflag:$0x4] =	stream.indirect.gather [hbm4b:s4+s19], $0x10, s19, s19, $0xb8;
	[tilespmem:$0x10800] =	vst v63  }
0x297: {  	_ =	swait.ge [sflag:s21], $0x4000  }
0x298: {  	[sflag:s21] =	ssyncset.done $0x0  }
0x299: {  	[sflag:s21] =	ssyncadd.s32 $0xFFFFC000  }
0x29a: {  	_ =	swait.ge [sflag:s20], $0x4000  }
0x29b: {  	[sflag:s20] =	ssyncset.done $0x0  }
0x29c: {  	[sflag:s20] =	ssyncadd.s32 $0xFFFFC000  }
0x29d: {  	[hbm4b:s24+s1] =	stream.linear.scatter [tilespmem:s15], [sflag:$0x5], $0x4000, $0x38;
	[tilespmem:$0x10800] =	vst v63  }
0x29e: {  	_ =	swait.ge [sflag:s5], $0x4000  }
0x29f: {  	[sflag:s5] =	ssyncset.done $0x0  }
0x2a0: {  	[sflag:s5] =	ssyncadd.s32 $0xFFFFC000  }
0x2a1: {  	[hbm4b:s23+s1] =	stream.linear.scatter [tilespmem:s12], [sflag:$0x5], $0x4000, $0x38;
	[tilespmem:$0x10800] =	vst v63  }
0x2a2: {  	_ =	swait.ge [sflag:s5], $0x4000  }
0x2a3: {  	[sflag:s5] =	ssyncset.done $0x0  }
0x2a4: {  	[sflag:s5] =	ssyncadd.s32 $0xFFFFC000  }
0x2a5: {  	[tilespmem:s1], [sflag:$0x5] =	stream.linear.gather [hbm4b:s22+s1], $0x400, $0x38;
	[tilespmem:$0x10800] =	vst v63  }
0x2a6: {  	_ =	swait.ge [sflag:s5], $0x400  }
0x2a7: {  	[sflag:s5] =	ssyncset.done $0x0  }
0x2a8: {  	[sflag:s5] =	ssyncadd.s32 $0xFFFFFC00  }
0x2a9: {  	[tilespmem:s15], [sflag:$0x1] =	stream.indirect.gather [hbm4b:s3+s19], $0x10, s1, s19, $0xb8;
	[tilespmem:$0x10800] =	vst v63  }
0x2aa: {  	_ = 	snop  }
0x2ab: {  	[tilespmem:s12], [sflag:$0x3] =	stream.indirect.gather [hbm4b:s4+s19], $0x10, s1, s19, $0xb8;
	[tilespmem:$0x10800] =	vst v63  }
0x2ac: {  	_ =	swait.ge [sflag:s14], $0x4000  }
0x2ad: {  	[sflag:s14] =	ssyncset.done $0x0  }
0x2ae: {  	[sflag:s14] =	ssyncadd.s32 $0xFFFFC000  }
0x2af: {  	_ =	swait.ge [sflag:s13], $0x4000  }
0x2b0: {  	[sflag:s13] =	ssyncset.done $0x0  }
0x2b1: {  	[sflag:s13] =	ssyncadd.s32 $0xFFFFC000  }
0x2b2: {  	[hbm4b:s18+s1] =	stream.linear.scatter [tilespmem:s10], [sflag:$0x5], $0x4000, $0x38;
	[tilespmem:$0x10800] =	vst v63  }
0x2b3: {  	_ =	swait.ge [sflag:s5], $0x4000  }
0x2b4: {  	[sflag:s5] =	ssyncset.done $0x0  }
0x2b5: {  	[sflag:s5] =	ssyncadd.s32 $0xFFFFC000  }
0x2b6: {  	[hbm4b:s17+s1] =	stream.linear.scatter [tilespmem:s8], [sflag:$0x5], $0x4000, $0x38;
	[tilespmem:$0x10800] =	vst v63  }
0x2b7: {  	_ =	swait.ge [sflag:s5], $0x4000  }
0x2b8: {  	[sflag:s5] =	ssyncset.done $0x0  }
0x2b9: {  	[sflag:s5] =	ssyncadd.s32 $0xFFFFC000  }
0x2ba: {  	[tilespmem:s19], [sflag:$0x5] =	stream.linear.gather [hbm4b:s16+s1], $0x400, $0x38;
	[tilespmem:$0x10800] =	vst v63  }
0x2bb: {  	_ =	swait.ge [sflag:s5], $0x400  }
0x2bc: {  	[sflag:s5] =	ssyncset.done $0x0  }
0x2bd: {  	[sflag:s5] =	ssyncadd.s32 $0xFFFFFC00  }
0x2be: {  	[tilespmem:s10], [sflag:$0x2] =	stream.indirect.gather [hbm4b:s3+s19], $0x10, s19, s19, $0xb8;
	[tilespmem:$0x10800] =	vst v63  }
0x2bf: {  	_ = 	snop  }
0x2c0: {  	[tilespmem:s8], [sflag:$0x4] =	stream.indirect.gather [hbm4b:s4+s19], $0x10, s19, s19, $0xb8;
	[tilespmem:$0x10800] =	vst v63  }
0x2c1: {  	_ =	swait.ge [sflag:s21], $0x4000  }
0x2c2: {  	[sflag:s21] =	ssyncset.done $0x0  }
0x2c3: {  	[sflag:s21] =	ssyncadd.s32 $0xFFFFC000  }
0x2c4: {  	_ =	swait.ge [sflag:s20], $0x4000  }
0x2c5: {  	[sflag:s20] =	ssyncset.done $0x0  }
0x2c6: {  	[sflag:s20] =	ssyncadd.s32 $0xFFFFC000  }
0x2c7: {  	[hbm4b:s11+s1] =	stream.linear.scatter [tilespmem:s15], [sflag:$0x5], $0x4000, $0x38;
	[tilespmem:$0x10800] =	vst v63  }
0x2c8: {  	_ =	swait.ge [sflag:s5], $0x4000  }
0x2c9: {  	[sflag:s5] =	ssyncset.done $0x0  }
0x2ca: {  	[sflag:s5] =	ssyncadd.s32 $0xFFFFC000  }
0x2cb: {  	[hbm4b:s9+s1] =	stream.linear.scatter [tilespmem:s12], [sflag:$0x5], $0x4000, $0x38;
	[tilespmem:$0x10800] =	vst v63  }
0x2cc: {  	_ =	swait.ge [sflag:s5], $0x4000  }
0x2cd: {  	[sflag:s5] =	ssyncset.done $0x0  }
0x2ce: {  	[sflag:s5] =	ssyncadd.s32 $0xFFFFC000  }
0x2cf: {  	_ =	swait.ge [sflag:s14], $0x4000  }
0x2d0: {  	[sflag:s14] =	ssyncset.done $0x0  }
0x2d1: {  	[sflag:s14] =	ssyncadd.s32 $0xFFFFC000  }
0x2d2: {  	_ =	swait.ge [sflag:s13], $0x4000  }
0x2d3: {  	[sflag:s13] =	ssyncset.done $0x0  }
0x2d4: {  	[sflag:s13] =	ssyncadd.s32 $0xFFFFC000  }
0x2d5: {  	[hbm4b:s7+s1] =	stream.linear.scatter [tilespmem:s10], [sflag:$0x5], $0x4000, $0x38;
	[tilespmem:$0x10800] =	vst v63  }
0x2d6: {  	p1 =	sne.s32 s0, $0x1;
	_ =	swait.ge [sflag:s5], $0x4000  }
.Ltmp2:
0x2d7: {  	[sflag:s5] =	ssyncset.done $0x0;
	(pc) =	sbr.rel @p1 .LBB2_2-.Ltmp2, $4  }
0x2d8: {  	[sflag:s5] =	ssyncadd.s32 $0xFFFFC000  }
0x2d9: {  	[hbm4b:s6+s1] =	stream.linear.scatter [tilespmem:s8], [sflag:$0x5], $0x4000, $0x38;
	[tilespmem:$0x10800] =	vst v63  }
0x2da: {  	_ =	swait.ge [sflag:s5], $0x4000  }
0x2db: {  	s0 =	sadd.s32 $0xFFFFFFFF, s0;
	s2 =	rddreg [dreg:$0x2];
	[sflag:s5] =	ssyncset.done $0x0  }
.LBB2_3:
0x2dc: {  	[sflag:s5] =	ssyncadd.s32 @p0 $0xFFFFC000  }
0x2dd: {  	[tilespmem:s1], [sflag:$0x5] =	stream.linear.gather [hbm4b:s2+s1], $0x400, $0x38;
	[tilespmem:$0x10800] =	vst v63  }
0x2de: {  	_ =	swait.ge [sflag:s5], $0x400  }
0x2df: {  	[sflag:s5] =	ssyncset.done $0x0  }
0x2e0: {  	[sflag:s5] =	ssyncadd.s32 $0xFFFFFC00  }
0x2e1: {  	[tilespmem:s15], [sflag:$0x1] =	stream.indirect.gather [hbm4b:s3+s19], $0x10, s1, s19, $0xb8;
	[tilespmem:$0x10800] =	vst v63  }
0x2e2: {  	_ = 	snop  }
0x2e3: {  	[tilespmem:s12], [sflag:$0x3] =	stream.indirect.gather [hbm4b:s4+s19], $0x10, s1, s19, $0xb8;
	[tilespmem:$0x10800] =	vst v63  }
0x2e4: {  	s0 =	rddreg [dreg:$0x3]  }
0x2e5: {  	[tilespmem:s19], [sflag:$0x5] =	stream.linear.gather [hbm4b:s0+s1], $0x400, $0x38;
	[tilespmem:$0x10800] =	vst v63  }
0x2e6: {  	_ =	swait.ge [sflag:s5], $0x400  }
0x2e7: {  	[sflag:s5] =	ssyncset.done $0x0  }
0x2e8: {  	[sflag:s5] =	ssyncadd.s32 $0xFFFFFC00  }
0x2e9: {  	[tilespmem:s10], [sflag:$0x2] =	stream.indirect.gather [hbm4b:s3+s19], $0x10, s19, s19, $0xb8;
	[tilespmem:$0x10800] =	vst v63  }
0x2ea: {  	_ = 	snop  }
0x2eb: {  	[tilespmem:s8], [sflag:$0x4] =	stream.indirect.gather [hbm4b:s4+s19], $0x10, s19, s19, $0xb8;
	[tilespmem:$0x10800] =	vst v63  }
0x2ec: {  	_ =	swait.ge [sflag:s21], $0x4000  }
0x2ed: {  	[sflag:s21] =	ssyncset.done $0x0  }
0x2ee: {  	[sflag:s21] =	ssyncadd.s32 $0xFFFFC000  }
0x2ef: {  	_ =	swait.ge [sflag:s20], $0x4000  }
0x2f0: {  	[sflag:s20] =	ssyncset.done $0x0  }
0x2f1: {  	s2 =	rddreg [dreg:$0x4];
	[sflag:s20] =	ssyncadd.s32 $0xFFFFC000  }
0x2f2: {  	[hbm4b:s2+s1] =	stream.linear.scatter [tilespmem:s15], [sflag:$0x5], $0x4000, $0x38;
	[tilespmem:$0x10800] =	vst v63  }
0x2f3: {  	_ =	swait.ge [sflag:s5], $0x4000  }
0x2f4: {  	[sflag:s5] =	ssyncset.done $0x0  }
0x2f5: {  	s2 =	rddreg [dreg:$0x5];
	[sflag:s5] =	ssyncadd.s32 $0xFFFFC000  }
0x2f6: {  	[hbm4b:s2+s1] =	stream.linear.scatter [tilespmem:s12], [sflag:$0x5], $0x4000, $0x38;
	[tilespmem:$0x10800] =	vst v63  }
0x2f7: {  	_ =	swait.ge [sflag:s5], $0x4000  }
0x2f8: {  	[sflag:s5] =	ssyncset.done $0x0  }
0x2f9: {  	s2 =	rddreg [dreg:$0x6];
	[sflag:s5] =	ssyncadd.s32 $0xFFFFC000  }
0x2fa: {  	[tilespmem:s1], [sflag:$0x5] =	stream.linear.gather [hbm4b:s2+s1], $0x400, $0x38;
	[tilespmem:$0x10800] =	vst v63  }
0x2fb: {  	_ =	swait.ge [sflag:s5], $0x400  }
0x2fc: {  	[sflag:s5] =	ssyncset.done $0x0  }
0x2fd: {  	[sflag:s5] =	ssyncadd.s32 $0xFFFFFC00  }
0x2fe: {  	[tilespmem:s15], [sflag:$0x1] =	stream.indirect.gather [hbm4b:s3+s19], $0x10, s1, s19, $0xb8;
	[tilespmem:$0x10800] =	vst v63  }
0x2ff: {  	_ = 	snop  }
0x300: {  	[tilespmem:s12], [sflag:$0x3] =	stream.indirect.gather [hbm4b:s4+s19], $0x10, s1, s19, $0xb8;
	[tilespmem:$0x10800] =	vst v63  }
0x301: {  	_ =	swait.ge [sflag:s14], $0x4000  }
0x302: {  	[sflag:s14] =	ssyncset.done $0x0  }
0x303: {  	[sflag:s14] =	ssyncadd.s32 $0xFFFFC000  }
0x304: {  	_ =	swait.ge [sflag:s13], $0x4000  }
0x305: {  	[sflag:s13] =	ssyncset.done $0x0  }
0x306: {  	s2 =	rddreg [dreg:$0x7];
	[sflag:s13] =	ssyncadd.s32 $0xFFFFC000  }
0x307: {  	[hbm4b:s2+s1] =	stream.linear.scatter [tilespmem:s10], [sflag:$0x5], $0x4000, $0x38;
	[tilespmem:$0x10800] =	vst v63  }
0x308: {  	_ =	swait.ge [sflag:s5], $0x4000  }
0x309: {  	[sflag:s5] =	ssyncset.done $0x0  }
0x30a: {  	s2 =	rddreg [dreg:$0x8];
	[sflag:s5] =	ssyncadd.s32 $0xFFFFC000  }
0x30b: {  	[hbm4b:s2+s1] =	stream.linear.scatter [tilespmem:s8], [sflag:$0x5], $0x4000, $0x38;
	[tilespmem:$0x10800] =	vst v63  }
0x30c: {  	_ =	swait.ge [sflag:s5], $0x4000  }
0x30d: {  	[sflag:s5] =	ssyncset.done $0x0  }
0x30e: {  	s2 =	rddreg [dreg:$0x9];
	[sflag:s5] =	ssyncadd.s32 $0xFFFFC000  }
0x30f: {  	[tilespmem:s19], [sflag:$0x5] =	stream.linear.gather [hbm4b:s2+s1], $0x400, $0x38;
	[tilespmem:$0x10800] =	vst v63  }
0x310: {  	_ =	swait.ge [sflag:s5], $0x400  }
0x311: {  	[sflag:s5] =	ssyncset.done $0x0  }
0x312: {  	[sflag:s5] =	ssyncadd.s32 $0xFFFFFC00  }
0x313: {  	[tilespmem:s10], [sflag:$0x2] =	stream.indirect.gather [hbm4b:s3+s19], $0x10, s19, s19, $0xb8;
	[tilespmem:$0x10800] =	vst v63  }
0x314: {  	_ = 	snop  }
0x315: {  	[tilespmem:s8], [sflag:$0x4] =	stream.indirect.gather [hbm4b:s4+s19], $0x10, s19, s19, $0xb8;
	[tilespmem:$0x10800] =	vst v63  }
0x316: {  	_ =	swait.ge [sflag:s21], $0x4000  }
0x317: {  	[sflag:s21] =	ssyncset.done $0x0  }
0x318: {  	[sflag:s21] =	ssyncadd.s32 $0xFFFFC000  }
0x319: {  	_ =	swait.ge [sflag:s20], $0x4000  }
0x31a: {  	[sflag:s20] =	ssyncset.done $0x0  }
0x31b: {  	s2 =	rddreg [dreg:$0xa];
	[sflag:s20] =	ssyncadd.s32 $0xFFFFC000  }
0x31c: {  	[hbm4b:s2+s1] =	stream.linear.scatter [tilespmem:s15], [sflag:$0x5], $0x4000, $0x38;
	[tilespmem:$0x10800] =	vst v63  }
0x31d: {  	_ =	swait.ge [sflag:s5], $0x4000  }
0x31e: {  	[sflag:s5] =	ssyncset.done $0x0  }
0x31f: {  	s2 =	rddreg [dreg:$0xb];
	[sflag:s5] =	ssyncadd.s32 $0xFFFFC000  }
0x320: {  	[hbm4b:s2+s1] =	stream.linear.scatter [tilespmem:s12], [sflag:$0x5], $0x4000, $0x38;
	[tilespmem:$0x10800] =	vst v63  }
0x321: {  	_ =	swait.ge [sflag:s5], $0x4000  }
0x322: {  	[sflag:s5] =	ssyncset.done $0x0  }
0x323: {  	s2 =	rddreg [dreg:$0xc];
	[sflag:s5] =	ssyncadd.s32 $0xFFFFC000  }
0x324: {  	[tilespmem:s1], [sflag:$0x5] =	stream.linear.gather [hbm4b:s2+s1], $0x400, $0x38;
	[tilespmem:$0x10800] =	vst v63  }
0x325: {  	_ =	swait.ge [sflag:s5], $0x400  }
0x326: {  	[sflag:s5] =	ssyncset.done $0x0  }
0x327: {  	[sflag:s5] =	ssyncadd.s32 $0xFFFFFC00  }
0x328: {  	[tilespmem:s15], [sflag:$0x1] =	stream.indirect.gather [hbm4b:s3+s19], $0x10, s1, s19, $0xb8;
	[tilespmem:$0x10800] =	vst v63  }
0x329: {  	_ = 	snop  }
0x32a: {  	[tilespmem:s12], [sflag:$0x3] =	stream.indirect.gather [hbm4b:s4+s19], $0x10, s1, s19, $0xb8;
	[tilespmem:$0x10800] =	vst v63  }
0x32b: {  	_ =	swait.ge [sflag:s14], $0x4000  }
0x32c: {  	[sflag:s14] =	ssyncset.done $0x0  }
0x32d: {  	[sflag:s14] =	ssyncadd.s32 $0xFFFFC000  }
0x32e: {  	_ =	swait.ge [sflag:s13], $0x4000  }
0x32f: {  	[sflag:s13] =	ssyncset.done $0x0  }
0x330: {  	s2 =	rddreg [dreg:$0xd];
	[sflag:s13] =	ssyncadd.s32 $0xFFFFC000  }
0x331: {  	[hbm4b:s2+s1] =	stream.linear.scatter [tilespmem:s10], [sflag:$0x5], $0x4000, $0x38;
	[tilespmem:$0x10800] =	vst v63  }
0x332: {  	_ =	swait.ge [sflag:s5], $0x4000  }
0x333: {  	[sflag:s5] =	ssyncset.done $0x0  }
0x334: {  	s2 =	rddreg [dreg:$0xe];
	[sflag:s5] =	ssyncadd.s32 $0xFFFFC000  }
0x335: {  	[hbm4b:s2+s1] =	stream.linear.scatter [tilespmem:s8], [sflag:$0x5], $0x4000, $0x38;
	[tilespmem:$0x10800] =	vst v63  }
0x336: {  	_ =	swait.ge [sflag:s5], $0x4000  }
0x337: {  	[sflag:s5] =	ssyncset.done $0x0  }
0x338: {  	s2 =	rddreg [dreg:$0xf];
	[sflag:s5] =	ssyncadd.s32 $0xFFFFC000  }
0x339: {  	[tilespmem:s19], [sflag:$0x5] =	stream.linear.gather [hbm4b:s2+s1], $0x400, $0x38;
	[tilespmem:$0x10800] =	vst v63  }
0x33a: {  	_ =	swait.ge [sflag:s5], $0x400  }
0x33b: {  	[sflag:s5] =	ssyncset.done $0x0  }
0x33c: {  	[sflag:s5] =	ssyncadd.s32 $0xFFFFFC00  }
0x33d: {  	[tilespmem:s10], [sflag:$0x2] =	stream.indirect.gather [hbm4b:s3+s19], $0x10, s19, s19, $0xb8;
	[tilespmem:$0x10800] =	vst v63  }
0x33e: {  	_ = 	snop  }
0x33f: {  	[tilespmem:s8], [sflag:$0x4] =	stream.indirect.gather [hbm4b:s4+s19], $0x10, s19, s19, $0xb8;
	[tilespmem:$0x10800] =	vst v63  }
0x340: {  	_ =	swait.ge [sflag:s21], $0x4000  }
0x341: {  	[sflag:s21] =	ssyncset.done $0x0  }
0x342: {  	[sflag:s21] =	ssyncadd.s32 $0xFFFFC000  }
0x343: {  	_ =	swait.ge [sflag:s20], $0x4000  }
0x344: {  	[sflag:s20] =	ssyncset.done $0x0  }
0x345: {  	s2 =	rddreg [dreg:$0x10];
	[sflag:s20] =	ssyncadd.s32 $0xFFFFC000  }
0x346: {  	[hbm4b:s2+s1] =	stream.linear.scatter [tilespmem:s15], [sflag:$0x5], $0x4000, $0x38;
	[tilespmem:$0x10800] =	vst v63  }
0x347: {  	_ =	swait.ge [sflag:s5], $0x4000  }
0x348: {  	[sflag:s5] =	ssyncset.done $0x0  }
0x349: {  	s2 =	rddreg [dreg:$0x11];
	[sflag:s5] =	ssyncadd.s32 $0xFFFFC000  }
0x34a: {  	[hbm4b:s2+s1] =	stream.linear.scatter [tilespmem:s12], [sflag:$0x5], $0x4000, $0x38;
	[tilespmem:$0x10800] =	vst v63  }
0x34b: {  	_ =	swait.ge [sflag:s5], $0x4000  }
0x34c: {  	[sflag:s5] =	ssyncset.done $0x0  }
0x34d: {  	s2 =	rddreg [dreg:$0x12];
	[sflag:s5] =	ssyncadd.s32 $0xFFFFC000  }
0x34e: {  	[tilespmem:s1], [sflag:$0x5] =	stream.linear.gather [hbm4b:s2+s1], $0x400, $0x38;
	[tilespmem:$0x10800] =	vst v63  }
0x34f: {  	_ =	swait.ge [sflag:s5], $0x400  }
0x350: {  	[sflag:s5] =	ssyncset.done $0x0  }
0x351: {  	[sflag:s5] =	ssyncadd.s32 $0xFFFFFC00  }
0x352: {  	[tilespmem:s15], [sflag:$0x1] =	stream.indirect.gather [hbm4b:s3+s19], $0x10, s1, s19, $0xb8;
	[tilespmem:$0x10800] =	vst v63  }
0x353: {  	_ = 	snop  }
0x354: {  	[tilespmem:s12], [sflag:$0x3] =	stream.indirect.gather [hbm4b:s4+s19], $0x10, s1, s19, $0xb8;
	[tilespmem:$0x10800] =	vst v63  }
0x355: {  	_ =	swait.ge [sflag:s14], $0x4000  }
0x356: {  	[sflag:s14] =	ssyncset.done $0x0  }
0x357: {  	[sflag:s14] =	ssyncadd.s32 $0xFFFFC000  }
0x358: {  	_ =	swait.ge [sflag:s13], $0x4000  }
0x359: {  	[sflag:s13] =	ssyncset.done $0x0  }
0x35a: {  	s2 =	rddreg [dreg:$0x13];
	[sflag:s13] =	ssyncadd.s32 $0xFFFFC000  }
0x35b: {  	[hbm4b:s2+s1] =	stream.linear.scatter [tilespmem:s10], [sflag:$0x5], $0x4000, $0x38;
	[tilespmem:$0x10800] =	vst v63  }
0x35c: {  	_ =	swait.ge [sflag:s5], $0x4000  }
0x35d: {  	[sflag:s5] =	ssyncset.done $0x0  }
0x35e: {  	s2 =	rddreg [dreg:$0x14];
	[sflag:s5] =	ssyncadd.s32 $0xFFFFC000  }
0x35f: {  	[hbm4b:s2+s1] =	stream.linear.scatter [tilespmem:s8], [sflag:$0x5], $0x4000, $0x38;
	[tilespmem:$0x10800] =	vst v63  }
0x360: {  	_ =	swait.ge [sflag:s5], $0x4000  }
0x361: {  	[sflag:s5] =	ssyncset.done $0x0  }
0x362: {  	s2 =	rddreg [dreg:$0x15];
	[sflag:s5] =	ssyncadd.s32 $0xFFFFC000  }
0x363: {  	[tilespmem:s19], [sflag:$0x5] =	stream.linear.gather [hbm4b:s2+s1], $0x400, $0x38;
	[tilespmem:$0x10800] =	vst v63  }
0x364: {  	_ =	swait.ge [sflag:s5], $0x400  }
0x365: {  	[sflag:s5] =	ssyncset.done $0x0  }
0x366: {  	[sflag:s5] =	ssyncadd.s32 $0xFFFFFC00  }
0x367: {  	[tilespmem:s10], [sflag:$0x2] =	stream.indirect.gather [hbm4b:s3+s19], $0x10, s19, s19, $0xb8;
	[tilespmem:$0x10800] =	vst v63  }
0x368: {  	_ = 	snop  }
0x369: {  	[tilespmem:s8], [sflag:$0x4] =	stream.indirect.gather [hbm4b:s4+s19], $0x10, s19, s19, $0xb8;
	[tilespmem:$0x10800] =	vst v63  }
0x36a: {  	_ =	swait.ge [sflag:s21], $0x4000  }
0x36b: {  	[sflag:s21] =	ssyncset.done $0x0  }
0x36c: {  	[sflag:s21] =	ssyncadd.s32 $0xFFFFC000  }
0x36d: {  	_ =	swait.ge [sflag:s20], $0x4000  }
0x36e: {  	[sflag:s20] =	ssyncset.done $0x0  }
0x36f: {  	s2 =	rddreg [dreg:$0x16];
	[sflag:s20] =	ssyncadd.s32 $0xFFFFC000  }
0x370: {  	[hbm4b:s2+s1] =	stream.linear.scatter [tilespmem:s15], [sflag:$0x5], $0x4000, $0x38;
	[tilespmem:$0x10800] =	vst v63  }
0x371: {  	_ =	swait.ge [sflag:s5], $0x4000  }
0x372: {  	[sflag:s5] =	ssyncset.done $0x0  }
0x373: {  	s2 =	rddreg [dreg:$0x17];
	[sflag:s5] =	ssyncadd.s32 $0xFFFFC000  }
0x374: {  	[hbm4b:s2+s1] =	stream.linear.scatter [tilespmem:s12], [sflag:$0x5], $0x4000, $0x38;
	[tilespmem:$0x10800] =	vst v63  }
0x375: {  	_ =	swait.ge [sflag:s5], $0x4000  }
0x376: {  	[sflag:s5] =	ssyncset.done $0x0  }
0x377: {  	s2 =	rddreg [dreg:$0x18];
	[sflag:s5] =	ssyncadd.s32 $0xFFFFC000  }
0x378: {  	[tilespmem:s1], [sflag:$0x5] =	stream.linear.gather [hbm4b:s2+s1], $0x400, $0x38;
	[tilespmem:$0x10800] =	vst v63  }
0x379: {  	_ =	swait.ge [sflag:s5], $0x400  }
0x37a: {  	[sflag:s5] =	ssyncset.done $0x0  }
0x37b: {  	[sflag:s5] =	ssyncadd.s32 $0xFFFFFC00  }
0x37c: {  	[tilespmem:s15], [sflag:$0x1] =	stream.indirect.gather [hbm4b:s3+s19], $0x10, s1, s19, $0xb8;
	[tilespmem:$0x10800] =	vst v63  }
0x37d: {  	_ = 	snop  }
0x37e: {  	[tilespmem:s12], [sflag:$0x3] =	stream.indirect.gather [hbm4b:s4+s19], $0x10, s1, s19, $0xb8;
	[tilespmem:$0x10800] =	vst v63  }
0x37f: {  	_ =	swait.ge [sflag:s14], $0x4000  }
0x380: {  	[sflag:s14] =	ssyncset.done $0x0  }
0x381: {  	[sflag:s14] =	ssyncadd.s32 $0xFFFFC000  }
0x382: {  	_ =	swait.ge [sflag:s13], $0x4000  }
0x383: {  	[sflag:s13] =	ssyncset.done $0x0  }
0x384: {  	s2 =	rddreg [dreg:$0x19];
	[sflag:s13] =	ssyncadd.s32 $0xFFFFC000  }
0x385: {  	[hbm4b:s2+s1] =	stream.linear.scatter [tilespmem:s10], [sflag:$0x5], $0x4000, $0x38;
	[tilespmem:$0x10800] =	vst v63  }
0x386: {  	_ =	swait.ge [sflag:s5], $0x4000  }
0x387: {  	[sflag:s5] =	ssyncset.done $0x0  }
0x388: {  	s2 =	rddreg [dreg:$0x1a];
	[sflag:s5] =	ssyncadd.s32 $0xFFFFC000  }
0x389: {  	[hbm4b:s2+s1] =	stream.linear.scatter [tilespmem:s8], [sflag:$0x5], $0x4000, $0x38;
	[tilespmem:$0x10800] =	vst v63  }
0x38a: {  	_ =	swait.ge [sflag:s5], $0x4000  }
0x38b: {  	[sflag:s5] =	ssyncset.done $0x0  }
0x38c: {  	s2 =	rddreg [dreg:$0x1b];
	[sflag:s5] =	ssyncadd.s32 $0xFFFFC000  }
0x38d: {  	[tilespmem:s19], [sflag:$0x5] =	stream.linear.gather [hbm4b:s2+s1], $0x400, $0x38;
	[tilespmem:$0x10800] =	vst v63  }
0x38e: {  	_ =	swait.ge [sflag:s5], $0x400  }
0x38f: {  	[sflag:s5] =	ssyncset.done $0x0  }
0x390: {  	[sflag:s5] =	ssyncadd.s32 $0xFFFFFC00  }
0x391: {  	[tilespmem:s10], [sflag:$0x2] =	stream.indirect.gather [hbm4b:s3+s19], $0x10, s19, s19, $0xb8;
	[tilespmem:$0x10800] =	vst v63  }
0x392: {  	_ = 	snop  }
0x393: {  	[tilespmem:s8], [sflag:$0x4] =	stream.indirect.gather [hbm4b:s4+s19], $0x10, s19, s19, $0xb8;
	[tilespmem:$0x10800] =	vst v63  }
0x394: {  	_ =	swait.ge [sflag:s21], $0x4000  }
0x395: {  	[sflag:s21] =	ssyncset.done $0x0  }
0x396: {  	[sflag:s21] =	ssyncadd.s32 $0xFFFFC000  }
0x397: {  	_ =	swait.ge [sflag:s20], $0x4000  }
0x398: {  	[sflag:s20] =	ssyncset.done $0x0  }
0x399: {  	s2 =	rddreg [dreg:$0x1c];
	[sflag:s20] =	ssyncadd.s32 $0xFFFFC000  }
0x39a: {  	[hbm4b:s2+s1] =	stream.linear.scatter [tilespmem:s15], [sflag:$0x5], $0x4000, $0x38;
	[tilespmem:$0x10800] =	vst v63  }
0x39b: {  	_ =	swait.ge [sflag:s5], $0x4000  }
0x39c: {  	[sflag:s5] =	ssyncset.done $0x0  }
0x39d: {  	s2 =	rddreg [dreg:$0x1d];
	[sflag:s5] =	ssyncadd.s32 $0xFFFFC000  }
0x39e: {  	[hbm4b:s2+s1] =	stream.linear.scatter [tilespmem:s12], [sflag:$0x5], $0x4000, $0x38;
	[tilespmem:$0x10800] =	vst v63  }
0x39f: {  	_ =	swait.ge [sflag:s5], $0x4000  }
0x3a0: {  	[sflag:s5] =	ssyncset.done $0x0  }
0x3a1: {  	s2 =	rddreg [dreg:$0x1e];
	[sflag:s5] =	ssyncadd.s32 $0xFFFFC000  }
0x3a2: {  	[tilespmem:s1], [sflag:$0x5] =	stream.linear.gather [hbm4b:s2+s1], $0x400, $0x38;
	[tilespmem:$0x10800] =	vst v63  }
0x3a3: {  	_ =	swait.ge [sflag:s5], $0x400  }
0x3a4: {  	[sflag:s5] =	ssyncset.done $0x0  }
0x3a5: {  	[sflag:s5] =	ssyncadd.s32 $0xFFFFFC00  }
0x3a6: {  	[tilespmem:s15], [sflag:$0x1] =	stream.indirect.gather [hbm4b:s3+s19], $0x10, s1, s19, $0xb8;
	[tilespmem:$0x10800] =	vst v63  }
0x3a7: {  	_ = 	snop  }
0x3a8: {  	[tilespmem:s12], [sflag:$0x3] =	stream.indirect.gather [hbm4b:s4+s19], $0x10, s1, s19, $0xb8;
	[tilespmem:$0x10800] =	vst v63  }
0x3a9: {  	_ =	swait.ge [sflag:s14], $0x4000  }
0x3aa: {  	[sflag:s14] =	ssyncset.done $0x0  }
0x3ab: {  	[sflag:s14] =	ssyncadd.s32 $0xFFFFC000  }
0x3ac: {  	_ =	swait.ge [sflag:s13], $0x4000  }
0x3ad: {  	[sflag:s13] =	ssyncset.done $0x0  }
0x3ae: {  	s2 =	rddreg [dreg:$0x1f];
	[sflag:s13] =	ssyncadd.s32 $0xFFFFC000  }
0x3af: {  	[hbm4b:s2+s1] =	stream.linear.scatter [tilespmem:s10], [sflag:$0x5], $0x4000, $0x38;
	[tilespmem:$0x10800] =	vst v63  }
0x3b0: {  	_ =	swait.ge [sflag:s5], $0x4000  }
0x3b1: {  	s2 =	sld [smem:$0x7FC]  }
0x3b2: {  	[sflag:s5] =	ssyncset.done $0x0  }
0x3b3: {  	[sflag:s5] =	ssyncadd.s32 $0xFFFFC000  }
0x3b4: {  	[hbm4b:s2+s1] =	stream.linear.scatter [tilespmem:s8], [sflag:$0x5], $0x4000, $0x38;
	[tilespmem:$0x10800] =	vst v63  }
0x3b5: {  	_ =	swait.ge [sflag:s5], $0x4000  }
0x3b6: {  	s2 =	sld [smem:$0x7FD]  }
0x3b7: {  	[sflag:s5] =	ssyncset.done $0x0  }
0x3b8: {  	[sflag:s5] =	ssyncadd.s32 $0xFFFFC000  }
0x3b9: {  	[tilespmem:s19], [sflag:$0x5] =	stream.linear.gather [hbm4b:s2+s1], $0x400, $0x38;
	[tilespmem:$0x10800] =	vst v63  }
0x3ba: {  	_ =	swait.ge [sflag:s5], $0x400  }
0x3bb: {  	[sflag:s5] =	ssyncset.done $0x0  }
0x3bc: {  	[sflag:s5] =	ssyncadd.s32 $0xFFFFFC00  }
0x3bd: {  	[tilespmem:s10], [sflag:$0x2] =	stream.indirect.gather [hbm4b:s3+s19], $0x10, s19, s19, $0xb8;
	[tilespmem:$0x10800] =	vst v63  }
0x3be: {  	_ = 	snop  }
0x3bf: {  	[tilespmem:s8], [sflag:$0x4] =	stream.indirect.gather [hbm4b:s4+s19], $0x10, s19, s19, $0xb8;
	[tilespmem:$0x10800] =	vst v63  }
0x3c0: {  	_ =	swait.ge [sflag:s21], $0x4000  }
0x3c1: {  	[sflag:s21] =	ssyncset.done $0x0  }
0x3c2: {  	[sflag:s21] =	ssyncadd.s32 $0xFFFFC000  }
0x3c3: {  	_ =	swait.ge [sflag:s20], $0x4000  }
0x3c4: {  	[sflag:s20] =	ssyncset.done $0x0  }
0x3c5: {  	[sflag:s20] =	ssyncadd.s32 $0xFFFFC000  }
0x3c6: {  	[hbm4b:s31+s1] =	stream.linear.scatter [tilespmem:s15], [sflag:$0x5], $0x4000, $0x38;
	[tilespmem:$0x10800] =	vst v63  }
0x3c7: {  	_ =	swait.ge [sflag:s5], $0x4000  }
0x3c8: {  	[sflag:s5] =	ssyncset.done $0x0  }
0x3c9: {  	[sflag:s5] =	ssyncadd.s32 $0xFFFFC000  }
0x3ca: {  	[hbm4b:s30+s1] =	stream.linear.scatter [tilespmem:s12], [sflag:$0x5], $0x4000, $0x38;
	[tilespmem:$0x10800] =	vst v63  }
0x3cb: {  	_ =	swait.ge [sflag:s5], $0x4000  }
0x3cc: {  	[sflag:s5] =	ssyncset.done $0x0  }
0x3cd: {  	[sflag:s5] =	ssyncadd.s32 $0xFFFFC000  }
0x3ce: {  	[tilespmem:s1], [sflag:$0x5] =	stream.linear.gather [hbm4b:s29+s1], $0x400, $0x38;
	[tilespmem:$0x10800] =	vst v63  }
0x3cf: {  	_ =	swait.ge [sflag:s5], $0x400  }
0x3d0: {  	[sflag:s5] =	ssyncset.done $0x0  }
0x3d1: {  	[sflag:s5] =	ssyncadd.s32 $0xFFFFFC00  }
0x3d2: {  	[tilespmem:s15], [sflag:$0x1] =	stream.indirect.gather [hbm4b:s3+s19], $0x10, s1, s19, $0xb8;
	[tilespmem:$0x10800] =	vst v63  }
0x3d3: {  	_ = 	snop  }
0x3d4: {  	[tilespmem:s12], [sflag:$0x3] =	stream.indirect.gather [hbm4b:s4+s19], $0x10, s1, s19, $0xb8;
	[tilespmem:$0x10800] =	vst v63  }
0x3d5: {  	_ =	swait.ge [sflag:s14], $0x4000  }
0x3d6: {  	[sflag:s14] =	ssyncset.done $0x0  }
0x3d7: {  	[sflag:s14] =	ssyncadd.s32 $0xFFFFC000  }
0x3d8: {  	_ =	swait.ge [sflag:s13], $0x4000  }
0x3d9: {  	[sflag:s13] =	ssyncset.done $0x0  }
0x3da: {  	[sflag:s13] =	ssyncadd.s32 $0xFFFFC000  }
0x3db: {  	[hbm4b:s28+s1] =	stream.linear.scatter [tilespmem:s10], [sflag:$0x5], $0x4000, $0x38;
	[tilespmem:$0x10800] =	vst v63  }
0x3dc: {  	_ =	swait.ge [sflag:s5], $0x4000  }
0x3dd: {  	[sflag:s5] =	ssyncset.done $0x0  }
0x3de: {  	[sflag:s5] =	ssyncadd.s32 $0xFFFFC000  }
0x3df: {  	[hbm4b:s26+s1] =	stream.linear.scatter [tilespmem:s8], [sflag:$0x5], $0x4000, $0x38;
	[tilespmem:$0x10800] =	vst v63  }
0x3e0: {  	_ =	swait.ge [sflag:s5], $0x4000  }
0x3e1: {  	[sflag:s5] =	ssyncset.done $0x0  }
0x3e2: {  	[sflag:s5] =	ssyncadd.s32 $0xFFFFC000  }
0x3e3: {  	[tilespmem:s19], [sflag:$0x5] =	stream.linear.gather [hbm4b:s25+s1], $0x400, $0x38;
	[tilespmem:$0x10800] =	vst v63  }
0x3e4: {  	_ =	swait.ge [sflag:s5], $0x400  }
0x3e5: {  	[sflag:s5] =	ssyncset.done $0x0  }
0x3e6: {  	[sflag:s5] =	ssyncadd.s32 $0xFFFFFC00  }
0x3e7: {  	[tilespmem:s10], [sflag:$0x2] =	stream.indirect.gather [hbm4b:s3+s19], $0x10, s19, s19, $0xb8;
	[tilespmem:$0x10800] =	vst v63  }
0x3e8: {  	_ = 	snop  }
0x3e9: {  	[tilespmem:s8], [sflag:$0x4] =	stream.indirect.gather [hbm4b:s4+s19], $0x10, s19, s19, $0xb8;
	[tilespmem:$0x10800] =	vst v63  }
0x3ea: {  	_ =	swait.ge [sflag:s21], $0x4000  }
0x3eb: {  	[sflag:s21] =	ssyncset.done $0x0  }
0x3ec: {  	[sflag:s21] =	ssyncadd.s32 $0xFFFFC000  }
0x3ed: {  	_ =	swait.ge [sflag:s20], $0x4000  }
0x3ee: {  	[sflag:s20] =	ssyncset.done $0x0  }
0x3ef: {  	[sflag:s20] =	ssyncadd.s32 $0xFFFFC000  }
0x3f0: {  	[hbm4b:s24+s1] =	stream.linear.scatter [tilespmem:s15], [sflag:$0x5], $0x4000, $0x38;
	[tilespmem:$0x10800] =	vst v63  }
0x3f1: {  	_ =	swait.ge [sflag:s5], $0x4000  }
0x3f2: {  	[sflag:s5] =	ssyncset.done $0x0  }
0x3f3: {  	[sflag:s5] =	ssyncadd.s32 $0xFFFFC000  }
0x3f4: {  	[hbm4b:s23+s1] =	stream.linear.scatter [tilespmem:s12], [sflag:$0x5], $0x4000, $0x38;
	[tilespmem:$0x10800] =	vst v63  }
0x3f5: {  	_ =	swait.ge [sflag:s5], $0x4000  }
0x3f6: {  	[sflag:s5] =	ssyncset.done $0x0  }
0x3f7: {  	[sflag:s5] =	ssyncadd.s32 $0xFFFFC000  }
0x3f8: {  	[tilespmem:s1], [sflag:$0x5] =	stream.linear.gather [hbm4b:s22+s1], $0x400, $0x38;
	[tilespmem:$0x10800] =	vst v63  }
0x3f9: {  	_ =	swait.ge [sflag:s5], $0x400  }
0x3fa: {  	[sflag:s5] =	ssyncset.done $0x0  }
0x3fb: {  	[sflag:s5] =	ssyncadd.s32 $0xFFFFFC00  }
0x3fc: {  	[tilespmem:s15], [sflag:$0x1] =	stream.indirect.gather [hbm4b:s3+s19], $0x10, s1, s19, $0xb8;
	[tilespmem:$0x10800] =	vst v63  }
0x3fd: {  	_ = 	snop  }
0x3fe: {  	[tilespmem:s12], [sflag:$0x3] =	stream.indirect.gather [hbm4b:s4+s19], $0x10, s1, s19, $0xb8;
	[tilespmem:$0x10800] =	vst v63  }
0x3ff: {  	_ =	swait.ge [sflag:s14], $0x4000  }
0x400: {  	[sflag:s14] =	ssyncset.done $0x0  }
0x401: {  	[sflag:s14] =	ssyncadd.s32 $0xFFFFC000  }
0x402: {  	_ =	swait.ge [sflag:s13], $0x4000  }
0x403: {  	[sflag:s13] =	ssyncset.done $0x0  }
0x404: {  	[sflag:s13] =	ssyncadd.s32 $0xFFFFC000  }
0x405: {  	[hbm4b:s18+s1] =	stream.linear.scatter [tilespmem:s10], [sflag:$0x5], $0x4000, $0x38;
	[tilespmem:$0x10800] =	vst v63  }
0x406: {  	_ =	swait.ge [sflag:s5], $0x4000  }
0x407: {  	[sflag:s5] =	ssyncset.done $0x0  }
0x408: {  	[sflag:s5] =	ssyncadd.s32 $0xFFFFC000  }
0x409: {  	[hbm4b:s17+s1] =	stream.linear.scatter [tilespmem:s8], [sflag:$0x5], $0x4000, $0x38;
	[tilespmem:$0x10800] =	vst v63  }
0x40a: {  	_ =	swait.ge [sflag:s5], $0x4000  }
0x40b: {  	[sflag:s5] =	ssyncset.done $0x0  }
0x40c: {  	[sflag:s5] =	ssyncadd.s32 $0xFFFFC000  }
0x40d: {  	[tilespmem:s19], [sflag:$0x5] =	stream.linear.gather [hbm4b:s16+s1], $0x400, $0x38;
	[tilespmem:$0x10800] =	vst v63  }
0x40e: {  	_ =	swait.ge [sflag:s5], $0x400  }
0x40f: {  	[sflag:s5] =	ssyncset.done $0x0  }
0x410: {  	[sflag:s5] =	ssyncadd.s32 $0xFFFFFC00  }
0x411: {  	[tilespmem:s10], [sflag:$0x2] =	stream.indirect.gather [hbm4b:s3+s19], $0x10, s19, s19, $0xb8;
	[tilespmem:$0x10800] =	vst v63  }
0x412: {  	_ = 	snop  }
0x413: {  	[tilespmem:s8], [sflag:$0x4] =	stream.indirect.gather [hbm4b:s4+s19], $0x10, s19, s19, $0xb8;
	[tilespmem:$0x10800] =	vst v63  }
0x414: {  	_ =	swait.ge [sflag:s21], $0x4000  }
0x415: {  	[sflag:s21] =	ssyncset.done $0x0  }
0x416: {  	[sflag:s21] =	ssyncadd.s32 $0xFFFFC000  }
0x417: {  	_ =	swait.ge [sflag:s20], $0x4000  }
0x418: {  	[sflag:s20] =	ssyncset.done $0x0  }
0x419: {  	[sflag:s20] =	ssyncadd.s32 $0xFFFFC000  }
0x41a: {  	[hbm4b:s11+s1] =	stream.linear.scatter [tilespmem:s15], [sflag:$0x5], $0x4000, $0x38;
	[tilespmem:$0x10800] =	vst v63  }
0x41b: {  	_ =	swait.ge [sflag:s5], $0x4000  }
0x41c: {  	[sflag:s5] =	ssyncset.done $0x0  }
0x41d: {  	[sflag:s5] =	ssyncadd.s32 $0xFFFFC000  }
0x41e: {  	[hbm4b:s9+s1] =	stream.linear.scatter [tilespmem:s12], [sflag:$0x5], $0x4000, $0x38;
	[tilespmem:$0x10800] =	vst v63  }
0x41f: {  	_ =	swait.ge [sflag:s5], $0x4000  }
0x420: {  	[sflag:s5] =	ssyncset.done $0x0  }
0x421: {  	[sflag:s5] =	ssyncadd.s32 $0xFFFFC000  }
0x422: {  	_ =	swait.ge [sflag:s14], $0x4000  }
0x423: {  	[sflag:s14] =	ssyncset.done $0x0  }
0x424: {  	[sflag:s14] =	ssyncadd.s32 $0xFFFFC000  }
0x425: {  	_ =	swait.ge [sflag:s13], $0x4000  }
0x426: {  	[sflag:s13] =	ssyncset.done $0x0  }
0x427: {  	[sflag:s13] =	ssyncadd.s32 $0xFFFFC000  }
0x428: {  	[hbm4b:s7+s1] =	stream.linear.scatter [tilespmem:s10], [sflag:$0x5], $0x4000, $0x38;
	[tilespmem:$0x10800] =	vst v63  }
0x429: {  	_ =	swait.ge [sflag:s5], $0x4000  }
0x42a: {  	[sflag:s5] =	ssyncset.done $0x0  }
0x42b: {  	[sflag:s5] =	ssyncadd.s32 $0xFFFFC000  }
0x42c: {  	[hbm4b:s6+s1] =	stream.linear.scatter [tilespmem:s8], [sflag:$0x5], $0x4000, $0x38;
	[tilespmem:$0x10800] =	vst v63  }
0x42d: {  	_ =	swait.ge [sflag:s5], $0x4000  }
0x42e: {  	[sflag:s5] =	ssyncset.done $0x0  }
0x42f: {  	[sflag:s5] =	ssyncadd.s32 $0xFFFFC000  }
0x430: {  	_ =	sfence.sel $0x180000  }
0x431: {  	[bflag:$0x0] =	sbarrier.arrive $0xFFFF  }
0x432: {  	_ =	strace $0x90000047  }
0x433: {  	s31 =	stileid.u32;
	[bflag:$0x2] =	sbarrier.arrive $0xFFFF  }
0x434: {  	p0 =	sne.s32 s31, $0x0;
	s0 =	rddreg [dreg:$0x1]  }
0x435: {  	s0 =	sadd.s32 @!p0 $0x100000, s0  }
0x436: {  	[sflag:s0] =	ssyncadd.tile.s32 @!p0 $0x1;
	_ =	shalt  }
.Lfunc_end2:
_tile_overlayer_lowered:
.L_overlay_start_2:
0x437: {  	(tag) =	ssettag $0x2  }
0x438: {  	s0 =	rddreg [dreg:$0x0];
	s2 =	stileid.u32  }
0x439: {  	s1 =	rddreg [dreg:$0x1];
	p0 =	sne.s32 s2, $0x0  }
0x43a: {  	s3 =	rddreg [dreg:$0x2];
	[bflag:$0x3] =	sbarrier.arrive $0xFFFF;
	s2 =	simm.s32 @!p0 $0x1C05  }
0x43b: {  	[timem:s3], [sflag:s2] =	dma.local @!p0 [hbm:s0], s1  }
0x43c: {  	s0 =	simm.s32 @!p0 $0x5  }
0x43d: {  	_ =	swait.ge @!p0 [sflag:s0], s1  }
0x43e: {  	s1 =	ssub.s32 @!p0 $0x0, s1;
	[sflag:s0] =	ssyncset.done @!p0 $0x0  }
0x43f: {  	[sflag:s0] =	ssyncadd.s32 @!p0 s1  }
0x440: {  	[bflag:$0x3] =	sbarrier.arrive $0xFFFF  }
0x441: {  	_ =	shalt  }

</sc_bundles>
